<compile_context>
chip_gen: v7x
topology: tpu7x:2x2x1
jax: 0.10.2.dev20260603
libtpu: 0.0.44.dev20260713+nightly
codegen_flags: <defaults>
</compile_context>

<pallas_src>
import functools
import jax
import jax.numpy as jnp
from jax import lax
from jax.experimental import pallas as pl
from jax.experimental.pallas import tpu as pltpu
from jax.experimental.pallas import tpu_sc as plsc

F32 = jnp.float32

_NC = 2
_NS = 16
_NW = _NC * _NS
_L = 16
_K = 64


def _pre_body(x_ref, posp_ref, We_ref, be_ref, W1_ref, W2_ref, W3p_ref,
              bm_ref, h_ref, c_ref, d_ref):
    x = x_ref[...]
    h = jnp.dot(x, We_ref[...], preferred_element_type=F32) + be_ref[...]
    h_ref[...] = h
    p3 = jnp.dot(posp_ref[...], W3p_ref[...], preferred_element_type=F32)
    c_ref[...] = jnp.dot(h, W1_ref[...], preferred_element_type=F32) + p3 + bm_ref[...]
    d_ref[...] = jnp.dot(h, W2_ref[...], preferred_element_type=F32) - p3


def _pre_stage(x, pos_p, W_embed, b_embed, W1, W2, W3p, b_msg, block):
    n, din = x.shape
    dim = W1.shape[1]
    grid = (n // block,)
    row_spec = pl.BlockSpec((block, din), lambda i: (i, 0))
    out_spec = pl.BlockSpec((block, dim), lambda i: (i, 0))
    full = lambda s: pl.BlockSpec(s, lambda i: (0, 0))
    return pl.pallas_call(
        _pre_body,
        grid=grid,
        in_specs=[
            row_spec,
            pl.BlockSpec((block, 8), lambda i: (i, 0)),
            full((din, dim)),
            full((1, dim)),
            full((dim, dim)),
            full((dim, dim)),
            full((8, dim)),
            full((1, dim)),
        ],
        out_specs=[out_spec, out_spec, out_spec],
        out_shape=[jax.ShapeDtypeStruct((n, dim), F32)] * 3,
    )(x, pos_p, W_embed, b_embed, W1, W2, W3p, b_msg)


def _gelu16(v):
    v2 = v * v
    m = v * (F32(-1.5957691216057308) + F32(-0.07135481283255936) * v2)
    return v / (F32(1.0) + jnp.exp(m))


def _rsqrt16(x, iters=3):
    i = plsc.bitcast(x, jnp.int32)
    y = plsc.bitcast(jnp.int32(0x5F3759DF) - lax.shift_right_logical(i, 1), F32)
    for _ in range(iters):
        y = y * (F32(1.5) - F32(0.5) * x * y * y)
    return y


def _edge_kernel_body(ept, n_pad, dim, c_hbm, d_hbm, row_hbm, col_hbm,
                      zrows_hbm, zcnt_hbm, sum_out, cnt_out,
                      rowi0, coli0, cbuf0, dbuf0, rowi1, coli1, cbuf1, dbuf1,
                      ones_v, accum_sh, cnt_sh,
                      semc0, semd0, sems0, semo0, semc1, semd1, sems1, semo1,
                      semr, semi):
    cid = lax.axis_index("c")
    sid = lax.axis_index("s")
    wid = sid * _NC + cid
    nj = dim // _L

    zr = n_pad // _NS
    r0 = sid * zr
    pltpu.sync_copy(zrows_hbm.at[pl.ds(r0, zr)], accum_sh.at[pl.ds(r0, zr)])
    pltpu.sync_copy(zcnt_hbm.at[pl.ds(r0, zr)], cnt_sh.at[pl.ds(r0, zr)])

    lane0 = jnp.where(lax.iota(jnp.int32, _L) < 1, F32(1.0), F32(0.0))

    def _init_ones(k, carry):
        ones_v[k] = lane0
        return carry

    lax.fori_loop(0, _K, _init_ones, 0)
    plsc.subcore_barrier()

    def _edge(cbuf, dbuf, k):
        g = []
        s1 = None
        s2 = None
        for j in range(nj):
            gj = _gelu16(cbuf[k, pl.ds(j * _L, _L)] + dbuf[k, pl.ds(j * _L, _L)])
            g.append(gj)
            s1 = gj if s1 is None else s1 + gj
            s2 = gj * gj if s2 is None else s2 + gj * gj
        tot1 = jnp.sum(s1)
        tot2 = jnp.sum(s2)
        mu = tot1 * F32(1.0 / dim)
        var = tot2 * F32(1.0 / dim) - mu * mu
        muv = jnp.full((_L,), mu, F32)
        rv = _rsqrt16(jnp.full((_L,), var, F32) + F32(1e-5), iters=2)
        for j in range(nj):
            dbuf[k, pl.ds(j * _L, _L)] = (g[j] - muv) * rv

    base = wid * ept
    npair = ept // (2 * _K)

    def _issue(e0, rowi, coli, cbuf, dbuf, semc, semd):
        cpr = pltpu.async_copy(row_hbm.at[pl.ds(e0, _K)], rowi, semr)
        cpc = pltpu.async_copy(col_hbm.at[pl.ds(e0, _K)], coli, semi)
        cpr.wait()
        cpc.wait()
        pltpu.async_copy(c_hbm.at[rowi], cbuf, semc)
        pltpu.async_copy(d_hbm.at[coli], dbuf, semd)

    def _wait_gather(rowi, coli, cbuf, dbuf, semc, semd):
        pltpu.make_async_copy(c_hbm.at[rowi], cbuf, semc).wait()
        pltpu.make_async_copy(d_hbm.at[coli], dbuf, semd).wait()

    def _scatter(coli, dbuf, sems, semo):
        pltpu.async_copy(dbuf, accum_sh.at[coli], sems, add=True)
        pltpu.async_copy(ones_v, cnt_sh.at[coli], semo, add=True)

    def _wait_scatter(coli, dbuf, sems, semo):
        pltpu.make_async_copy(dbuf, accum_sh.at[coli], sems).wait()
        pltpu.make_async_copy(ones_v, cnt_sh.at[coli], semo).wait()

    def _compute(cbuf, dbuf):
        plsc.parallel_loop(0, _K, unroll=2)(
            functools.partial(_edge, cbuf, dbuf))

    _issue(base, rowi0, coli0, cbuf0, dbuf0, semc0, semd0)

    def _pair(s, carry):
        t0 = 2 * s

        @pl.when(s > 0)
        def _():
            _wait_scatter(coli1, dbuf1, sems1, semo1)

        _issue(base + (t0 + 1) * _K, rowi1, coli1, cbuf1, dbuf1, semc1, semd1)
        _wait_gather(rowi0, coli0, cbuf0, dbuf0, semc0, semd0)
        _compute(cbuf0, dbuf0)
        _scatter(coli0, dbuf0, sems0, semo0)

        @pl.when(s < npair - 1)
        def _():
            _wait_scatter(coli0, dbuf0, sems0, semo0)
            _issue(base + (t0 + 2) * _K, rowi0, coli0, cbuf0, dbuf0,
                   semc0, semd0)

        _wait_gather(rowi1, coli1, cbuf1, dbuf1, semc1, semd1)
        _compute(cbuf1, dbuf1)
        _scatter(coli1, dbuf1, sems1, semo1)
        return carry

    lax.fori_loop(0, npair, _pair, 0)
    _wait_scatter(coli0, dbuf0, sems0, semo0)
    _wait_scatter(coli1, dbuf1, sems1, semo1)
    plsc.subcore_barrier()

    pltpu.sync_copy(accum_sh.at[pl.ds(r0, zr)], sum_out.at[cid, pl.ds(r0, zr)])
    pltpu.sync_copy(cnt_sh.at[pl.ds(r0, zr)], cnt_out.at[cid, pl.ds(r0, zr)])


def _edge_stage(c, d, row, col, n, dim, e):
    n_pad = -(-n // (_NS * 8)) * (_NS * 8)
    ept = e // _NW
    ept_pad = -(-ept // (2 * _K)) * (2 * _K)
    if ept_pad != ept:
        row = jnp.pad(row.reshape(_NW, ept), ((0, 0), (0, ept_pad - ept)),
                      constant_values=n).reshape(-1)
        col = jnp.pad(col.reshape(_NW, ept), ((0, 0), (0, ept_pad - ept)),
                      constant_values=n).reshape(-1)
    c = jnp.pad(c, ((0, n_pad - n), (0, 0)))
    d = jnp.pad(d, ((0, n_pad - n), (0, 0)))
    mesh = plsc.VectorSubcoreMesh(core_axis_name="c", subcore_axis_name="s")
    zrows = jnp.zeros((n_pad, dim), F32)
    zcnt = jnp.zeros((n_pad, _L), F32)
    body = functools.partial(_edge_kernel_body, ept_pad, n_pad, dim)
    fn = pl.kernel(
        body,
        out_type=(
            jax.ShapeDtypeStruct((_NC, n_pad, dim), F32),
            jax.ShapeDtypeStruct((_NC, n_pad, _L), F32),
        ),
        mesh=mesh,
        scratch_types=(
            [pltpu.VMEM((_K,), jnp.int32),
             pltpu.VMEM((_K,), jnp.int32),
             pltpu.VMEM((_K, dim), F32),
             pltpu.VMEM((_K, dim), F32)] * 2
            + [pltpu.VMEM((_K, _L), F32),
               pltpu.VMEM_SHARED((n_pad, dim), F32),
               pltpu.VMEM_SHARED((n_pad, _L), F32)]
            + [pltpu.SemaphoreType.DMA] * 10
        ),
        compiler_params=pltpu.CompilerParams(needs_layout_passes=False,
                                             use_tc_tiling_on_sc=False),
    )
    psums, pcnts = fn(c, d, row, col, zrows, zcnt)
    return psums[:, :n], pcnts[:, :n]


def _post_body(h_ref, ps_ref, pc_ref, gm_ref, bem_ref, Wu1_ref, Wu2_ref,
               bu_ref, gu_ref, beu_ref, out_ref):
    h = h_ref[...]
    s = ps_ref[0] + ps_ref[1]
    cnt = jnp.sum(pc_ref[0] + pc_ref[1], axis=1, keepdims=True)
    mean = (gm_ref[...] * s + bem_ref[...] * cnt) / jnp.clip(cnt, 1.0, None)
    u = (jnp.dot(h, Wu1_ref[...], preferred_element_type=F32)
         + jnp.dot(mean, Wu2_ref[...], preferred_element_type=F32)
         + bu_ref[...])
    mu = jnp.mean(u, axis=-1, keepdims=True)
    var = jnp.mean(u * u, axis=-1, keepdims=True) - mu * mu
    upd = (u - mu) * lax.rsqrt(var + F32(1e-5)) * gu_ref[...] + beu_ref[...]
    out_ref[...] = h + upd


def _post_stage(h, psums, pcnts, g_msg, be_msg, Wu1, Wu2, b_upd, g_upd,
                be_upd, block):
    n, dim = h.shape
    grid = (n // block,)
    row_spec = pl.BlockSpec((block, dim), lambda i: (i, 0))
    full = lambda s: pl.BlockSpec(s, lambda i: (0,) * len(s))
    return pl.pallas_call(
        _post_body,
        grid=grid,
        in_specs=[
            row_spec,
            pl.BlockSpec((_NC, block, dim), lambda i: (0, i, 0)),
            pl.BlockSpec((_NC, block, _L), lambda i: (0, i, 0)),
            full((1, dim)),
            full((1, dim)),
            full((dim, dim)),
            full((dim, dim)),
            full((1, dim)),
            full((1, dim)),
            full((1, dim)),
        ],
        out_specs=row_spec,
        out_shape=jax.ShapeDtypeStruct((n, dim), F32),
    )(h, psums, pcnts, g_msg, be_msg, Wu1, Wu2, b_upd, g_upd, be_upd)


def kernel(x, pos, edge_index, W_embed, b_embed, W_msg, b_msg, g_msg, be_msg,
           W_upd, b_upd, g_upd, be_upd):
    n, din = x.shape
    dim = W_embed.shape[1]
    e = edge_index.shape[1]

    W1 = W_msg[:dim]
    W2 = W_msg[dim:2 * dim]
    W3p = jnp.zeros((8, dim), F32).at[:pos.shape[1]].set(W_msg[2 * dim:])
    pos_p = jnp.zeros((n, 8), F32).at[:, :pos.shape[1]].set(pos)

    h, c, d = _pre_stage(x, pos_p, W_embed, b_embed.reshape(1, dim), W1, W2,
                         W3p, b_msg.reshape(1, dim), block=1000)

    psums, pcnts = _edge_stage(c, d, edge_index[0], edge_index[1], n, dim, e)

    return _post_stage(h, psums, pcnts, g_msg.reshape(1, dim),
                       be_msg.reshape(1, dim), W_upd[:dim], W_upd[dim:],
                       b_upd.reshape(1, dim), g_upd.reshape(1, dim),
                       be_upd.reshape(1, dim), block=1000)

# --- scband reference (transcript-rebuilt; emitter-appended) ---
"""Pipeline reference for scband-erwin-embedding-65266323030389 (READ-ONLY COPY).

The authoritative reference and input builder live on the scoring server;
editing this copy changes nothing except your own understanding.
"""

import jax, jax.numpy as jnp
import numpy as np

N = 10000
E = 320000
IN_DIM = 128
DIM = 128
DIMENSIONALITY = 3


def _layer_norm(h, g, b, eps=1e-5):
    mu = jnp.mean(h, axis=-1, keepdims=True)
    var = jnp.var(h, axis=-1, keepdims=True)
    return (h - mu) / jnp.sqrt(var + eps) * g + b


def setup_inputs(seed: int = 0) -> dict:
    key = jax.random.key(seed)
    ks = jax.random.split(key, 16)
    x = jax.random.normal(ks[0], (N, IN_DIM), dtype=jnp.float32)
    pos = jax.random.normal(ks[1], (N, DIMENSIONALITY), dtype=jnp.float32)
    edge_index = jax.random.randint(ks[2], (2, E), 0, N, dtype=jnp.int32)
    s_embed = 1.0 / np.sqrt(IN_DIM)
    s_msg = 1.0 / np.sqrt(2 * DIM + DIMENSIONALITY)
    s_upd = 1.0 / np.sqrt(2 * DIM)
    W_embed = jax.random.uniform(ks[3], (IN_DIM, DIM), jnp.float32, -s_embed, s_embed)
    b_embed = jax.random.uniform(ks[4], (DIM,), jnp.float32, -s_embed, s_embed)
    W_msg = jax.random.uniform(ks[5], (2 * DIM + DIMENSIONALITY, DIM), jnp.float32, -s_msg, s_msg)
    b_msg = jax.random.uniform(ks[6], (DIM,), jnp.float32, -s_msg, s_msg)
    g_msg = jnp.ones((DIM,), jnp.float32)
    be_msg = jnp.zeros((DIM,), jnp.float32)
    W_upd = jax.random.uniform(ks[7], (2 * DIM, DIM), jnp.float32, -s_upd, s_upd)
    b_upd = jax.random.uniform(ks[8], (DIM,), jnp.float32, -s_upd, s_upd)
    g_upd = jnp.ones((DIM,), jnp.float32)
    be_upd = jnp.zeros((DIM,), jnp.float32)
    return {"x": x, "pos": pos, "edge_index": edge_index, "W_embed": W_embed, "b_embed": b_embed, "W_msg": W_msg, "b_msg": b_msg, "g_msg": g_msg, "be_msg": be_msg, "W_upd": W_upd, "b_upd": b_upd, "g_upd": g_upd, "be_upd": be_upd}


def reference(x, pos, edge_index, W_embed, b_embed, W_msg, b_msg, g_msg, be_msg, W_upd, b_upd, g_upd, be_upd):
    # Linear projection
    h = x @ W_embed + b_embed
    row, col = edge_index[0], edge_index[1]
    # Relative positions as edge attributes
    edge_attr = pos[row] - pos[col]
    # One MPNN step: message = LN(GELU(Linear([h_src, h_dst, edge_attr])))
    m_in = jnp.concatenate([h[row], h[col], edge_attr], axis=-1)
    messages = jax.nn.gelu(m_in @ W_msg + b_msg, approximate=False)
    messages = _layer_norm(messages, g_msg, be_msg)
    # scatter-mean over destination nodes
    summed = jax.ops.segment_sum(messages, col, num_segments=N)
    count = jax.ops.segment_sum(jnp.ones((E, 1), dtype=messages.dtype), col, num_segments=N)
    mean_msg = summed / jnp.clip(count, 1.0, None)
    # node update: h + LN(Linear([h, mean_msg]))
    upd_in = jnp.concatenate([h, mean_msg], axis=-1)
    update = _layer_norm(upd_in @ W_upd + b_upd, g_upd, be_upd)
    return h + update

if __name__ == "__main__":
    import jax
    _d = setup_inputs()
    print(jax.jit(kernel)(*tuple(_d.values())))

</pallas_src>

<mosaic_0001>
#map = affine_map<(d0, d1) -> (0, 0)>
#map1 = affine_map<(d0, d1) -> (0)>
#map2 = affine_map<(d0, d1) -> (0, 0, 0)>
module attributes {stable_mosaic.version = 14 : i64} {
  func.func @_edge_kernel_body(%arg0: i32, %arg1: i32, %arg2: memref<10112x128xf32, #tpu.memory_space<hbm>>, %arg3: memref<10112x128xf32, #tpu.memory_space<hbm>>, %arg4: memref<323584xi32, #tpu.memory_space<hbm>>, %arg5: memref<323584xi32, #tpu.memory_space<hbm>>, %arg6: memref<10112x128xf32, #tpu.memory_space<hbm>>, %arg7: memref<10112x16xf32, #tpu.memory_space<hbm>>, %arg8: memref<2x10112x128xf32, #tpu.memory_space<hbm>>, %arg9: memref<2x10112x16xf32, #tpu.memory_space<hbm>>, %arg10: memref<64xi32, #tpu.memory_space<vmem>>, %arg11: memref<64xi32, #tpu.memory_space<vmem>>, %arg12: memref<64x128xf32, #tpu.memory_space<vmem>>, %arg13: memref<64x128xf32, #tpu.memory_space<vmem>>, %arg14: memref<64xi32, #tpu.memory_space<vmem>>, %arg15: memref<64xi32, #tpu.memory_space<vmem>>, %arg16: memref<64x128xf32, #tpu.memory_space<vmem>>, %arg17: memref<64x128xf32, #tpu.memory_space<vmem>>, %arg18: memref<64x16xf32, #tpu.memory_space<vmem>>, %arg19: memref<10112x128xf32, #tpu.memory_space<vmem_shared>>, %arg20: memref<10112x16xf32, #tpu.memory_space<vmem_shared>>, %arg21: memref<!tpu.dma_semaphore, #tpu.memory_space<semaphore_mem>>, %arg22: memref<!tpu.dma_semaphore, #tpu.memory_space<semaphore_mem>>, %arg23: memref<!tpu.dma_semaphore, #tpu.memory_space<semaphore_mem>>, %arg24: memref<!tpu.dma_semaphore, #tpu.memory_space<semaphore_mem>>, %arg25: memref<!tpu.dma_semaphore, #tpu.memory_space<semaphore_mem>>, %arg26: memref<!tpu.dma_semaphore, #tpu.memory_space<semaphore_mem>>, %arg27: memref<!tpu.dma_semaphore, #tpu.memory_space<semaphore_mem>>, %arg28: memref<!tpu.dma_semaphore, #tpu.memory_space<semaphore_mem>>, %arg29: memref<!tpu.dma_semaphore, #tpu.memory_space<semaphore_mem>>, %arg30: memref<!tpu.dma_semaphore, #tpu.memory_space<semaphore_mem>>) attributes {dimension_semantics = [#tpu.dimension_semantics<core_parallel>, #tpu.dimension_semantics<subcore_parallel>], iteration_bounds = array<i64: 2, 16>, scalar_prefetch = 0 : i64, scratch_operands = 21 : i64, tpu.core_type = #tpu.core_type<sc_vector_subcore>, window_params = [{transform_indices = #map}, {transform_indices = #map}, {transform_indices = #map1}, {transform_indices = #map1}, {transform_indices = #map}, {transform_indices = #map}, {transform_indices = #map2}, {transform_indices = #map2}]} {
    %mul3A = arith.constant 2 : i32
    %mul3A_0 = arith.muli %arg1, %mul3A : i32
    %add3A = arith.addi %mul3A_0, %arg0 : i32
    %mul3A_1 = arith.constant 632 : i32
    %mul3A_2 = arith.muli %arg1, %mul3A_1 : i32
    "tpu.region"() ({
      %run_scoped3A = tpu.sem_alloc : memref<!tpu.dma_semaphore, #tpu.memory_space<semaphore_mem>>
      %dma_start3A_45 = arith.constant 0 : i32
      %dma_start3A_46 = tpu.memref_slice %arg19[%mul3A_2, %dma_start3A_45] : memref<10112x128xf32, #tpu.memory_space<vmem_shared>> -> memref<632x128xf32, #tpu.memory_space<vmem_shared>>
      %dma_start3A_47 = arith.constant 0 : i32
      %dma_start3A_48 = tpu.memref_slice %arg6[%mul3A_2, %dma_start3A_47] : memref<10112x128xf32, #tpu.memory_space<hbm>> -> memref<632x128xf32, #tpu.memory_space<hbm>>
      tpu.enqueue_dma source(%dma_start3A_48 : memref<632x128xf32, #tpu.memory_space<hbm>>) target(%dma_start3A_46 : memref<632x128xf32, #tpu.memory_space<vmem_shared>>) target_semaphore(%run_scoped3A : memref<!tpu.dma_semaphore, #tpu.memory_space<semaphore_mem>>)
      %dma_wait3A_49 = arith.constant 0 : i32
      %dma_wait3A_50 = tpu.memref_slice %arg19[%mul3A_2, %dma_wait3A_49] : memref<10112x128xf32, #tpu.memory_space<vmem_shared>> -> memref<632x128xf32, #tpu.memory_space<vmem_shared>>
      %dma_wait3A_51 = arith.constant 0 : i32
      %dma_wait3A_52 = tpu.memref_slice %arg6[%mul3A_2, %dma_wait3A_51] : memref<10112x128xf32, #tpu.memory_space<hbm>> -> memref<632x128xf32, #tpu.memory_space<hbm>>
      tpu.wait_dma2 semaphore(%run_scoped3A : memref<!tpu.dma_semaphore, #tpu.memory_space<semaphore_mem>>) src(%dma_wait3A_52 : memref<632x128xf32, #tpu.memory_space<hbm>>) dst(%dma_wait3A_50 : memref<632x128xf32, #tpu.memory_space<vmem_shared>>)
      tpu.yield
    }) : () -> ()
    "tpu.region"() ({
      %run_scoped3A = tpu.sem_alloc : memref<!tpu.dma_semaphore, #tpu.memory_space<semaphore_mem>>
      %dma_start3A_45 = arith.constant 0 : i32
      %dma_start3A_46 = tpu.memref_slice %arg20[%mul3A_2, %dma_start3A_45] : memref<10112x16xf32, #tpu.memory_space<vmem_shared>> -> memref<632x16xf32, #tpu.memory_space<vmem_shared>>
      %dma_start3A_47 = arith.constant 0 : i32
      %dma_start3A_48 = tpu.memref_slice %arg7[%mul3A_2, %dma_start3A_47] : memref<10112x16xf32, #tpu.memory_space<hbm>> -> memref<632x16xf32, #tpu.memory_space<hbm>>
      tpu.enqueue_dma source(%dma_start3A_48 : memref<632x16xf32, #tpu.memory_space<hbm>>) target(%dma_start3A_46 : memref<632x16xf32, #tpu.memory_space<vmem_shared>>) target_semaphore(%run_scoped3A : memref<!tpu.dma_semaphore, #tpu.memory_space<semaphore_mem>>)
      %dma_wait3A_49 = arith.constant 0 : i32
      %dma_wait3A_50 = tpu.memref_slice %arg20[%mul3A_2, %dma_wait3A_49] : memref<10112x16xf32, #tpu.memory_space<vmem_shared>> -> memref<632x16xf32, #tpu.memory_space<vmem_shared>>
      %dma_wait3A_51 = arith.constant 0 : i32
      %dma_wait3A_52 = tpu.memref_slice %arg7[%mul3A_2, %dma_wait3A_51] : memref<10112x16xf32, #tpu.memory_space<hbm>> -> memref<632x16xf32, #tpu.memory_space<hbm>>
      tpu.wait_dma2 semaphore(%run_scoped3A : memref<!tpu.dma_semaphore, #tpu.memory_space<semaphore_mem>>) src(%dma_wait3A_52 : memref<632x16xf32, #tpu.memory_space<hbm>>) dst(%dma_wait3A_50 : memref<632x16xf32, #tpu.memory_space<vmem_shared>>)
      tpu.yield
    }) : () -> ()
    %iota3A = tpu.iota {dimensions = array<i32: 0>} : vector<16xi32>
    %lt3A = arith.constant 1 : i32
    %lt3A_3 = vector.broadcast %lt3A : i32 to vector<16xi32>
    %lt3A_4 = arith.cmpi slt, %iota3A, %lt3A_3 : vector<16xi32>
    %jit3A = arith.constant 1.000000e+00 : f32
    %jit3A_5 = arith.constant 0.000000e+00 : f32
    %broadcast_in_dim3A = vector.broadcast %jit3A : f32 to vector<16xf32>
    %broadcast_in_dim3A_6 = vector.broadcast %jit3A_5 : f32 to vector<16xf32>
    %select_n3A = arith.select %lt3A_4, %broadcast_in_dim3A, %broadcast_in_dim3A_6 : vector<16xi1>, vector<16xf32>
    %scan3A = arith.constant 0 : i32
    %scan3A_7 = arith.constant 0 : i32
    %scan3A_8 = arith.constant 64 : i32
    %scan3A_9 = arith.addi %scan3A_7, %scan3A_8 : i32
    %scan3A_10 = arith.constant 1 : i32
    scf.for %scan3A_45 = %scan3A_7 to %scan3A_9 step %scan3A_10  : i32 {
      %swap3A = arith.index_cast %scan3A_45 : i32 to index
      %swap3A_46 = arith.constant 0 : index
      %swap3A_47 = tpu.vector_load %arg18[%swap3A, %swap3A_46] {strides = array<i32>} : memref<64x16xf32, #tpu.memory_space<vmem>>, vector<16xf32>,
      tpu.vector_store %arg18[%swap3A, %swap3A_46], %select_n3A {strides = array<i32>} : memref<64x16xf32, #tpu.memory_space<vmem>>, vector<16xf32>,
    }
    %scan3A_11 = arith.constant 64 : i32
    %barrier3A = arith.constant 0 : index
    tpu.barrier barrier_id(%barrier3A)
    %mul3A_12 = arith.constant 10112 : i32
    %mul3A_13 = arith.muli %add3A, %mul3A_12 : i32
    %dma_start3A = tpu.memref_slice %arg4[%mul3A_13] : memref<323584xi32, #tpu.memory_space<hbm>> -> memref<64xi32, #tpu.memory_space<hbm>>
    %dma_start3A_14 = tpu.memref_slice %arg4[%mul3A_13] : memref<323584xi32, #tpu.memory_space<hbm>> -> memref<64xi32, #tpu.memory_space<hbm>>
    tpu.enqueue_dma source(%dma_start3A_14 : memref<64xi32, #tpu.memory_space<hbm>>) target(%arg10 : memref<64xi32, #tpu.memory_space<vmem>>) target_semaphore(%arg29 : memref<!tpu.dma_semaphore, #tpu.memory_space<semaphore_mem>>)
    %dma_start3A_15 = tpu.memref_slice %arg5[%mul3A_13] : memref<323584xi32, #tpu.memory_space<hbm>> -> memref<64xi32, #tpu.memory_space<hbm>>
    %dma_start3A_16 = tpu.memref_slice %arg5[%mul3A_13] : memref<323584xi32, #tpu.memory_space<hbm>> -> memref<64xi32, #tpu.memory_space<hbm>>
    tpu.enqueue_dma source(%dma_start3A_16 : memref<64xi32, #tpu.memory_space<hbm>>) target(%arg11 : memref<64xi32, #tpu.memory_space<vmem>>) target_semaphore(%arg30 : memref<!tpu.dma_semaphore, #tpu.memory_space<semaphore_mem>>)
    %dma_wait3A = tpu.memref_slice %arg4[%mul3A_13] : memref<323584xi32, #tpu.memory_space<hbm>> -> memref<64xi32, #tpu.memory_space<hbm>>
    %dma_wait3A_17 = tpu.memref_slice %arg4[%mul3A_13] : memref<323584xi32, #tpu.memory_space<hbm>> -> memref<64xi32, #tpu.memory_space<hbm>>
    tpu.wait_dma2 semaphore(%arg29 : memref<!tpu.dma_semaphore, #tpu.memory_space<semaphore_mem>>) src(%dma_wait3A_17 : memref<64xi32, #tpu.memory_space<hbm>>) dst(%arg10 : memref<64xi32, #tpu.memory_space<vmem>>)
    %dma_wait3A_18 = tpu.memref_slice %arg5[%mul3A_13] : memref<323584xi32, #tpu.memory_space<hbm>> -> memref<64xi32, #tpu.memory_space<hbm>>
    %dma_wait3A_19 = tpu.memref_slice %arg5[%mul3A_13] : memref<323584xi32, #tpu.memory_space<hbm>> -> memref<64xi32, #tpu.memory_space<hbm>>
    tpu.wait_dma2 semaphore(%arg30 : memref<!tpu.dma_semaphore, #tpu.memory_space<semaphore_mem>>) src(%dma_wait3A_19 : memref<64xi32, #tpu.memory_space<hbm>>) dst(%arg11 : memref<64xi32, #tpu.memory_space<vmem>>)
    %dma_start3A_20 = arith.constant 0 : i32
    %dma_start3A_21 = arith.constant 0 : i32
    %dma_start3A_22 = tpu.memref_slice %arg2[%dma_start3A_20, %dma_start3A_21] : memref<10112x128xf32, #tpu.memory_space<hbm>> -> memref<10112x128xf32, #tpu.memory_space<hbm>>
    tpu.enqueue_indirect_dma source(%dma_start3A_22 : memref<10112x128xf32, #tpu.memory_space<hbm>>) target(%arg12 : memref<64x128xf32, #tpu.memory_space<vmem>>) offsets(%arg10 : memref<64xi32, #tpu.memory_space<vmem>>) semaphore(%arg21 : memref<!tpu.dma_semaphore, #tpu.memory_space<semaphore_mem>>)
    %dma_start3A_23 = arith.constant 0 : i32
    %dma_start3A_24 = arith.constant 0 : i32
    %dma_start3A_25 = tpu.memref_slice %arg3[%dma_start3A_23, %dma_start3A_24] : memref<10112x128xf32, #tpu.memory_space<hbm>> -> memref<10112x128xf32, #tpu.memory_space<hbm>>
    tpu.enqueue_indirect_dma source(%dma_start3A_25 : memref<10112x128xf32, #tpu.memory_space<hbm>>) target(%arg13 : memref<64x128xf32, #tpu.memory_space<vmem>>) offsets(%arg11 : memref<64xi32, #tpu.memory_space<vmem>>) semaphore(%arg22 : memref<!tpu.dma_semaphore, #tpu.memory_space<semaphore_mem>>)
    %scan3A_26 = arith.constant 0 : i32
    %scan3A_27 = arith.constant 0 : i32
    %scan3A_28 = arith.constant 79 : i32
    %scan3A_29 = arith.addi %scan3A_27, %scan3A_28 : i32
    %scan3A_30 = arith.constant 1 : i32
    scf.for %scan3A_45 = %scan3A_27 to %scan3A_29 step %scan3A_30  : i32 {
      %mul3A_46 = arith.constant 2 : i32
      %mul3A_47 = arith.muli %mul3A_46, %scan3A_45 : i32
      %gt3A = arith.constant 0 : i32
      %gt3A_48 = arith.cmpi sgt, %scan3A_45, %gt3A : i32
      %convert_element_type3A = arith.extui %gt3A_48 : i1 to i32
      %cond3A = arith.constant 0 : i32
      %cond3A_49 = arith.cmpi ne, %convert_element_type3A, %cond3A : i32
      scf.if %cond3A_49 {
        %dma_wait3A_103 = arith.constant 0 : i32
        %dma_wait3A_104 = arith.constant 0 : i32
        %dma_wait3A_105 = tpu.memref_slice %arg19[%dma_wait3A_103, %dma_wait3A_104] : memref<10112x128xf32, #tpu.memory_space<vmem_shared>> -> memref<10112x128xf32, #tpu.memory_space<vmem_shared>>
        tpu.wait_indirect_dma semaphore(%arg27 : memref<!tpu.dma_semaphore, #tpu.memory_space<semaphore_mem>>) src(%arg17 : memref<64x128xf32, #tpu.memory_space<vmem>>) dst(%dma_wait3A_105 : memref<10112x128xf32, #tpu.memory_space<vmem_shared>>)
        %dma_wait3A_106 = arith.constant 0 : i32
        %dma_wait3A_107 = arith.constant 0 : i32
        %dma_wait3A_108 = tpu.memref_slice %arg20[%dma_wait3A_106, %dma_wait3A_107] : memref<10112x16xf32, #tpu.memory_space<vmem_shared>> -> memref<10112x16xf32, #tpu.memory_space<vmem_shared>>
        tpu.wait_indirect_dma semaphore(%arg28 : memref<!tpu.dma_semaphore, #tpu.memory_space<semaphore_mem>>) src(%arg18 : memref<64x16xf32, #tpu.memory_space<vmem>>) dst(%dma_wait3A_108 : memref<10112x16xf32, #tpu.memory_space<vmem_shared>>)
      } else {
      }
      %add3A_50 = arith.constant 1 : i32
      %add3A_51 = arith.addi %mul3A_47, %add3A_50 : i32
      %mul3A_52 = arith.constant 64 : i32
      %mul3A_53 = arith.muli %add3A_51, %mul3A_52 : i32
      %add3A_54 = arith.addi %mul3A_13, %mul3A_53 : i32
      %dma_start3A_55 = tpu.memref_slice %arg4[%add3A_54] : memref<323584xi32, #tpu.memory_space<hbm>> -> memref<64xi32, #tpu.memory_space<hbm>>
      %dma_start3A_56 = tpu.memref_slice %arg4[%add3A_54] : memref<323584xi32, #tpu.memory_space<hbm>> -> memref<64xi32, #tpu.memory_space<hbm>>
      tpu.enqueue_dma source(%dma_start3A_56 : memref<64xi32, #tpu.memory_space<hbm>>) target(%arg14 : memref<64xi32, #tpu.memory_space<vmem>>) target_semaphore(%arg29 : memref<!tpu.dma_semaphore, #tpu.memory_space<semaphore_mem>>)
      %dma_start3A_57 = tpu.memref_slice %arg5[%add3A_54] : memref<323584xi32, #tpu.memory_space<hbm>> -> memref<64xi32, #tpu.memory_space<hbm>>
      %dma_start3A_58 = tpu.memref_slice %arg5[%add3A_54] : memref<323584xi32, #tpu.memory_space<hbm>> -> memref<64xi32, #tpu.memory_space<hbm>>
      tpu.enqueue_dma source(%dma_start3A_58 : memref<64xi32, #tpu.memory_space<hbm>>) target(%arg15 : memref<64xi32, #tpu.memory_space<vmem>>) target_semaphore(%arg30 : memref<!tpu.dma_semaphore, #tpu.memory_space<semaphore_mem>>)
      %dma_wait3A_59 = tpu.memref_slice %arg4[%add3A_54] : memref<323584xi32, #tpu.memory_space<hbm>> -> memref<64xi32, #tpu.memory_space<hbm>>
      %dma_wait3A_60 = tpu.memref_slice %arg4[%add3A_54] : memref<323584xi32, #tpu.memory_space<hbm>> -> memref<64xi32, #tpu.memory_space<hbm>>
      tpu.wait_dma2 semaphore(%arg29 : memref<!tpu.dma_semaphore, #tpu.memory_space<semaphore_mem>>) src(%dma_wait3A_60 : memref<64xi32, #tpu.memory_space<hbm>>) dst(%arg14 : memref<64xi32, #tpu.memory_space<vmem>>)
      %dma_wait3A_61 = tpu.memref_slice %arg5[%add3A_54] : memref<323584xi32, #tpu.memory_space<hbm>> -> memref<64xi32, #tpu.memory_space<hbm>>
      %dma_wait3A_62 = tpu.memref_slice %arg5[%add3A_54] : memref<323584xi32, #tpu.memory_space<hbm>> -> memref<64xi32, #tpu.memory_space<hbm>>
      tpu.wait_dma2 semaphore(%arg30 : memref<!tpu.dma_semaphore, #tpu.memory_space<semaphore_mem>>) src(%dma_wait3A_62 : memref<64xi32, #tpu.memory_space<hbm>>) dst(%arg15 : memref<64xi32, #tpu.memory_space<vmem>>)
      %dma_start3A_63 = arith.constant 0 : i32
      %dma_start3A_64 = arith.constant 0 : i32
      %dma_start3A_65 = tpu.memref_slice %arg2[%dma_start3A_63, %dma_start3A_64] : memref<10112x128xf32, #tpu.memory_space<hbm>> -> memref<10112x128xf32, #tpu.memory_space<hbm>>
      tpu.enqueue_indirect_dma source(%dma_start3A_65 : memref<10112x128xf32, #tpu.memory_space<hbm>>) target(%arg16 : memref<64x128xf32, #tpu.memory_space<vmem>>) offsets(%arg14 : memref<64xi32, #tpu.memory_space<vmem>>) semaphore(%arg25 : memref<!tpu.dma_semaphore, #tpu.memory_space<semaphore_mem>>)
      %dma_start3A_66 = arith.constant 0 : i32
      %dma_start3A_67 = arith.constant 0 : i32
      %dma_start3A_68 = tpu.memref_slice %arg3[%dma_start3A_66, %dma_start3A_67] : memref<10112x128xf32, #tpu.memory_space<hbm>> -> memref<10112x128xf32, #tpu.memory_space<hbm>>
      tpu.enqueue_indirect_dma source(%dma_start3A_68 : memref<10112x128xf32, #tpu.memory_space<hbm>>) target(%arg17 : memref<64x128xf32, #tpu.memory_space<vmem>>) offsets(%arg15 : memref<64xi32, #tpu.memory_space<vmem>>) semaphore(%arg26 : memref<!tpu.dma_semaphore, #tpu.memory_space<semaphore_mem>>)
      %dma_wait3A_69 = arith.constant 0 : i32
      %dma_wait3A_70 = arith.constant 0 : i32
      %dma_wait3A_71 = tpu.memref_slice %arg2[%dma_wait3A_69, %dma_wait3A_70] : memref<10112x128xf32, #tpu.memory_space<hbm>> -> memref<10112x128xf32, #tpu.memory_space<hbm>>
      tpu.wait_indirect_dma semaphore(%arg21 : memref<!tpu.dma_semaphore, #tpu.memory_space<semaphore_mem>>) src(%dma_wait3A_71 : memref<10112x128xf32, #tpu.memory_space<hbm>>) dst(%arg12 : memref<64x128xf32, #tpu.memory_space<vmem>>)
      %dma_wait3A_72 = arith.constant 0 : i32
      %dma_wait3A_73 = arith.constant 0 : i32
      %dma_wait3A_74 = tpu.memref_slice %arg3[%dma_wait3A_72, %dma_wait3A_73] : memref<10112x128xf32, #tpu.memory_space<hbm>> -> memref<10112x128xf32, #tpu.memory_space<hbm>>
      tpu.wait_indirect_dma semaphore(%arg22 : memref<!tpu.dma_semaphore, #tpu.memory_space<semaphore_mem>>) src(%dma_wait3A_74 : memref<10112x128xf32, #tpu.memory_space<hbm>>) dst(%arg13 : memref<64x128xf32, #tpu.memory_space<vmem>>)
      %parallel_loop3A = arith.constant 0 : i32
      %parallel_loop3A_75 = arith.constant 64 : i32
      %parallel_loop3A_76 = arith.constant 1 : i32
      scf.for %parallel_loop3A_103 = %parallel_loop3A to %parallel_loop3A_75 step %parallel_loop3A_76  : i32 {
        %parallel_loop3A_104 = arith.index_cast %parallel_loop3A_103 : i32 to index
        %parallel_loop3A_105 = arith.constant 0 : index
        %parallel_loop3A_106 = tpu.vector_load %arg12[%parallel_loop3A_104, %parallel_loop3A_105] {strides = array<i32>} : memref<64x128xf32, #tpu.memory_space<vmem>>, vector<16xf32>,
        %parallel_loop3A_107 = arith.index_cast %parallel_loop3A_103 : i32 to index
        %parallel_loop3A_108 = arith.constant 0 : index
        %parallel_loop3A_109 = tpu.vector_load %arg13[%parallel_loop3A_107, %parallel_loop3A_108] {strides = array<i32>} : memref<64x128xf32, #tpu.memory_space<vmem>>, vector<16xf32>,
        %parallel_loop3A_110 = arith.addf %parallel_loop3A_106, %parallel_loop3A_109 : vector<16xf32>
        %parallel_loop3A_111 = arith.mulf %parallel_loop3A_110, %parallel_loop3A_110 : vector<16xf32>
        %parallel_loop3A_112 = arith.constant -0.0713548139 : f32
        %parallel_loop3A_113 = vector.broadcast %parallel_loop3A_112 : f32 to vector<16xf32>
        %parallel_loop3A_114 = arith.mulf %parallel_loop3A_113, %parallel_loop3A_111 : vector<16xf32>
        %parallel_loop3A_115 = arith.constant -1.59576917 : f32
        %parallel_loop3A_116 = vector.broadcast %parallel_loop3A_115 : f32 to vector<16xf32>
        %parallel_loop3A_117 = arith.addf %parallel_loop3A_116, %parallel_loop3A_114 : vector<16xf32>
        %parallel_loop3A_118 = arith.mulf %parallel_loop3A_110, %parallel_loop3A_117 : vector<16xf32>
        %parallel_loop3A_119 = math.exp %parallel_loop3A_118 : vector<16xf32>
        %parallel_loop3A_120 = arith.constant 1.000000e+00 : f32
        %parallel_loop3A_121 = vector.broadcast %parallel_loop3A_120 : f32 to vector<16xf32>
        %parallel_loop3A_122 = arith.addf %parallel_loop3A_121, %parallel_loop3A_119 : vector<16xf32>
        %parallel_loop3A_123 = arith.divf %parallel_loop3A_110, %parallel_loop3A_122 : vector<16xf32>
        %parallel_loop3A_124 = arith.mulf %parallel_loop3A_123, %parallel_loop3A_123 : vector<16xf32>
        %parallel_loop3A_125 = arith.index_cast %parallel_loop3A_103 : i32 to index
        %parallel_loop3A_126 = arith.constant 16 : index
        %parallel_loop3A_127 = tpu.vector_load %arg12[%parallel_loop3A_125, %parallel_loop3A_126] {strides = array<i32>} : memref<64x128xf32, #tpu.memory_space<vmem>>, vector<16xf32>,
        %parallel_loop3A_128 = arith.index_cast %parallel_loop3A_103 : i32 to index
        %parallel_loop3A_129 = arith.constant 16 : index
        %parallel_loop3A_130 = tpu.vector_load %arg13[%parallel_loop3A_128, %parallel_loop3A_129] {strides = array<i32>} : memref<64x128xf32, #tpu.memory_space<vmem>>, vector<16xf32>,
        %parallel_loop3A_131 = arith.addf %parallel_loop3A_127, %parallel_loop3A_130 : vector<16xf32>
        %parallel_loop3A_132 = arith.mulf %parallel_loop3A_131, %parallel_loop3A_131 : vector<16xf32>
        %parallel_loop3A_133 = arith.constant -0.0713548139 : f32
        %parallel_loop3A_134 = vector.broadcast %parallel_loop3A_133 : f32 to vector<16xf32>
        %parallel_loop3A_135 = arith.mulf %parallel_loop3A_134, %parallel_loop3A_132 : vector<16xf32>
        %parallel_loop3A_136 = arith.constant -1.59576917 : f32
        %parallel_loop3A_137 = vector.broadcast %parallel_loop3A_136 : f32 to vector<16xf32>
        %parallel_loop3A_138 = arith.addf %parallel_loop3A_137, %parallel_loop3A_135 : vector<16xf32>
        %parallel_loop3A_139 = arith.mulf %parallel_loop3A_131, %parallel_loop3A_138 : vector<16xf32>
        %parallel_loop3A_140 = math.exp %parallel_loop3A_139 : vector<16xf32>
        %parallel_loop3A_141 = arith.constant 1.000000e+00 : f32
        %parallel_loop3A_142 = vector.broadcast %parallel_loop3A_141 : f32 to vector<16xf32>
        %parallel_loop3A_143 = arith.addf %parallel_loop3A_142, %parallel_loop3A_140 : vector<16xf32>
        %parallel_loop3A_144 = arith.divf %parallel_loop3A_131, %parallel_loop3A_143 : vector<16xf32>
        %parallel_loop3A_145 = arith.addf %parallel_loop3A_123, %parallel_loop3A_144 : vector<16xf32>
        %parallel_loop3A_146 = arith.mulf %parallel_loop3A_144, %parallel_loop3A_144 : vector<16xf32>
        %parallel_loop3A_147 = arith.addf %parallel_loop3A_124, %parallel_loop3A_146 : vector<16xf32>
        %parallel_loop3A_148 = arith.index_cast %parallel_loop3A_103 : i32 to index
        %parallel_loop3A_149 = arith.constant 32 : index
        %parallel_loop3A_150 = tpu.vector_load %arg12[%parallel_loop3A_148, %parallel_loop3A_149] {strides = array<i32>} : memref<64x128xf32, #tpu.memory_space<vmem>>, vector<16xf32>,
        %parallel_loop3A_151 = arith.index_cast %parallel_loop3A_103 : i32 to index
        %parallel_loop3A_152 = arith.constant 32 : index
        %parallel_loop3A_153 = tpu.vector_load %arg13[%parallel_loop3A_151, %parallel_loop3A_152] {strides = array<i32>} : memref<64x128xf32, #tpu.memory_space<vmem>>, vector<16xf32>,
        %parallel_loop3A_154 = arith.addf %parallel_loop3A_150, %parallel_loop3A_153 : vector<16xf32>
        %parallel_loop3A_155 = arith.mulf %parallel_loop3A_154, %parallel_loop3A_154 : vector<16xf32>
        %parallel_loop3A_156 = arith.constant -0.0713548139 : f32
        %parallel_loop3A_157 = vector.broadcast %parallel_loop3A_156 : f32 to vector<16xf32>
        %parallel_loop3A_158 = arith.mulf %parallel_loop3A_157, %parallel_loop3A_155 : vector<16xf32>
        %parallel_loop3A_159 = arith.constant -1.59576917 : f32
        %parallel_loop3A_160 = vector.broadcast %parallel_loop3A_159 : f32 to vector<16xf32>
        %parallel_loop3A_161 = arith.addf %parallel_loop3A_160, %parallel_loop3A_158 : vector<16xf32>
        %parallel_loop3A_162 = arith.mulf %parallel_loop3A_154, %parallel_loop3A_161 : vector<16xf32>
        %parallel_loop3A_163 = math.exp %parallel_loop3A_162 : vector<16xf32>
        %parallel_loop3A_164 = arith.constant 1.000000e+00 : f32
        %parallel_loop3A_165 = vector.broadcast %parallel_loop3A_164 : f32 to vector<16xf32>
        %parallel_loop3A_166 = arith.addf %parallel_loop3A_165, %parallel_loop3A_163 : vector<16xf32>
        %parallel_loop3A_167 = arith.divf %parallel_loop3A_154, %parallel_loop3A_166 : vector<16xf32>
        %parallel_loop3A_168 = arith.addf %parallel_loop3A_145, %parallel_loop3A_167 : vector<16xf32>
        %parallel_loop3A_169 = arith.mulf %parallel_loop3A_167, %parallel_loop3A_167 : vector<16xf32>
        %parallel_loop3A_170 = arith.addf %parallel_loop3A_147, %parallel_loop3A_169 : vector<16xf32>
        %parallel_loop3A_171 = arith.index_cast %parallel_loop3A_103 : i32 to index
        %parallel_loop3A_172 = arith.constant 48 : index
        %parallel_loop3A_173 = tpu.vector_load %arg12[%parallel_loop3A_171, %parallel_loop3A_172] {strides = array<i32>} : memref<64x128xf32, #tpu.memory_space<vmem>>, vector<16xf32>,
        %parallel_loop3A_174 = arith.index_cast %parallel_loop3A_103 : i32 to index
        %parallel_loop3A_175 = arith.constant 48 : index
        %parallel_loop3A_176 = tpu.vector_load %arg13[%parallel_loop3A_174, %parallel_loop3A_175] {strides = array<i32>} : memref<64x128xf32, #tpu.memory_space<vmem>>, vector<16xf32>,
        %parallel_loop3A_177 = arith.addf %parallel_loop3A_173, %parallel_loop3A_176 : vector<16xf32>
        %parallel_loop3A_178 = arith.mulf %parallel_loop3A_177, %parallel_loop3A_177 : vector<16xf32>
        %parallel_loop3A_179 = arith.constant -0.0713548139 : f32
        %parallel_loop3A_180 = vector.broadcast %parallel_loop3A_179 : f32 to vector<16xf32>
        %parallel_loop3A_181 = arith.mulf %parallel_loop3A_180, %parallel_loop3A_178 : vector<16xf32>
        %parallel_loop3A_182 = arith.constant -1.59576917 : f32
        %parallel_loop3A_183 = vector.broadcast %parallel_loop3A_182 : f32 to vector<16xf32>
        %parallel_loop3A_184 = arith.addf %parallel_loop3A_183, %parallel_loop3A_181 : vector<16xf32>
        %parallel_loop3A_185 = arith.mulf %parallel_loop3A_177, %parallel_loop3A_184 : vector<16xf32>
        %parallel_loop3A_186 = math.exp %parallel_loop3A_185 : vector<16xf32>
        %parallel_loop3A_187 = arith.constant 1.000000e+00 : f32
        %parallel_loop3A_188 = vector.broadcast %parallel_loop3A_187 : f32 to vector<16xf32>
        %parallel_loop3A_189 = arith.addf %parallel_loop3A_188, %parallel_loop3A_186 : vector<16xf32>
        %parallel_loop3A_190 = arith.divf %parallel_loop3A_177, %parallel_loop3A_189 : vector<16xf32>
        %parallel_loop3A_191 = arith.addf %parallel_loop3A_168, %parallel_loop3A_190 : vector<16xf32>
        %parallel_loop3A_192 = arith.mulf %parallel_loop3A_190, %parallel_loop3A_190 : vector<16xf32>
        %parallel_loop3A_193 = arith.addf %parallel_loop3A_170, %parallel_loop3A_192 : vector<16xf32>
        %parallel_loop3A_194 = arith.index_cast %parallel_loop3A_103 : i32 to index
        %parallel_loop3A_195 = arith.constant 64 : index
        %parallel_loop3A_196 = tpu.vector_load %arg12[%parallel_loop3A_194, %parallel_loop3A_195] {strides = array<i32>} : memref<64x128xf32, #tpu.memory_space<vmem>>, vector<16xf32>,
        %parallel_loop3A_197 = arith.index_cast %parallel_loop3A_103 : i32 to index
        %parallel_loop3A_198 = arith.constant 64 : index
        %parallel_loop3A_199 = tpu.vector_load %arg13[%parallel_loop3A_197, %parallel_loop3A_198] {strides = array<i32>} : memref<64x128xf32, #tpu.memory_space<vmem>>, vector<16xf32>,
        %parallel_loop3A_200 = arith.addf %parallel_loop3A_196, %parallel_loop3A_199 : vector<16xf32>
        %parallel_loop3A_201 = arith.mulf %parallel_loop3A_200, %parallel_loop3A_200 : vector<16xf32>
        %parallel_loop3A_202 = arith.constant -0.0713548139 : f32
        %parallel_loop3A_203 = vector.broadcast %parallel_loop3A_202 : f32 to vector<16xf32>
        %parallel_loop3A_204 = arith.mulf %parallel_loop3A_203, %parallel_loop3A_201 : vector<16xf32>
        %parallel_loop3A_205 = arith.constant -1.59576917 : f32
        %parallel_loop3A_206 = vector.broadcast %parallel_loop3A_205 : f32 to vector<16xf32>
        %parallel_loop3A_207 = arith.addf %parallel_loop3A_206, %parallel_loop3A_204 : vector<16xf32>
        %parallel_loop3A_208 = arith.mulf %parallel_loop3A_200, %parallel_loop3A_207 : vector<16xf32>
        %parallel_loop3A_209 = math.exp %parallel_loop3A_208 : vector<16xf32>
        %parallel_loop3A_210 = arith.constant 1.000000e+00 : f32
        %parallel_loop3A_211 = vector.broadcast %parallel_loop3A_210 : f32 to vector<16xf32>
        %parallel_loop3A_212 = arith.addf %parallel_loop3A_211, %parallel_loop3A_209 : vector<16xf32>
        %parallel_loop3A_213 = arith.divf %parallel_loop3A_200, %parallel_loop3A_212 : vector<16xf32>
        %parallel_loop3A_214 = arith.addf %parallel_loop3A_191, %parallel_loop3A_213 : vector<16xf32>
        %parallel_loop3A_215 = arith.mulf %parallel_loop3A_213, %parallel_loop3A_213 : vector<16xf32>
        %parallel_loop3A_216 = arith.addf %parallel_loop3A_193, %parallel_loop3A_215 : vector<16xf32>
        %parallel_loop3A_217 = arith.index_cast %parallel_loop3A_103 : i32 to index
        %parallel_loop3A_218 = arith.constant 80 : index
        %parallel_loop3A_219 = tpu.vector_load %arg12[%parallel_loop3A_217, %parallel_loop3A_218] {strides = array<i32>} : memref<64x128xf32, #tpu.memory_space<vmem>>, vector<16xf32>,
        %parallel_loop3A_220 = arith.index_cast %parallel_loop3A_103 : i32 to index
        %parallel_loop3A_221 = arith.constant 80 : index
        %parallel_loop3A_222 = tpu.vector_load %arg13[%parallel_loop3A_220, %parallel_loop3A_221] {strides = array<i32>} : memref<64x128xf32, #tpu.memory_space<vmem>>, vector<16xf32>,
        %parallel_loop3A_223 = arith.addf %parallel_loop3A_219, %parallel_loop3A_222 : vector<16xf32>
        %parallel_loop3A_224 = arith.mulf %parallel_loop3A_223, %parallel_loop3A_223 : vector<16xf32>
        %parallel_loop3A_225 = arith.constant -0.0713548139 : f32
        %parallel_loop3A_226 = vector.broadcast %parallel_loop3A_225 : f32 to vector<16xf32>
        %parallel_loop3A_227 = arith.mulf %parallel_loop3A_226, %parallel_loop3A_224 : vector<16xf32>
        %parallel_loop3A_228 = arith.constant -1.59576917 : f32
        %parallel_loop3A_229 = vector.broadcast %parallel_loop3A_228 : f32 to vector<16xf32>
        %parallel_loop3A_230 = arith.addf %parallel_loop3A_229, %parallel_loop3A_227 : vector<16xf32>
        %parallel_loop3A_231 = arith.mulf %parallel_loop3A_223, %parallel_loop3A_230 : vector<16xf32>
        %parallel_loop3A_232 = math.exp %parallel_loop3A_231 : vector<16xf32>
        %parallel_loop3A_233 = arith.constant 1.000000e+00 : f32
        %parallel_loop3A_234 = vector.broadcast %parallel_loop3A_233 : f32 to vector<16xf32>
        %parallel_loop3A_235 = arith.addf %parallel_loop3A_234, %parallel_loop3A_232 : vector<16xf32>
        %parallel_loop3A_236 = arith.divf %parallel_loop3A_223, %parallel_loop3A_235 : vector<16xf32>
        %parallel_loop3A_237 = arith.addf %parallel_loop3A_214, %parallel_loop3A_236 : vector<16xf32>
        %parallel_loop3A_238 = arith.mulf %parallel_loop3A_236, %parallel_loop3A_236 : vector<16xf32>
        %parallel_loop3A_239 = arith.addf %parallel_loop3A_216, %parallel_loop3A_238 : vector<16xf32>
        %parallel_loop3A_240 = arith.index_cast %parallel_loop3A_103 : i32 to index
        %parallel_loop3A_241 = arith.constant 96 : index
        %parallel_loop3A_242 = tpu.vector_load %arg12[%parallel_loop3A_240, %parallel_loop3A_241] {strides = array<i32>} : memref<64x128xf32, #tpu.memory_space<vmem>>, vector<16xf32>,
        %parallel_loop3A_243 = arith.index_cast %parallel_loop3A_103 : i32 to index
        %parallel_loop3A_244 = arith.constant 96 : index
        %parallel_loop3A_245 = tpu.vector_load %arg13[%parallel_loop3A_243, %parallel_loop3A_244] {strides = array<i32>} : memref<64x128xf32, #tpu.memory_space<vmem>>, vector<16xf32>,
        %parallel_loop3A_246 = arith.addf %parallel_loop3A_242, %parallel_loop3A_245 : vector<16xf32>
        %parallel_loop3A_247 = arith.mulf %parallel_loop3A_246, %parallel_loop3A_246 : vector<16xf32>
        %parallel_loop3A_248 = arith.constant -0.0713548139 : f32
        %parallel_loop3A_249 = vector.broadcast %parallel_loop3A_248 : f32 to vector<16xf32>
        %parallel_loop3A_250 = arith.mulf %parallel_loop3A_249, %parallel_loop3A_247 : vector<16xf32>
        %parallel_loop3A_251 = arith.constant -1.59576917 : f32
        %parallel_loop3A_252 = vector.broadcast %parallel_loop3A_251 : f32 to vector<16xf32>
        %parallel_loop3A_253 = arith.addf %parallel_loop3A_252, %parallel_loop3A_250 : vector<16xf32>
        %parallel_loop3A_254 = arith.mulf %parallel_loop3A_246, %parallel_loop3A_253 : vector<16xf32>
        %parallel_loop3A_255 = math.exp %parallel_loop3A_254 : vector<16xf32>
        %parallel_loop3A_256 = arith.constant 1.000000e+00 : f32
        %parallel_loop3A_257 = vector.broadcast %parallel_loop3A_256 : f32 to vector<16xf32>
        %parallel_loop3A_258 = arith.addf %parallel_loop3A_257, %parallel_loop3A_255 : vector<16xf32>
        %parallel_loop3A_259 = arith.divf %parallel_loop3A_246, %parallel_loop3A_258 : vector<16xf32>
        %parallel_loop3A_260 = arith.addf %parallel_loop3A_237, %parallel_loop3A_259 : vector<16xf32>
        %parallel_loop3A_261 = arith.mulf %parallel_loop3A_259, %parallel_loop3A_259 : vector<16xf32>
        %parallel_loop3A_262 = arith.addf %parallel_loop3A_239, %parallel_loop3A_261 : vector<16xf32>
        %parallel_loop3A_263 = arith.index_cast %parallel_loop3A_103 : i32 to index
        %parallel_loop3A_264 = arith.constant 112 : index
        %parallel_loop3A_265 = tpu.vector_load %arg12[%parallel_loop3A_263, %parallel_loop3A_264] {strides = array<i32>} : memref<64x128xf32, #tpu.memory_space<vmem>>, vector<16xf32>,
        %parallel_loop3A_266 = arith.index_cast %parallel_loop3A_103 : i32 to index
        %parallel_loop3A_267 = arith.constant 112 : index
        %parallel_loop3A_268 = tpu.vector_load %arg13[%parallel_loop3A_266, %parallel_loop3A_267] {strides = array<i32>} : memref<64x128xf32, #tpu.memory_space<vmem>>, vector<16xf32>,
        %parallel_loop3A_269 = arith.addf %parallel_loop3A_265, %parallel_loop3A_268 : vector<16xf32>
        %parallel_loop3A_270 = arith.mulf %parallel_loop3A_269, %parallel_loop3A_269 : vector<16xf32>
        %parallel_loop3A_271 = arith.constant -0.0713548139 : f32
        %parallel_loop3A_272 = vector.broadcast %parallel_loop3A_271 : f32 to vector<16xf32>
        %parallel_loop3A_273 = arith.mulf %parallel_loop3A_272, %parallel_loop3A_270 : vector<16xf32>
        %parallel_loop3A_274 = arith.constant -1.59576917 : f32
        %parallel_loop3A_275 = vector.broadcast %parallel_loop3A_274 : f32 to vector<16xf32>
        %parallel_loop3A_276 = arith.addf %parallel_loop3A_275, %parallel_loop3A_273 : vector<16xf32>
        %parallel_loop3A_277 = arith.mulf %parallel_loop3A_269, %parallel_loop3A_276 : vector<16xf32>
        %parallel_loop3A_278 = math.exp %parallel_loop3A_277 : vector<16xf32>
        %parallel_loop3A_279 = arith.constant 1.000000e+00 : f32
        %parallel_loop3A_280 = vector.broadcast %parallel_loop3A_279 : f32 to vector<16xf32>
        %parallel_loop3A_281 = arith.addf %parallel_loop3A_280, %parallel_loop3A_278 : vector<16xf32>
        %parallel_loop3A_282 = arith.divf %parallel_loop3A_269, %parallel_loop3A_281 : vector<16xf32>
        %parallel_loop3A_283 = arith.addf %parallel_loop3A_260, %parallel_loop3A_282 : vector<16xf32>
        %parallel_loop3A_284 = arith.mulf %parallel_loop3A_282, %parallel_loop3A_282 : vector<16xf32>
        %parallel_loop3A_285 = arith.addf %parallel_loop3A_262, %parallel_loop3A_284 : vector<16xf32>
        %parallel_loop3A_286 = arith.constant true
        %parallel_loop3A_287 = vector.broadcast %parallel_loop3A_286 : i1 to vector<16xi1>
        %parallel_loop3A_288 = tpu.scan <sum>, %parallel_loop3A_283 masked %parallel_loop3A_287 : vector<16xf32>, vector<16xi1> -> vector<16xf32>
        %parallel_loop3A_289 = vector.extract %parallel_loop3A_288[15] : f32 from vector<16xf32>
        %parallel_loop3A_290 = arith.constant true
        %parallel_loop3A_291 = vector.broadcast %parallel_loop3A_290 : i1 to vector<16xi1>
        %parallel_loop3A_292 = tpu.scan <sum>, %parallel_loop3A_285 masked %parallel_loop3A_291 : vector<16xf32>, vector<16xi1> -> vector<16xf32>
        %parallel_loop3A_293 = vector.extract %parallel_loop3A_292[15] : f32 from vector<16xf32>
        %parallel_loop3A_294 = arith.constant 7.812500e-03 : f32
        %parallel_loop3A_295 = arith.mulf %parallel_loop3A_289, %parallel_loop3A_294 : f32
        %parallel_loop3A_296 = arith.constant 7.812500e-03 : f32
        %parallel_loop3A_297 = arith.mulf %parallel_loop3A_293, %parallel_loop3A_296 : f32
        %parallel_loop3A_298 = arith.mulf %parallel_loop3A_295, %parallel_loop3A_295 : f32
        %parallel_loop3A_299 = arith.subf %parallel_loop3A_297, %parallel_loop3A_298 : f32
        %parallel_loop3A_300 = vector.broadcast %parallel_loop3A_295 : f32 to vector<16xf32>
        %parallel_loop3A_301 = vector.broadcast %parallel_loop3A_299 : f32 to vector<16xf32>
        %parallel_loop3A_302 = arith.constant 9.99999974E-6 : f32
        %parallel_loop3A_303 = vector.broadcast %parallel_loop3A_302 : f32 to vector<16xf32>
        %parallel_loop3A_304 = arith.addf %parallel_loop3A_301, %parallel_loop3A_303 : vector<16xf32>
        %parallel_loop3A_305 = vector.bitcast %parallel_loop3A_304 : vector<16xf32> to vector<16xi32>
        %parallel_loop3A_306 = arith.constant 1 : i32
        %parallel_loop3A_307 = vector.broadcast %parallel_loop3A_306 : i32 to vector<16xi32>
        %parallel_loop3A_308 = arith.shrui %parallel_loop3A_305, %parallel_loop3A_307 : vector<16xi32>
        %parallel_loop3A_309 = arith.constant 1597463007 : i32
        %parallel_loop3A_310 = vector.broadcast %parallel_loop3A_309 : i32 to vector<16xi32>
        %parallel_loop3A_311 = arith.subi %parallel_loop3A_310, %parallel_loop3A_308 : vector<16xi32>
        %parallel_loop3A_312 = vector.bitcast %parallel_loop3A_311 : vector<16xi32> to vector<16xf32>
        %parallel_loop3A_313 = arith.constant 5.000000e-01 : f32
        %parallel_loop3A_314 = vector.broadcast %parallel_loop3A_313 : f32 to vector<16xf32>
        %parallel_loop3A_315 = arith.mulf %parallel_loop3A_314, %parallel_loop3A_304 : vector<16xf32>
        %parallel_loop3A_316 = arith.mulf %parallel_loop3A_315, %parallel_loop3A_312 : vector<16xf32>
        %parallel_loop3A_317 = arith.mulf %parallel_loop3A_316, %parallel_loop3A_312 : vector<16xf32>
        %parallel_loop3A_318 = arith.constant 1.500000e+00 : f32
        %parallel_loop3A_319 = vector.broadcast %parallel_loop3A_318 : f32 to vector<16xf32>
        %parallel_loop3A_320 = arith.subf %parallel_loop3A_319, %parallel_loop3A_317 : vector<16xf32>
        %parallel_loop3A_321 = arith.mulf %parallel_loop3A_312, %parallel_loop3A_320 : vector<16xf32>
        %parallel_loop3A_322 = arith.constant 5.000000e-01 : f32
        %parallel_loop3A_323 = vector.broadcast %parallel_loop3A_322 : f32 to vector<16xf32>
        %parallel_loop3A_324 = arith.mulf %parallel_loop3A_323, %parallel_loop3A_304 : vector<16xf32>
        %parallel_loop3A_325 = arith.mulf %parallel_loop3A_324, %parallel_loop3A_321 : vector<16xf32>
        %parallel_loop3A_326 = arith.mulf %parallel_loop3A_325, %parallel_loop3A_321 : vector<16xf32>
        %parallel_loop3A_327 = arith.constant 1.500000e+00 : f32
        %parallel_loop3A_328 = vector.broadcast %parallel_loop3A_327 : f32 to vector<16xf32>
        %parallel_loop3A_329 = arith.subf %parallel_loop3A_328, %parallel_loop3A_326 : vector<16xf32>
        %parallel_loop3A_330 = arith.mulf %parallel_loop3A_321, %parallel_loop3A_329 : vector<16xf32>
        %parallel_loop3A_331 = arith.subf %parallel_loop3A_123, %parallel_loop3A_300 : vector<16xf32>
        %parallel_loop3A_332 = arith.mulf %parallel_loop3A_331, %parallel_loop3A_330 : vector<16xf32>
        %parallel_loop3A_333 = arith.index_cast %parallel_loop3A_103 : i32 to index
        %parallel_loop3A_334 = arith.constant 0 : index
        %parallel_loop3A_335 = tpu.vector_load %arg13[%parallel_loop3A_333, %parallel_loop3A_334] {strides = array<i32>} : memref<64x128xf32, #tpu.memory_space<vmem>>, vector<16xf32>,
        tpu.vector_store %arg13[%parallel_loop3A_333, %parallel_loop3A_334], %parallel_loop3A_332 {strides = array<i32>} : memref<64x128xf32, #tpu.memory_space<vmem>>, vector<16xf32>,
        %parallel_loop3A_336 = arith.subf %parallel_loop3A_144, %parallel_loop3A_300 : vector<16xf32>
        %parallel_loop3A_337 = arith.mulf %parallel_loop3A_336, %parallel_loop3A_330 : vector<16xf32>
        %parallel_loop3A_338 = arith.index_cast %parallel_loop3A_103 : i32 to index
        %parallel_loop3A_339 = arith.constant 16 : index
        %parallel_loop3A_340 = tpu.vector_load %arg13[%parallel_loop3A_338, %parallel_loop3A_339] {strides = array<i32>} : memref<64x128xf32, #tpu.memory_space<vmem>>, vector<16xf32>,
        tpu.vector_store %arg13[%parallel_loop3A_338, %parallel_loop3A_339], %parallel_loop3A_337 {strides = array<i32>} : memref<64x128xf32, #tpu.memory_space<vmem>>, vector<16xf32>,
        %parallel_loop3A_341 = arith.subf %parallel_loop3A_167, %parallel_loop3A_300 : vector<16xf32>
        %parallel_loop3A_342 = arith.mulf %parallel_loop3A_341, %parallel_loop3A_330 : vector<16xf32>
        %parallel_loop3A_343 = arith.index_cast %parallel_loop3A_103 : i32 to index
        %parallel_loop3A_344 = arith.constant 32 : index
        %parallel_loop3A_345 = tpu.vector_load %arg13[%parallel_loop3A_343, %parallel_loop3A_344] {strides = array<i32>} : memref<64x128xf32, #tpu.memory_space<vmem>>, vector<16xf32>,
        tpu.vector_store %arg13[%parallel_loop3A_343, %parallel_loop3A_344], %parallel_loop3A_342 {strides = array<i32>} : memref<64x128xf32, #tpu.memory_space<vmem>>, vector<16xf32>,
        %parallel_loop3A_346 = arith.subf %parallel_loop3A_190, %parallel_loop3A_300 : vector<16xf32>
        %parallel_loop3A_347 = arith.mulf %parallel_loop3A_346, %parallel_loop3A_330 : vector<16xf32>
        %parallel_loop3A_348 = arith.index_cast %parallel_loop3A_103 : i32 to index
        %parallel_loop3A_349 = arith.constant 48 : index
        %parallel_loop3A_350 = tpu.vector_load %arg13[%parallel_loop3A_348, %parallel_loop3A_349] {strides = array<i32>} : memref<64x128xf32, #tpu.memory_space<vmem>>, vector<16xf32>,
        tpu.vector_store %arg13[%parallel_loop3A_348, %parallel_loop3A_349], %parallel_loop3A_347 {strides = array<i32>} : memref<64x128xf32, #tpu.memory_space<vmem>>, vector<16xf32>,
        %parallel_loop3A_351 = arith.subf %parallel_loop3A_213, %parallel_loop3A_300 : vector<16xf32>
        %parallel_loop3A_352 = arith.mulf %parallel_loop3A_351, %parallel_loop3A_330 : vector<16xf32>
        %parallel_loop3A_353 = arith.index_cast %parallel_loop3A_103 : i32 to index
        %parallel_loop3A_354 = arith.constant 64 : index
        %parallel_loop3A_355 = tpu.vector_load %arg13[%parallel_loop3A_353, %parallel_loop3A_354] {strides = array<i32>} : memref<64x128xf32, #tpu.memory_space<vmem>>, vector<16xf32>,
        tpu.vector_store %arg13[%parallel_loop3A_353, %parallel_loop3A_354], %parallel_loop3A_352 {strides = array<i32>} : memref<64x128xf32, #tpu.memory_space<vmem>>, vector<16xf32>,
        %parallel_loop3A_356 = arith.subf %parallel_loop3A_236, %parallel_loop3A_300 : vector<16xf32>
        %parallel_loop3A_357 = arith.mulf %parallel_loop3A_356, %parallel_loop3A_330 : vector<16xf32>
        %parallel_loop3A_358 = arith.index_cast %parallel_loop3A_103 : i32 to index
        %parallel_loop3A_359 = arith.constant 80 : index
        %parallel_loop3A_360 = tpu.vector_load %arg13[%parallel_loop3A_358, %parallel_loop3A_359] {strides = array<i32>} : memref<64x128xf32, #tpu.memory_space<vmem>>, vector<16xf32>,
        tpu.vector_store %arg13[%parallel_loop3A_358, %parallel_loop3A_359], %parallel_loop3A_357 {strides = array<i32>} : memref<64x128xf32, #tpu.memory_space<vmem>>, vector<16xf32>,
        %parallel_loop3A_361 = arith.subf %parallel_loop3A_259, %parallel_loop3A_300 : vector<16xf32>
        %parallel_loop3A_362 = arith.mulf %parallel_loop3A_361, %parallel_loop3A_330 : vector<16xf32>
        %parallel_loop3A_363 = arith.index_cast %parallel_loop3A_103 : i32 to index
        %parallel_loop3A_364 = arith.constant 96 : index
        %parallel_loop3A_365 = tpu.vector_load %arg13[%parallel_loop3A_363, %parallel_loop3A_364] {strides = array<i32>} : memref<64x128xf32, #tpu.memory_space<vmem>>, vector<16xf32>,
        tpu.vector_store %arg13[%parallel_loop3A_363, %parallel_loop3A_364], %parallel_loop3A_362 {strides = array<i32>} : memref<64x128xf32, #tpu.memory_space<vmem>>, vector<16xf32>,
        %parallel_loop3A_366 = arith.subf %parallel_loop3A_282, %parallel_loop3A_300 : vector<16xf32>
        %parallel_loop3A_367 = arith.mulf %parallel_loop3A_366, %parallel_loop3A_330 : vector<16xf32>
        %parallel_loop3A_368 = arith.index_cast %parallel_loop3A_103 : i32 to index
        %parallel_loop3A_369 = arith.constant 112 : index
        %parallel_loop3A_370 = tpu.vector_load %arg13[%parallel_loop3A_368, %parallel_loop3A_369] {strides = array<i32>} : memref<64x128xf32, #tpu.memory_space<vmem>>, vector<16xf32>,
        tpu.vector_store %arg13[%parallel_loop3A_368, %parallel_loop3A_369], %parallel_loop3A_367 {strides = array<i32>} : memref<64x128xf32, #tpu.memory_space<vmem>>, vector<16xf32>,
      } {sc.loop_unroll_factor = 2 : i64, sc.parallel_access}
      %dma_start3A_77 = arith.constant 0 : i32
      %dma_start3A_78 = arith.constant 0 : i32
      %dma_start3A_79 = tpu.memref_slice %arg19[%dma_start3A_77, %dma_start3A_78] : memref<10112x128xf32, #tpu.memory_space<vmem_shared>> -> memref<10112x128xf32, #tpu.memory_space<vmem_shared>>
      tpu.enqueue_indirect_dma source(%arg13 : memref<64x128xf32, #tpu.memory_space<vmem>>) target(%dma_start3A_79 : memref<10112x128xf32, #tpu.memory_space<vmem_shared>>) offsets(%arg11 : memref<64xi32, #tpu.memory_space<vmem>>) semaphore(%arg23 : memref<!tpu.dma_semaphore, #tpu.memory_space<semaphore_mem>>) {add = true}
      %dma_start3A_80 = arith.constant 0 : i32
      %dma_start3A_81 = arith.constant 0 : i32
      %dma_start3A_82 = tpu.memref_slice %arg20[%dma_start3A_80, %dma_start3A_81] : memref<10112x16xf32, #tpu.memory_space<vmem_shared>> -> memref<10112x16xf32, #tpu.memory_space<vmem_shared>>
      tpu.enqueue_indirect_dma source(%arg18 : memref<64x16xf32, #tpu.memory_space<vmem>>) target(%dma_start3A_82 : memref<10112x16xf32, #tpu.memory_space<vmem_shared>>) offsets(%arg11 : memref<64xi32, #tpu.memory_space<vmem>>) semaphore(%arg24 : memref<!tpu.dma_semaphore, #tpu.memory_space<semaphore_mem>>) {add = true}
      %lt3A_83 = arith.constant 78 : i32
      %lt3A_84 = arith.cmpi slt, %scan3A_45, %lt3A_83 : i32
      %convert_element_type3A_85 = arith.extui %lt3A_84 : i1 to i32
      %cond3A_86 = arith.constant 0 : i32
      %cond3A_87 = arith.cmpi ne, %convert_element_type3A_85, %cond3A_86 : i32
      scf.if %cond3A_87 {
        %dma_wait3A_103 = arith.constant 0 : i32
        %dma_wait3A_104 = arith.constant 0 : i32
        %dma_wait3A_105 = tpu.memref_slice %arg19[%dma_wait3A_103, %dma_wait3A_104] : memref<10112x128xf32, #tpu.memory_space<vmem_shared>> -> memref<10112x128xf32, #tpu.memory_space<vmem_shared>>
        tpu.wait_indirect_dma semaphore(%arg23 : memref<!tpu.dma_semaphore, #tpu.memory_space<semaphore_mem>>) src(%arg13 : memref<64x128xf32, #tpu.memory_space<vmem>>) dst(%dma_wait3A_105 : memref<10112x128xf32, #tpu.memory_space<vmem_shared>>)
        %dma_wait3A_106 = arith.constant 0 : i32
        %dma_wait3A_107 = arith.constant 0 : i32
        %dma_wait3A_108 = tpu.memref_slice %arg20[%dma_wait3A_106, %dma_wait3A_107] : memref<10112x16xf32, #tpu.memory_space<vmem_shared>> -> memref<10112x16xf32, #tpu.memory_space<vmem_shared>>
        tpu.wait_indirect_dma semaphore(%arg24 : memref<!tpu.dma_semaphore, #tpu.memory_space<semaphore_mem>>) src(%arg18 : memref<64x16xf32, #tpu.memory_space<vmem>>) dst(%dma_wait3A_108 : memref<10112x16xf32, #tpu.memory_space<vmem_shared>>)
        %add3A_109 = arith.constant 2 : i32
        %add3A_110 = arith.addi %mul3A_47, %add3A_109 : i32
        %mul3A_111 = arith.constant 64 : i32
        %mul3A_112 = arith.muli %add3A_110, %mul3A_111 : i32
        %add3A_113 = arith.addi %mul3A_13, %mul3A_112 : i32
        %dma_start3A_114 = tpu.memref_slice %arg4[%add3A_113] : memref<323584xi32, #tpu.memory_space<hbm>> -> memref<64xi32, #tpu.memory_space<hbm>>
        %dma_start3A_115 = tpu.memref_slice %arg4[%add3A_113] : memref<323584xi32, #tpu.memory_space<hbm>> -> memref<64xi32, #tpu.memory_space<hbm>>
        tpu.enqueue_dma source(%dma_start3A_115 : memref<64xi32, #tpu.memory_space<hbm>>) target(%arg10 : memref<64xi32, #tpu.memory_space<vmem>>) target_semaphore(%arg29 : memref<!tpu.dma_semaphore, #tpu.memory_space<semaphore_mem>>)
        %dma_start3A_116 = tpu.memref_slice %arg5[%add3A_113] : memref<323584xi32, #tpu.memory_space<hbm>> -> memref<64xi32, #tpu.memory_space<hbm>>
        %dma_start3A_117 = tpu.memref_slice %arg5[%add3A_113] : memref<323584xi32, #tpu.memory_space<hbm>> -> memref<64xi32, #tpu.memory_space<hbm>>
        tpu.enqueue_dma source(%dma_start3A_117 : memref<64xi32, #tpu.memory_space<hbm>>) target(%arg11 : memref<64xi32, #tpu.memory_space<vmem>>) target_semaphore(%arg30 : memref<!tpu.dma_semaphore, #tpu.memory_space<semaphore_mem>>)
        %dma_wait3A_118 = tpu.memref_slice %arg4[%add3A_113] : memref<323584xi32, #tpu.memory_space<hbm>> -> memref<64xi32, #tpu.memory_space<hbm>>
        %dma_wait3A_119 = tpu.memref_slice %arg4[%add3A_113] : memref<323584xi32, #tpu.memory_space<hbm>> -> memref<64xi32, #tpu.memory_space<hbm>>
        tpu.wait_dma2 semaphore(%arg29 : memref<!tpu.dma_semaphore, #tpu.memory_space<semaphore_mem>>) src(%dma_wait3A_119 : memref<64xi32, #tpu.memory_space<hbm>>) dst(%arg10 : memref<64xi32, #tpu.memory_space<vmem>>)
        %dma_wait3A_120 = tpu.memref_slice %arg5[%add3A_113] : memref<323584xi32, #tpu.memory_space<hbm>> -> memref<64xi32, #tpu.memory_space<hbm>>
        %dma_wait3A_121 = tpu.memref_slice %arg5[%add3A_113] : memref<323584xi32, #tpu.memory_space<hbm>> -> memref<64xi32, #tpu.memory_space<hbm>>
        tpu.wait_dma2 semaphore(%arg30 : memref<!tpu.dma_semaphore, #tpu.memory_space<semaphore_mem>>) src(%dma_wait3A_121 : memref<64xi32, #tpu.memory_space<hbm>>) dst(%arg11 : memref<64xi32, #tpu.memory_space<vmem>>)
        %dma_start3A_122 = arith.constant 0 : i32
        %dma_start3A_123 = arith.constant 0 : i32
        %dma_start3A_124 = tpu.memref_slice %arg2[%dma_start3A_122, %dma_start3A_123] : memref<10112x128xf32, #tpu.memory_space<hbm>> -> memref<10112x128xf32, #tpu.memory_space<hbm>>
        tpu.enqueue_indirect_dma source(%dma_start3A_124 : memref<10112x128xf32, #tpu.memory_space<hbm>>) target(%arg12 : memref<64x128xf32, #tpu.memory_space<vmem>>) offsets(%arg10 : memref<64xi32, #tpu.memory_space<vmem>>) semaphore(%arg21 : memref<!tpu.dma_semaphore, #tpu.memory_space<semaphore_mem>>)
        %dma_start3A_125 = arith.constant 0 : i32
        %dma_start3A_126 = arith.constant 0 : i32
        %dma_start3A_127 = tpu.memref_slice %arg3[%dma_start3A_125, %dma_start3A_126] : memref<10112x128xf32, #tpu.memory_space<hbm>> -> memref<10112x128xf32, #tpu.memory_space<hbm>>
        tpu.enqueue_indirect_dma source(%dma_start3A_127 : memref<10112x128xf32, #tpu.memory_space<hbm>>) target(%arg13 : memref<64x128xf32, #tpu.memory_space<vmem>>) offsets(%arg11 : memref<64xi32, #tpu.memory_space<vmem>>) semaphore(%arg22 : memref<!tpu.dma_semaphore, #tpu.memory_space<semaphore_mem>>)
      } else {
      }
      %dma_wait3A_88 = arith.constant 0 : i32
      %dma_wait3A_89 = arith.constant 0 : i32
      %dma_wait3A_90 = tpu.memref_slice %arg2[%dma_wait3A_88, %dma_wait3A_89] : memref<10112x128xf32, #tpu.memory_space<hbm>> -> memref<10112x128xf32, #tpu.memory_space<hbm>>
      tpu.wait_indirect_dma semaphore(%arg25 : memref<!tpu.dma_semaphore, #tpu.memory_space<semaphore_mem>>) src(%dma_wait3A_90 : memref<10112x128xf32, #tpu.memory_space<hbm>>) dst(%arg16 : memref<64x128xf32, #tpu.memory_space<vmem>>)
      %dma_wait3A_91 = arith.constant 0 : i32
      %dma_wait3A_92 = arith.constant 0 : i32
      %dma_wait3A_93 = tpu.memref_slice %arg3[%dma_wait3A_91, %dma_wait3A_92] : memref<10112x128xf32, #tpu.memory_space<hbm>> -> memref<10112x128xf32, #tpu.memory_space<hbm>>
      tpu.wait_indirect_dma semaphore(%arg26 : memref<!tpu.dma_semaphore, #tpu.memory_space<semaphore_mem>>) src(%dma_wait3A_93 : memref<10112x128xf32, #tpu.memory_space<hbm>>) dst(%arg17 : memref<64x128xf32, #tpu.memory_space<vmem>>)
      %parallel_loop3A_94 = arith.constant 0 : i32
      %parallel_loop3A_95 = arith.constant 64 : i32
      %parallel_loop3A_96 = arith.constant 1 : i32
      scf.for %parallel_loop3A_103 = %parallel_loop3A_94 to %parallel_loop3A_95 step %parallel_loop3A_96  : i32 {
        %parallel_loop3A_104 = arith.index_cast %parallel_loop3A_103 : i32 to index
        %parallel_loop3A_105 = arith.constant 0 : index
        %parallel_loop3A_106 = tpu.vector_load %arg16[%parallel_loop3A_104, %parallel_loop3A_105] {strides = array<i32>} : memref<64x128xf32, #tpu.memory_space<vmem>>, vector<16xf32>,
        %parallel_loop3A_107 = arith.index_cast %parallel_loop3A_103 : i32 to index
        %parallel_loop3A_108 = arith.constant 0 : index
        %parallel_loop3A_109 = tpu.vector_load %arg17[%parallel_loop3A_107, %parallel_loop3A_108] {strides = array<i32>} : memref<64x128xf32, #tpu.memory_space<vmem>>, vector<16xf32>,
        %parallel_loop3A_110 = arith.addf %parallel_loop3A_106, %parallel_loop3A_109 : vector<16xf32>
        %parallel_loop3A_111 = arith.mulf %parallel_loop3A_110, %parallel_loop3A_110 : vector<16xf32>
        %parallel_loop3A_112 = arith.constant -0.0713548139 : f32
        %parallel_loop3A_113 = vector.broadcast %parallel_loop3A_112 : f32 to vector<16xf32>
        %parallel_loop3A_114 = arith.mulf %parallel_loop3A_113, %parallel_loop3A_111 : vector<16xf32>
        %parallel_loop3A_115 = arith.constant -1.59576917 : f32
        %parallel_loop3A_116 = vector.broadcast %parallel_loop3A_115 : f32 to vector<16xf32>
        %parallel_loop3A_117 = arith.addf %parallel_loop3A_116, %parallel_loop3A_114 : vector<16xf32>
        %parallel_loop3A_118 = arith.mulf %parallel_loop3A_110, %parallel_loop3A_117 : vector<16xf32>
        %parallel_loop3A_119 = math.exp %parallel_loop3A_118 : vector<16xf32>
        %parallel_loop3A_120 = arith.constant 1.000000e+00 : f32
        %parallel_loop3A_121 = vector.broadcast %parallel_loop3A_120 : f32 to vector<16xf32>
        %parallel_loop3A_122 = arith.addf %parallel_loop3A_121, %parallel_loop3A_119 : vector<16xf32>
        %parallel_loop3A_123 = arith.divf %parallel_loop3A_110, %parallel_loop3A_122 : vector<16xf32>
        %parallel_loop3A_124 = arith.mulf %parallel_loop3A_123, %parallel_loop3A_123 : vector<16xf32>
        %parallel_loop3A_125 = arith.index_cast %parallel_loop3A_103 : i32 to index
        %parallel_loop3A_126 = arith.constant 16 : index
        %parallel_loop3A_127 = tpu.vector_load %arg16[%parallel_loop3A_125, %parallel_loop3A_126] {strides = array<i32>} : memref<64x128xf32, #tpu.memory_space<vmem>>, vector<16xf32>,
        %parallel_loop3A_128 = arith.index_cast %parallel_loop3A_103 : i32 to index
        %parallel_loop3A_129 = arith.constant 16 : index
        %parallel_loop3A_130 = tpu.vector_load %arg17[%parallel_loop3A_128, %parallel_loop3A_129] {strides = array<i32>} : memref<64x128xf32, #tpu.memory_space<vmem>>, vector<16xf32>,
        %parallel_loop3A_131 = arith.addf %parallel_loop3A_127, %parallel_loop3A_130 : vector<16xf32>
        %parallel_loop3A_132 = arith.mulf %parallel_loop3A_131, %parallel_loop3A_131 : vector<16xf32>
        %parallel_loop3A_133 = arith.constant -0.0713548139 : f32
        %parallel_loop3A_134 = vector.broadcast %parallel_loop3A_133 : f32 to vector<16xf32>
        %parallel_loop3A_135 = arith.mulf %parallel_loop3A_134, %parallel_loop3A_132 : vector<16xf32>
        %parallel_loop3A_136 = arith.constant -1.59576917 : f32
        %parallel_loop3A_137 = vector.broadcast %parallel_loop3A_136 : f32 to vector<16xf32>
        %parallel_loop3A_138 = arith.addf %parallel_loop3A_137, %parallel_loop3A_135 : vector<16xf32>
        %parallel_loop3A_139 = arith.mulf %parallel_loop3A_131, %parallel_loop3A_138 : vector<16xf32>
        %parallel_loop3A_140 = math.exp %parallel_loop3A_139 : vector<16xf32>
        %parallel_loop3A_141 = arith.constant 1.000000e+00 : f32
        %parallel_loop3A_142 = vector.broadcast %parallel_loop3A_141 : f32 to vector<16xf32>
        %parallel_loop3A_143 = arith.addf %parallel_loop3A_142, %parallel_loop3A_140 : vector<16xf32>
        %parallel_loop3A_144 = arith.divf %parallel_loop3A_131, %parallel_loop3A_143 : vector<16xf32>
        %parallel_loop3A_145 = arith.addf %parallel_loop3A_123, %parallel_loop3A_144 : vector<16xf32>
        %parallel_loop3A_146 = arith.mulf %parallel_loop3A_144, %parallel_loop3A_144 : vector<16xf32>
        %parallel_loop3A_147 = arith.addf %parallel_loop3A_124, %parallel_loop3A_146 : vector<16xf32>
        %parallel_loop3A_148 = arith.index_cast %parallel_loop3A_103 : i32 to index
        %parallel_loop3A_149 = arith.constant 32 : index
        %parallel_loop3A_150 = tpu.vector_load %arg16[%parallel_loop3A_148, %parallel_loop3A_149] {strides = array<i32>} : memref<64x128xf32, #tpu.memory_space<vmem>>, vector<16xf32>,
        %parallel_loop3A_151 = arith.index_cast %parallel_loop3A_103 : i32 to index
        %parallel_loop3A_152 = arith.constant 32 : index
        %parallel_loop3A_153 = tpu.vector_load %arg17[%parallel_loop3A_151, %parallel_loop3A_152] {strides = array<i32>} : memref<64x128xf32, #tpu.memory_space<vmem>>, vector<16xf32>,
        %parallel_loop3A_154 = arith.addf %parallel_loop3A_150, %parallel_loop3A_153 : vector<16xf32>
        %parallel_loop3A_155 = arith.mulf %parallel_loop3A_154, %parallel_loop3A_154 : vector<16xf32>
        %parallel_loop3A_156 = arith.constant -0.0713548139 : f32
        %parallel_loop3A_157 = vector.broadcast %parallel_loop3A_156 : f32 to vector<16xf32>
        %parallel_loop3A_158 = arith.mulf %parallel_loop3A_157, %parallel_loop3A_155 : vector<16xf32>
        %parallel_loop3A_159 = arith.constant -1.59576917 : f32
        %parallel_loop3A_160 = vector.broadcast %parallel_loop3A_159 : f32 to vector<16xf32>
        %parallel_loop3A_161 = arith.addf %parallel_loop3A_160, %parallel_loop3A_158 : vector<16xf32>
        %parallel_loop3A_162 = arith.mulf %parallel_loop3A_154, %parallel_loop3A_161 : vector<16xf32>
        %parallel_loop3A_163 = math.exp %parallel_loop3A_162 : vector<16xf32>
        %parallel_loop3A_164 = arith.constant 1.000000e+00 : f32
        %parallel_loop3A_165 = vector.broadcast %parallel_loop3A_164 : f32 to vector<16xf32>
        %parallel_loop3A_166 = arith.addf %parallel_loop3A_165, %parallel_loop3A_163 : vector<16xf32>
        %parallel_loop3A_167 = arith.divf %parallel_loop3A_154, %parallel_loop3A_166 : vector<16xf32>
        %parallel_loop3A_168 = arith.addf %parallel_loop3A_145, %parallel_loop3A_167 : vector<16xf32>
        %parallel_loop3A_169 = arith.mulf %parallel_loop3A_167, %parallel_loop3A_167 : vector<16xf32>
        %parallel_loop3A_170 = arith.addf %parallel_loop3A_147, %parallel_loop3A_169 : vector<16xf32>
        %parallel_loop3A_171 = arith.index_cast %parallel_loop3A_103 : i32 to index
        %parallel_loop3A_172 = arith.constant 48 : index
        %parallel_loop3A_173 = tpu.vector_load %arg16[%parallel_loop3A_171, %parallel_loop3A_172] {strides = array<i32>} : memref<64x128xf32, #tpu.memory_space<vmem>>, vector<16xf32>,
        %parallel_loop3A_174 = arith.index_cast %parallel_loop3A_103 : i32 to index
        %parallel_loop3A_175 = arith.constant 48 : index
        %parallel_loop3A_176 = tpu.vector_load %arg17[%parallel_loop3A_174, %parallel_loop3A_175] {strides = array<i32>} : memref<64x128xf32, #tpu.memory_space<vmem>>, vector<16xf32>,
        %parallel_loop3A_177 = arith.addf %parallel_loop3A_173, %parallel_loop3A_176 : vector<16xf32>
        %parallel_loop3A_178 = arith.mulf %parallel_loop3A_177, %parallel_loop3A_177 : vector<16xf32>
        %parallel_loop3A_179 = arith.constant -0.0713548139 : f32
        %parallel_loop3A_180 = vector.broadcast %parallel_loop3A_179 : f32 to vector<16xf32>
        %parallel_loop3A_181 = arith.mulf %parallel_loop3A_180, %parallel_loop3A_178 : vector<16xf32>
        %parallel_loop3A_182 = arith.constant -1.59576917 : f32
        %parallel_loop3A_183 = vector.broadcast %parallel_loop3A_182 : f32 to vector<16xf32>
        %parallel_loop3A_184 = arith.addf %parallel_loop3A_183, %parallel_loop3A_181 : vector<16xf32>
        %parallel_loop3A_185 = arith.mulf %parallel_loop3A_177, %parallel_loop3A_184 : vector<16xf32>
        %parallel_loop3A_186 = math.exp %parallel_loop3A_185 : vector<16xf32>
        %parallel_loop3A_187 = arith.constant 1.000000e+00 : f32
        %parallel_loop3A_188 = vector.broadcast %parallel_loop3A_187 : f32 to vector<16xf32>
        %parallel_loop3A_189 = arith.addf %parallel_loop3A_188, %parallel_loop3A_186 : vector<16xf32>
        %parallel_loop3A_190 = arith.divf %parallel_loop3A_177, %parallel_loop3A_189 : vector<16xf32>
        %parallel_loop3A_191 = arith.addf %parallel_loop3A_168, %parallel_loop3A_190 : vector<16xf32>
        %parallel_loop3A_192 = arith.mulf %parallel_loop3A_190, %parallel_loop3A_190 : vector<16xf32>
        %parallel_loop3A_193 = arith.addf %parallel_loop3A_170, %parallel_loop3A_192 : vector<16xf32>
        %parallel_loop3A_194 = arith.index_cast %parallel_loop3A_103 : i32 to index
        %parallel_loop3A_195 = arith.constant 64 : index
        %parallel_loop3A_196 = tpu.vector_load %arg16[%parallel_loop3A_194, %parallel_loop3A_195] {strides = array<i32>} : memref<64x128xf32, #tpu.memory_space<vmem>>, vector<16xf32>,
        %parallel_loop3A_197 = arith.index_cast %parallel_loop3A_103 : i32 to index
        %parallel_loop3A_198 = arith.constant 64 : index
        %parallel_loop3A_199 = tpu.vector_load %arg17[%parallel_loop3A_197, %parallel_loop3A_198] {strides = array<i32>} : memref<64x128xf32, #tpu.memory_space<vmem>>, vector<16xf32>,
        %parallel_loop3A_200 = arith.addf %parallel_loop3A_196, %parallel_loop3A_199 : vector<16xf32>
        %parallel_loop3A_201 = arith.mulf %parallel_loop3A_200, %parallel_loop3A_200 : vector<16xf32>
        %parallel_loop3A_202 = arith.constant -0.0713548139 : f32
        %parallel_loop3A_203 = vector.broadcast %parallel_loop3A_202 : f32 to vector<16xf32>
        %parallel_loop3A_204 = arith.mulf %parallel_loop3A_203, %parallel_loop3A_201 : vector<16xf32>
        %parallel_loop3A_205 = arith.constant -1.59576917 : f32
        %parallel_loop3A_206 = vector.broadcast %parallel_loop3A_205 : f32 to vector<16xf32>
        %parallel_loop3A_207 = arith.addf %parallel_loop3A_206, %parallel_loop3A_204 : vector<16xf32>
        %parallel_loop3A_208 = arith.mulf %parallel_loop3A_200, %parallel_loop3A_207 : vector<16xf32>
        %parallel_loop3A_209 = math.exp %parallel_loop3A_208 : vector<16xf32>
        %parallel_loop3A_210 = arith.constant 1.000000e+00 : f32
        %parallel_loop3A_211 = vector.broadcast %parallel_loop3A_210 : f32 to vector<16xf32>
        %parallel_loop3A_212 = arith.addf %parallel_loop3A_211, %parallel_loop3A_209 : vector<16xf32>
        %parallel_loop3A_213 = arith.divf %parallel_loop3A_200, %parallel_loop3A_212 : vector<16xf32>
        %parallel_loop3A_214 = arith.addf %parallel_loop3A_191, %parallel_loop3A_213 : vector<16xf32>
        %parallel_loop3A_215 = arith.mulf %parallel_loop3A_213, %parallel_loop3A_213 : vector<16xf32>
        %parallel_loop3A_216 = arith.addf %parallel_loop3A_193, %parallel_loop3A_215 : vector<16xf32>
        %parallel_loop3A_217 = arith.index_cast %parallel_loop3A_103 : i32 to index
        %parallel_loop3A_218 = arith.constant 80 : index
        %parallel_loop3A_219 = tpu.vector_load %arg16[%parallel_loop3A_217, %parallel_loop3A_218] {strides = array<i32>} : memref<64x128xf32, #tpu.memory_space<vmem>>, vector<16xf32>,
        %parallel_loop3A_220 = arith.index_cast %parallel_loop3A_103 : i32 to index
        %parallel_loop3A_221 = arith.constant 80 : index
        %parallel_loop3A_222 = tpu.vector_load %arg17[%parallel_loop3A_220, %parallel_loop3A_221] {strides = array<i32>} : memref<64x128xf32, #tpu.memory_space<vmem>>, vector<16xf32>,
        %parallel_loop3A_223 = arith.addf %parallel_loop3A_219, %parallel_loop3A_222 : vector<16xf32>
        %parallel_loop3A_224 = arith.mulf %parallel_loop3A_223, %parallel_loop3A_223 : vector<16xf32>
        %parallel_loop3A_225 = arith.constant -0.0713548139 : f32
        %parallel_loop3A_226 = vector.broadcast %parallel_loop3A_225 : f32 to vector<16xf32>
        %parallel_loop3A_227 = arith.mulf %parallel_loop3A_226, %parallel_loop3A_224 : vector<16xf32>
        %parallel_loop3A_228 = arith.constant -1.59576917 : f32
        %parallel_loop3A_229 = vector.broadcast %parallel_loop3A_228 : f32 to vector<16xf32>
        %parallel_loop3A_230 = arith.addf %parallel_loop3A_229, %parallel_loop3A_227 : vector<16xf32>
        %parallel_loop3A_231 = arith.mulf %parallel_loop3A_223, %parallel_loop3A_230 : vector<16xf32>
        %parallel_loop3A_232 = math.exp %parallel_loop3A_231 : vector<16xf32>
        %parallel_loop3A_233 = arith.constant 1.000000e+00 : f32
        %parallel_loop3A_234 = vector.broadcast %parallel_loop3A_233 : f32 to vector<16xf32>
        %parallel_loop3A_235 = arith.addf %parallel_loop3A_234, %parallel_loop3A_232 : vector<16xf32>
        %parallel_loop3A_236 = arith.divf %parallel_loop3A_223, %parallel_loop3A_235 : vector<16xf32>
        %parallel_loop3A_237 = arith.addf %parallel_loop3A_214, %parallel_loop3A_236 : vector<16xf32>
        %parallel_loop3A_238 = arith.mulf %parallel_loop3A_236, %parallel_loop3A_236 : vector<16xf32>
        %parallel_loop3A_239 = arith.addf %parallel_loop3A_216, %parallel_loop3A_238 : vector<16xf32>
        %parallel_loop3A_240 = arith.index_cast %parallel_loop3A_103 : i32 to index
        %parallel_loop3A_241 = arith.constant 96 : index
        %parallel_loop3A_242 = tpu.vector_load %arg16[%parallel_loop3A_240, %parallel_loop3A_241] {strides = array<i32>} : memref<64x128xf32, #tpu.memory_space<vmem>>, vector<16xf32>,
        %parallel_loop3A_243 = arith.index_cast %parallel_loop3A_103 : i32 to index
        %parallel_loop3A_244 = arith.constant 96 : index
        %parallel_loop3A_245 = tpu.vector_load %arg17[%parallel_loop3A_243, %parallel_loop3A_244] {strides = array<i32>} : memref<64x128xf32, #tpu.memory_space<vmem>>, vector<16xf32>,
        %parallel_loop3A_246 = arith.addf %parallel_loop3A_242, %parallel_loop3A_245 : vector<16xf32>
        %parallel_loop3A_247 = arith.mulf %parallel_loop3A_246, %parallel_loop3A_246 : vector<16xf32>
        %parallel_loop3A_248 = arith.constant -0.0713548139 : f32
        %parallel_loop3A_249 = vector.broadcast %parallel_loop3A_248 : f32 to vector<16xf32>
        %parallel_loop3A_250 = arith.mulf %parallel_loop3A_249, %parallel_loop3A_247 : vector<16xf32>
        %parallel_loop3A_251 = arith.constant -1.59576917 : f32
        %parallel_loop3A_252 = vector.broadcast %parallel_loop3A_251 : f32 to vector<16xf32>
        %parallel_loop3A_253 = arith.addf %parallel_loop3A_252, %parallel_loop3A_250 : vector<16xf32>
        %parallel_loop3A_254 = arith.mulf %parallel_loop3A_246, %parallel_loop3A_253 : vector<16xf32>
        %parallel_loop3A_255 = math.exp %parallel_loop3A_254 : vector<16xf32>
        %parallel_loop3A_256 = arith.constant 1.000000e+00 : f32
        %parallel_loop3A_257 = vector.broadcast %parallel_loop3A_256 : f32 to vector<16xf32>
        %parallel_loop3A_258 = arith.addf %parallel_loop3A_257, %parallel_loop3A_255 : vector<16xf32>
        %parallel_loop3A_259 = arith.divf %parallel_loop3A_246, %parallel_loop3A_258 : vector<16xf32>
        %parallel_loop3A_260 = arith.addf %parallel_loop3A_237, %parallel_loop3A_259 : vector<16xf32>
        %parallel_loop3A_261 = arith.mulf %parallel_loop3A_259, %parallel_loop3A_259 : vector<16xf32>
        %parallel_loop3A_262 = arith.addf %parallel_loop3A_239, %parallel_loop3A_261 : vector<16xf32>
        %parallel_loop3A_263 = arith.index_cast %parallel_loop3A_103 : i32 to index
        %parallel_loop3A_264 = arith.constant 112 : index
        %parallel_loop3A_265 = tpu.vector_load %arg16[%parallel_loop3A_263, %parallel_loop3A_264] {strides = array<i32>} : memref<64x128xf32, #tpu.memory_space<vmem>>, vector<16xf32>,
        %parallel_loop3A_266 = arith.index_cast %parallel_loop3A_103 : i32 to index
        %parallel_loop3A_267 = arith.constant 112 : index
        %parallel_loop3A_268 = tpu.vector_load %arg17[%parallel_loop3A_266, %parallel_loop3A_267] {strides = array<i32>} : memref<64x128xf32, #tpu.memory_space<vmem>>, vector<16xf32>,
        %parallel_loop3A_269 = arith.addf %parallel_loop3A_265, %parallel_loop3A_268 : vector<16xf32>
        %parallel_loop3A_270 = arith.mulf %parallel_loop3A_269, %parallel_loop3A_269 : vector<16xf32>
        %parallel_loop3A_271 = arith.constant -0.0713548139 : f32
        %parallel_loop3A_272 = vector.broadcast %parallel_loop3A_271 : f32 to vector<16xf32>
        %parallel_loop3A_273 = arith.mulf %parallel_loop3A_272, %parallel_loop3A_270 : vector<16xf32>
        %parallel_loop3A_274 = arith.constant -1.59576917 : f32
        %parallel_loop3A_275 = vector.broadcast %parallel_loop3A_274 : f32 to vector<16xf32>
        %parallel_loop3A_276 = arith.addf %parallel_loop3A_275, %parallel_loop3A_273 : vector<16xf32>
        %parallel_loop3A_277 = arith.mulf %parallel_loop3A_269, %parallel_loop3A_276 : vector<16xf32>
        %parallel_loop3A_278 = math.exp %parallel_loop3A_277 : vector<16xf32>
        %parallel_loop3A_279 = arith.constant 1.000000e+00 : f32
        %parallel_loop3A_280 = vector.broadcast %parallel_loop3A_279 : f32 to vector<16xf32>
        %parallel_loop3A_281 = arith.addf %parallel_loop3A_280, %parallel_loop3A_278 : vector<16xf32>
        %parallel_loop3A_282 = arith.divf %parallel_loop3A_269, %parallel_loop3A_281 : vector<16xf32>
        %parallel_loop3A_283 = arith.addf %parallel_loop3A_260, %parallel_loop3A_282 : vector<16xf32>
        %parallel_loop3A_284 = arith.mulf %parallel_loop3A_282, %parallel_loop3A_282 : vector<16xf32>
        %parallel_loop3A_285 = arith.addf %parallel_loop3A_262, %parallel_loop3A_284 : vector<16xf32>
        %parallel_loop3A_286 = arith.constant true
        %parallel_loop3A_287 = vector.broadcast %parallel_loop3A_286 : i1 to vector<16xi1>
        %parallel_loop3A_288 = tpu.scan <sum>, %parallel_loop3A_283 masked %parallel_loop3A_287 : vector<16xf32>, vector<16xi1> -> vector<16xf32>
        %parallel_loop3A_289 = vector.extract %parallel_loop3A_288[15] : f32 from vector<16xf32>
        %parallel_loop3A_290 = arith.constant true
        %parallel_loop3A_291 = vector.broadcast %parallel_loop3A_290 : i1 to vector<16xi1>
        %parallel_loop3A_292 = tpu.scan <sum>, %parallel_loop3A_285 masked %parallel_loop3A_291 : vector<16xf32>, vector<16xi1> -> vector<16xf32>
        %parallel_loop3A_293 = vector.extract %parallel_loop3A_292[15] : f32 from vector<16xf32>
        %parallel_loop3A_294 = arith.constant 7.812500e-03 : f32
        %parallel_loop3A_295 = arith.mulf %parallel_loop3A_289, %parallel_loop3A_294 : f32
        %parallel_loop3A_296 = arith.constant 7.812500e-03 : f32
        %parallel_loop3A_297 = arith.mulf %parallel_loop3A_293, %parallel_loop3A_296 : f32
        %parallel_loop3A_298 = arith.mulf %parallel_loop3A_295, %parallel_loop3A_295 : f32
        %parallel_loop3A_299 = arith.subf %parallel_loop3A_297, %parallel_loop3A_298 : f32
        %parallel_loop3A_300 = vector.broadcast %parallel_loop3A_295 : f32 to vector<16xf32>
        %parallel_loop3A_301 = vector.broadcast %parallel_loop3A_299 : f32 to vector<16xf32>
        %parallel_loop3A_302 = arith.constant 9.99999974E-6 : f32
        %parallel_loop3A_303 = vector.broadcast %parallel_loop3A_302 : f32 to vector<16xf32>
        %parallel_loop3A_304 = arith.addf %parallel_loop3A_301, %parallel_loop3A_303 : vector<16xf32>
        %parallel_loop3A_305 = vector.bitcast %parallel_loop3A_304 : vector<16xf32> to vector<16xi32>
        %parallel_loop3A_306 = arith.constant 1 : i32
        %parallel_loop3A_307 = vector.broadcast %parallel_loop3A_306 : i32 to vector<16xi32>
        %parallel_loop3A_308 = arith.shrui %parallel_loop3A_305, %parallel_loop3A_307 : vector<16xi32>
        %parallel_loop3A_309 = arith.constant 1597463007 : i32
        %parallel_loop3A_310 = vector.broadcast %parallel_loop3A_309 : i32 to vector<16xi32>
        %parallel_loop3A_311 = arith.subi %parallel_loop3A_310, %parallel_loop3A_308 : vector<16xi32>
        %parallel_loop3A_312 = vector.bitcast %parallel_loop3A_311 : vector<16xi32> to vector<16xf32>
        %parallel_loop3A_313 = arith.constant 5.000000e-01 : f32
        %parallel_loop3A_314 = vector.broadcast %parallel_loop3A_313 : f32 to vector<16xf32>
        %parallel_loop3A_315 = arith.mulf %parallel_loop3A_314, %parallel_loop3A_304 : vector<16xf32>
        %parallel_loop3A_316 = arith.mulf %parallel_loop3A_315, %parallel_loop3A_312 : vector<16xf32>
        %parallel_loop3A_317 = arith.mulf %parallel_loop3A_316, %parallel_loop3A_312 : vector<16xf32>
        %parallel_loop3A_318 = arith.constant 1.500000e+00 : f32
        %parallel_loop3A_319 = vector.broadcast %parallel_loop3A_318 : f32 to vector<16xf32>
        %parallel_loop3A_320 = arith.subf %parallel_loop3A_319, %parallel_loop3A_317 : vector<16xf32>
        %parallel_loop3A_321 = arith.mulf %parallel_loop3A_312, %parallel_loop3A_320 : vector<16xf32>
        %parallel_loop3A_322 = arith.constant 5.000000e-01 : f32
        %parallel_loop3A_323 = vector.broadcast %parallel_loop3A_322 : f32 to vector<16xf32>
        %parallel_loop3A_324 = arith.mulf %parallel_loop3A_323, %parallel_loop3A_304 : vector<16xf32>
        %parallel_loop3A_325 = arith.mulf %parallel_loop3A_324, %parallel_loop3A_321 : vector<16xf32>
        %parallel_loop3A_326 = arith.mulf %parallel_loop3A_325, %parallel_loop3A_321 : vector<16xf32>
        %parallel_loop3A_327 = arith.constant 1.500000e+00 : f32
        %parallel_loop3A_328 = vector.broadcast %parallel_loop3A_327 : f32 to vector<16xf32>
        %parallel_loop3A_329 = arith.subf %parallel_loop3A_328, %parallel_loop3A_326 : vector<16xf32>
        %parallel_loop3A_330 = arith.mulf %parallel_loop3A_321, %parallel_loop3A_329 : vector<16xf32>
        %parallel_loop3A_331 = arith.subf %parallel_loop3A_123, %parallel_loop3A_300 : vector<16xf32>
        %parallel_loop3A_332 = arith.mulf %parallel_loop3A_331, %parallel_loop3A_330 : vector<16xf32>
        %parallel_loop3A_333 = arith.index_cast %parallel_loop3A_103 : i32 to index
        %parallel_loop3A_334 = arith.constant 0 : index
        %parallel_loop3A_335 = tpu.vector_load %arg17[%parallel_loop3A_333, %parallel_loop3A_334] {strides = array<i32>} : memref<64x128xf32, #tpu.memory_space<vmem>>, vector<16xf32>,
        tpu.vector_store %arg17[%parallel_loop3A_333, %parallel_loop3A_334], %parallel_loop3A_332 {strides = array<i32>} : memref<64x128xf32, #tpu.memory_space<vmem>>, vector<16xf32>,
        %parallel_loop3A_336 = arith.subf %parallel_loop3A_144, %parallel_loop3A_300 : vector<16xf32>
        %parallel_loop3A_337 = arith.mulf %parallel_loop3A_336, %parallel_loop3A_330 : vector<16xf32>
        %parallel_loop3A_338 = arith.index_cast %parallel_loop3A_103 : i32 to index
        %parallel_loop3A_339 = arith.constant 16 : index
        %parallel_loop3A_340 = tpu.vector_load %arg17[%parallel_loop3A_338, %parallel_loop3A_339] {strides = array<i32>} : memref<64x128xf32, #tpu.memory_space<vmem>>, vector<16xf32>,
        tpu.vector_store %arg17[%parallel_loop3A_338, %parallel_loop3A_339], %parallel_loop3A_337 {strides = array<i32>} : memref<64x128xf32, #tpu.memory_space<vmem>>, vector<16xf32>,
        %parallel_loop3A_341 = arith.subf %parallel_loop3A_167, %parallel_loop3A_300 : vector<16xf32>
        %parallel_loop3A_342 = arith.mulf %parallel_loop3A_341, %parallel_loop3A_330 : vector<16xf32>
        %parallel_loop3A_343 = arith.index_cast %parallel_loop3A_103 : i32 to index
        %parallel_loop3A_344 = arith.constant 32 : index
        %parallel_loop3A_345 = tpu.vector_load %arg17[%parallel_loop3A_343, %parallel_loop3A_344] {strides = array<i32>} : memref<64x128xf32, #tpu.memory_space<vmem>>, vector<16xf32>,
        tpu.vector_store %arg17[%parallel_loop3A_343, %parallel_loop3A_344], %parallel_loop3A_342 {strides = array<i32>} : memref<64x128xf32, #tpu.memory_space<vmem>>, vector<16xf32>,
        %parallel_loop3A_346 = arith.subf %parallel_loop3A_190, %parallel_loop3A_300 : vector<16xf32>
        %parallel_loop3A_347 = arith.mulf %parallel_loop3A_346, %parallel_loop3A_330 : vector<16xf32>
        %parallel_loop3A_348 = arith.index_cast %parallel_loop3A_103 : i32 to index
        %parallel_loop3A_349 = arith.constant 48 : index
        %parallel_loop3A_350 = tpu.vector_load %arg17[%parallel_loop3A_348, %parallel_loop3A_349] {strides = array<i32>} : memref<64x128xf32, #tpu.memory_space<vmem>>, vector<16xf32>,
        tpu.vector_store %arg17[%parallel_loop3A_348, %parallel_loop3A_349], %parallel_loop3A_347 {strides = array<i32>} : memref<64x128xf32, #tpu.memory_space<vmem>>, vector<16xf32>,
        %parallel_loop3A_351 = arith.subf %parallel_loop3A_213, %parallel_loop3A_300 : vector<16xf32>
        %parallel_loop3A_352 = arith.mulf %parallel_loop3A_351, %parallel_loop3A_330 : vector<16xf32>
        %parallel_loop3A_353 = arith.index_cast %parallel_loop3A_103 : i32 to index
        %parallel_loop3A_354 = arith.constant 64 : index
        %parallel_loop3A_355 = tpu.vector_load %arg17[%parallel_loop3A_353, %parallel_loop3A_354] {strides = array<i32>} : memref<64x128xf32, #tpu.memory_space<vmem>>, vector<16xf32>,
        tpu.vector_store %arg17[%parallel_loop3A_353, %parallel_loop3A_354], %parallel_loop3A_352 {strides = array<i32>} : memref<64x128xf32, #tpu.memory_space<vmem>>, vector<16xf32>,
        %parallel_loop3A_356 = arith.subf %parallel_loop3A_236, %parallel_loop3A_300 : vector<16xf32>
        %parallel_loop3A_357 = arith.mulf %parallel_loop3A_356, %parallel_loop3A_330 : vector<16xf32>
        %parallel_loop3A_358 = arith.index_cast %parallel_loop3A_103 : i32 to index
        %parallel_loop3A_359 = arith.constant 80 : index
        %parallel_loop3A_360 = tpu.vector_load %arg17[%parallel_loop3A_358, %parallel_loop3A_359] {strides = array<i32>} : memref<64x128xf32, #tpu.memory_space<vmem>>, vector<16xf32>,
        tpu.vector_store %arg17[%parallel_loop3A_358, %parallel_loop3A_359], %parallel_loop3A_357 {strides = array<i32>} : memref<64x128xf32, #tpu.memory_space<vmem>>, vector<16xf32>,
        %parallel_loop3A_361 = arith.subf %parallel_loop3A_259, %parallel_loop3A_300 : vector<16xf32>
        %parallel_loop3A_362 = arith.mulf %parallel_loop3A_361, %parallel_loop3A_330 : vector<16xf32>
        %parallel_loop3A_363 = arith.index_cast %parallel_loop3A_103 : i32 to index
        %parallel_loop3A_364 = arith.constant 96 : index
        %parallel_loop3A_365 = tpu.vector_load %arg17[%parallel_loop3A_363, %parallel_loop3A_364] {strides = array<i32>} : memref<64x128xf32, #tpu.memory_space<vmem>>, vector<16xf32>,
        tpu.vector_store %arg17[%parallel_loop3A_363, %parallel_loop3A_364], %parallel_loop3A_362 {strides = array<i32>} : memref<64x128xf32, #tpu.memory_space<vmem>>, vector<16xf32>,
        %parallel_loop3A_366 = arith.subf %parallel_loop3A_282, %parallel_loop3A_300 : vector<16xf32>
        %parallel_loop3A_367 = arith.mulf %parallel_loop3A_366, %parallel_loop3A_330 : vector<16xf32>
        %parallel_loop3A_368 = arith.index_cast %parallel_loop3A_103 : i32 to index
        %parallel_loop3A_369 = arith.constant 112 : index
        %parallel_loop3A_370 = tpu.vector_load %arg17[%parallel_loop3A_368, %parallel_loop3A_369] {strides = array<i32>} : memref<64x128xf32, #tpu.memory_space<vmem>>, vector<16xf32>,
        tpu.vector_store %arg17[%parallel_loop3A_368, %parallel_loop3A_369], %parallel_loop3A_367 {strides = array<i32>} : memref<64x128xf32, #tpu.memory_space<vmem>>, vector<16xf32>,
      } {sc.loop_unroll_factor = 2 : i64, sc.parallel_access}
      %dma_start3A_97 = arith.constant 0 : i32
      %dma_start3A_98 = arith.constant 0 : i32
      %dma_start3A_99 = tpu.memref_slice %arg19[%dma_start3A_97, %dma_start3A_98] : memref<10112x128xf32, #tpu.memory_space<vmem_shared>> -> memref<10112x128xf32, #tpu.memory_space<vmem_shared>>
      tpu.enqueue_indirect_dma source(%arg17 : memref<64x128xf32, #tpu.memory_space<vmem>>) target(%dma_start3A_99 : memref<10112x128xf32, #tpu.memory_space<vmem_shared>>) offsets(%arg15 : memref<64xi32, #tpu.memory_space<vmem>>) semaphore(%arg27 : memref<!tpu.dma_semaphore, #tpu.memory_space<semaphore_mem>>) {add = true}
      %dma_start3A_100 = arith.constant 0 : i32
      %dma_start3A_101 = arith.constant 0 : i32
      %dma_start3A_102 = tpu.memref_slice %arg20[%dma_start3A_100, %dma_start3A_101] : memref<10112x16xf32, #tpu.memory_space<vmem_shared>> -> memref<10112x16xf32, #tpu.memory_space<vmem_shared>>
      tpu.enqueue_indirect_dma source(%arg18 : memref<64x16xf32, #tpu.memory_space<vmem>>) target(%dma_start3A_102 : memref<10112x16xf32, #tpu.memory_space<vmem_shared>>) offsets(%arg15 : memref<64xi32, #tpu.memory_space<vmem>>) semaphore(%arg28 : memref<!tpu.dma_semaphore, #tpu.memory_space<semaphore_mem>>) {add = true}
    }
    %scan3A_31 = arith.constant 79 : i32
    %dma_wait3A_32 = arith.constant 0 : i32
    %dma_wait3A_33 = arith.constant 0 : i32
    %dma_wait3A_34 = tpu.memref_slice %arg19[%dma_wait3A_32, %dma_wait3A_33] : memref<10112x128xf32, #tpu.memory_space<vmem_shared>> -> memref<10112x128xf32, #tpu.memory_space<vmem_shared>>
    tpu.wait_indirect_dma semaphore(%arg23 : memref<!tpu.dma_semaphore, #tpu.memory_space<semaphore_mem>>) src(%arg13 : memref<64x128xf32, #tpu.memory_space<vmem>>) dst(%dma_wait3A_34 : memref<10112x128xf32, #tpu.memory_space<vmem_shared>>)
    %dma_wait3A_35 = arith.constant 0 : i32
    %dma_wait3A_36 = arith.constant 0 : i32
    %dma_wait3A_37 = tpu.memref_slice %arg20[%dma_wait3A_35, %dma_wait3A_36] : memref<10112x16xf32, #tpu.memory_space<vmem_shared>> -> memref<10112x16xf32, #tpu.memory_space<vmem_shared>>
    tpu.wait_indirect_dma semaphore(%arg24 : memref<!tpu.dma_semaphore, #tpu.memory_space<semaphore_mem>>) src(%arg18 : memref<64x16xf32, #tpu.memory_space<vmem>>) dst(%dma_wait3A_37 : memref<10112x16xf32, #tpu.memory_space<vmem_shared>>)
    %dma_wait3A_38 = arith.constant 0 : i32
    %dma_wait3A_39 = arith.constant 0 : i32
    %dma_wait3A_40 = tpu.memref_slice %arg19[%dma_wait3A_38, %dma_wait3A_39] : memref<10112x128xf32, #tpu.memory_space<vmem_shared>> -> memref<10112x128xf32, #tpu.memory_space<vmem_shared>>
    tpu.wait_indirect_dma semaphore(%arg27 : memref<!tpu.dma_semaphore, #tpu.memory_space<semaphore_mem>>) src(%arg17 : memref<64x128xf32, #tpu.memory_space<vmem>>) dst(%dma_wait3A_40 : memref<10112x128xf32, #tpu.memory_space<vmem_shared>>)
    %dma_wait3A_41 = arith.constant 0 : i32
    %dma_wait3A_42 = arith.constant 0 : i32
    %dma_wait3A_43 = tpu.memref_slice %arg20[%dma_wait3A_41, %dma_wait3A_42] : memref<10112x16xf32, #tpu.memory_space<vmem_shared>> -> memref<10112x16xf32, #tpu.memory_space<vmem_shared>>
    tpu.wait_indirect_dma semaphore(%arg28 : memref<!tpu.dma_semaphore, #tpu.memory_space<semaphore_mem>>) src(%arg18 : memref<64x16xf32, #tpu.memory_space<vmem>>) dst(%dma_wait3A_43 : memref<10112x16xf32, #tpu.memory_space<vmem_shared>>)
    %barrier3A_44 = arith.constant 0 : index
    tpu.barrier barrier_id(%barrier3A_44)
    "tpu.region"() ({
      %run_scoped3A = tpu.sem_alloc : memref<!tpu.dma_semaphore, #tpu.memory_space<semaphore_mem>>
      %dma_start3A_45 = arith.constant 0 : i32
      %dma_start3A_46 = tpu.memref_slice %arg8[%arg0, %mul3A_2, %dma_start3A_45] : memref<2x10112x128xf32, #tpu.memory_space<hbm>> -> memref<1x632x128xf32, #tpu.memory_space<hbm>>
      %dma_start3A_47 = tpu.memref_squeeze %dma_start3A_46 : memref<1x632x128xf32, #tpu.memory_space<hbm>> -> memref<632x128xf32, #tpu.memory_space<hbm>>
      %dma_start3A_48 = arith.constant 0 : i32
      %dma_start3A_49 = tpu.memref_slice %arg19[%mul3A_2, %dma_start3A_48] : memref<10112x128xf32, #tpu.memory_space<vmem_shared>> -> memref<632x128xf32, #tpu.memory_space<vmem_shared>>
      tpu.enqueue_dma source(%dma_start3A_49 : memref<632x128xf32, #tpu.memory_space<vmem_shared>>) target(%dma_start3A_47 : memref<632x128xf32, #tpu.memory_space<hbm>>) target_semaphore(%run_scoped3A : memref<!tpu.dma_semaphore, #tpu.memory_space<semaphore_mem>>)
      %dma_wait3A_50 = arith.constant 0 : i32
      %dma_wait3A_51 = tpu.memref_slice %arg8[%arg0, %mul3A_2, %dma_wait3A_50] : memref<2x10112x128xf32, #tpu.memory_space<hbm>> -> memref<1x632x128xf32, #tpu.memory_space<hbm>>
      %dma_wait3A_52 = tpu.memref_squeeze %dma_wait3A_51 : memref<1x632x128xf32, #tpu.memory_space<hbm>> -> memref<632x128xf32, #tpu.memory_space<hbm>>
      %dma_wait3A_53 = arith.constant 0 : i32
      %dma_wait3A_54 = tpu.memref_slice %arg19[%mul3A_2, %dma_wait3A_53] : memref<10112x128xf32, #tpu.memory_space<vmem_shared>> -> memref<632x128xf32, #tpu.memory_space<vmem_shared>>
      tpu.wait_dma2 semaphore(%run_scoped3A : memref<!tpu.dma_semaphore, #tpu.memory_space<semaphore_mem>>) src(%dma_wait3A_54 : memref<632x128xf32, #tpu.memory_space<vmem_shared>>) dst(%dma_wait3A_52 : memref<632x128xf32, #tpu.memory_space<hbm>>)
      tpu.yield
    }) : () -> ()
    "tpu.region"() ({
      %run_scoped3A = tpu.sem_alloc : memref<!tpu.dma_semaphore, #tpu.memory_space<semaphore_mem>>
      %dma_start3A_45 = arith.constant 0 : i32
      %dma_start3A_46 = tpu.memref_slice %arg9[%arg0, %mul3A_2, %dma_start3A_45] : memref<2x10112x16xf32, #tpu.memory_space<hbm>> -> memref<1x632x16xf32, #tpu.memory_space<hbm>>
      %dma_start3A_47 = tpu.memref_squeeze %dma_start3A_46 : memref<1x632x16xf32, #tpu.memory_space<hbm>> -> memref<632x16xf32, #tpu.memory_space<hbm>>
      %dma_start3A_48 = arith.constant 0 : i32
      %dma_start3A_49 = tpu.memref_slice %arg20[%mul3A_2, %dma_start3A_48] : memref<10112x16xf32, #tpu.memory_space<vmem_shared>> -> memref<632x16xf32, #tpu.memory_space<vmem_shared>>
      tpu.enqueue_dma source(%dma_start3A_49 : memref<632x16xf32, #tpu.memory_space<vmem_shared>>) target(%dma_start3A_47 : memref<632x16xf32, #tpu.memory_space<hbm>>) target_semaphore(%run_scoped3A : memref<!tpu.dma_semaphore, #tpu.memory_space<semaphore_mem>>)
      %dma_wait3A_50 = arith.constant 0 : i32
      %dma_wait3A_51 = tpu.memref_slice %arg9[%arg0, %mul3A_2, %dma_wait3A_50] : memref<2x10112x16xf32, #tpu.memory_space<hbm>> -> memref<1x632x16xf32, #tpu.memory_space<hbm>>
      %dma_wait3A_52 = tpu.memref_squeeze %dma_wait3A_51 : memref<1x632x16xf32, #tpu.memory_space<hbm>> -> memref<632x16xf32, #tpu.memory_space<hbm>>
      %dma_wait3A_53 = arith.constant 0 : i32
      %dma_wait3A_54 = tpu.memref_slice %arg20[%mul3A_2, %dma_wait3A_53] : memref<10112x16xf32, #tpu.memory_space<vmem_shared>> -> memref<632x16xf32, #tpu.memory_space<vmem_shared>>
      tpu.wait_dma2 semaphore(%run_scoped3A : memref<!tpu.dma_semaphore, #tpu.memory_space<semaphore_mem>>) src(%dma_wait3A_54 : memref<632x16xf32, #tpu.memory_space<vmem_shared>>) dst(%dma_wait3A_52 : memref<632x16xf32, #tpu.memory_space<hbm>>)
      tpu.yield
    }) : () -> ()
    return
  }
}

module attributes {stable_mosaic.version = 14 : i64} {
  func.func @_pre_body(%arg0: i32, %arg1: memref<1000x128xf32, #tpu.memory_space<vmem>>, %arg2: memref<1000x8xf32, #tpu.memory_space<vmem>>, %arg3: memref<128x128xf32, #tpu.memory_space<vmem>>, %arg4: memref<1x128xf32, #tpu.memory_space<vmem>>, %arg5: memref<128x128xf32, #tpu.memory_space<vmem>>, %arg6: memref<128x128xf32, #tpu.memory_space<vmem>>, %arg7: memref<8x128xf32, #tpu.memory_space<vmem>>, %arg8: memref<1x128xf32, #tpu.memory_space<vmem>>, %arg9: memref<1000x128xf32, #tpu.memory_space<vmem>>, %arg10: memref<1000x128xf32, #tpu.memory_space<vmem>>, %arg11: memref<1000x128xf32, #tpu.memory_space<vmem>>) attributes {dimension_semantics = [#tpu.dimension_semantics<arbitrary>], iteration_bounds = array<i64: 10>, scalar_prefetch = 0 : i64, scratch_operands = 0 : i64, tpu.core_type = #tpu.core_type<tc>, window_params = [{transform_indices = @transform_0, window_bounds = array<i64: 1000, 128>}, {transform_indices = @transform_1, window_bounds = array<i64: 1000, 8>}, {pipeline_mode = #tpu.pipeline_mode<synchronous>, transform_indices = @transform_2, window_bounds = array<i64: 128, 128>}, {pipeline_mode = #tpu.pipeline_mode<synchronous>, transform_indices = @transform_3, window_bounds = array<i64: 1, 128>}, {pipeline_mode = #tpu.pipeline_mode<synchronous>, transform_indices = @transform_4, window_bounds = array<i64: 128, 128>}, {pipeline_mode = #tpu.pipeline_mode<synchronous>, transform_indices = @transform_5, window_bounds = array<i64: 128, 128>}, {pipeline_mode = #tpu.pipeline_mode<synchronous>, transform_indices = @transform_6, window_bounds = array<i64: 8, 128>}, {pipeline_mode = #tpu.pipeline_mode<synchronous>, transform_indices = @transform_7, window_bounds = array<i64: 1, 128>}, {transform_indices = @transform_8, window_bounds = array<i64: 1000, 128>}, {transform_indices = @transform_9, window_bounds = array<i64: 1000, 128>}, {transform_indices = @transform_10, window_bounds = array<i64: 1000, 128>}]} {
    %get3A = arith.constant 0 : index
    %get3A_0 = arith.constant 0 : index
    %get3A_1 = vector.load %arg1[%get3A, %get3A_0] : memref<1000x128xf32, #tpu.memory_space<vmem>>, vector<1000x128xf32>
    %get3A_2 = arith.constant 0 : index
    %get3A_3 = arith.constant 0 : index
    %get3A_4 = vector.load %arg3[%get3A_2, %get3A_3] : memref<128x128xf32, #tpu.memory_space<vmem>>, vector<128x128xf32>
    %dot_general3A = arith.constant dense<0.000000e+00> : vector<1000x128xf32>
    %dot_general3A_5 = tpu.matmul %get3A_1, %get3A_4, %dot_general3A {dimension_numbers = #tpu.dot_dimension_numbers<[1], [0], [0], [1], [0, 0, 1, 1], [], []>, transpose_lhs_hint = false} : vector<1000x128xf32>, vector<128x128xf32>, vector<1000x128xf32> -> vector<1000x128xf32>
    %get3A_6 = arith.constant 0 : index
    %get3A_7 = arith.constant 0 : index
    %get3A_8 = vector.load %arg4[%get3A_6, %get3A_7] : memref<1x128xf32, #tpu.memory_space<vmem>>, vector<1x128xf32>
    %add3A = vector.broadcast %get3A_8 : vector<1x128xf32> to vector<1000x128xf32>
    %add3A_9 = arith.addf %dot_general3A_5, %add3A : vector<1000x128xf32>
    %swap3A = arith.constant 0 : index
    %swap3A_10 = arith.constant 0 : index
    %swap3A_11 = vector.load %arg9[%swap3A, %swap3A_10] : memref<1000x128xf32, #tpu.memory_space<vmem>>, vector<1000x128xf32>
    tpu.vector_store %arg9[%swap3A, %swap3A_10], %add3A_9 {strides = array<i32>} : memref<1000x128xf32, #tpu.memory_space<vmem>>, vector<1000x128xf32>,
    %get3A_12 = arith.constant 0 : index
    %get3A_13 = arith.constant 0 : index
    %get3A_14 = vector.load %arg2[%get3A_12, %get3A_13] : memref<1000x8xf32, #tpu.memory_space<vmem>>, vector<1000x8xf32>
    %get3A_15 = arith.constant 0 : index
    %get3A_16 = arith.constant 0 : index
    %get3A_17 = vector.load %arg7[%get3A_15, %get3A_16] : memref<8x128xf32, #tpu.memory_space<vmem>>, vector<8x128xf32>
    %dot_general3A_18 = arith.constant dense<0.000000e+00> : vector<1000x128xf32>
    %dot_general3A_19 = tpu.matmul %get3A_14, %get3A_17, %dot_general3A_18 {dimension_numbers = #tpu.dot_dimension_numbers<[1], [0], [0], [1], [0, 0, 1, 1], [], []>, transpose_lhs_hint = false} : vector<1000x8xf32>, vector<8x128xf32>, vector<1000x128xf32> -> vector<1000x128xf32>
    %get3A_20 = arith.constant 0 : index
    %get3A_21 = arith.constant 0 : index
    %get3A_22 = vector.load %arg5[%get3A_20, %get3A_21] : memref<128x128xf32, #tpu.memory_space<vmem>>, vector<128x128xf32>
    %dot_general3A_23 = arith.constant dense<0.000000e+00> : vector<1000x128xf32>
    %dot_general3A_24 = tpu.matmul %add3A_9, %get3A_22, %dot_general3A_23 {dimension_numbers = #tpu.dot_dimension_numbers<[1], [0], [0], [1], [0, 0, 1, 1], [], []>, transpose_lhs_hint = false} : vector<1000x128xf32>, vector<128x128xf32>, vector<1000x128xf32> -> vector<1000x128xf32>
    %add3A_25 = arith.addf %dot_general3A_24, %dot_general3A_19 : vector<1000x128xf32>
    %get3A_26 = arith.constant 0 : index
    %get3A_27 = arith.constant 0 : index
    %get3A_28 = vector.load %arg8[%get3A_26, %get3A_27] : memref<1x128xf32, #tpu.memory_space<vmem>>, vector<1x128xf32>
    %add3A_29 = vector.broadcast %get3A_28 : vector<1x128xf32> to vector<1000x128xf32>
    %add3A_30 = arith.addf %add3A_25, %add3A_29 : vector<1000x128xf32>
    %swap3A_31 = arith.constant 0 : index
    %swap3A_32 = arith.constant 0 : index
    %swap3A_33 = vector.load %arg10[%swap3A_31, %swap3A_32] : memref<1000x128xf32, #tpu.memory_space<vmem>>, vector<1000x128xf32>
    tpu.vector_store %arg10[%swap3A_31, %swap3A_32], %add3A_30 {strides = array<i32>} : memref<1000x128xf32, #tpu.memory_space<vmem>>, vector<1000x128xf32>,
    %get3A_34 = arith.constant 0 : index
    %get3A_35 = arith.constant 0 : index
    %get3A_36 = vector.load %arg6[%get3A_34, %get3A_35] : memref<128x128xf32, #tpu.memory_space<vmem>>, vector<128x128xf32>
    %dot_general3A_37 = arith.constant dense<0.000000e+00> : vector<1000x128xf32>
    %dot_general3A_38 = tpu.matmul %add3A_9, %get3A_36, %dot_general3A_37 {dimension_numbers = #tpu.dot_dimension_numbers<[1], [0], [0], [1], [0, 0, 1, 1], [], []>, transpose_lhs_hint = false} : vector<1000x128xf32>, vector<128x128xf32>, vector<1000x128xf32> -> vector<1000x128xf32>
    %sub3A = arith.subf %dot_general3A_38, %dot_general3A_19 : vector<1000x128xf32>
    %swap3A_39 = arith.constant 0 : index
    %swap3A_40 = arith.constant 0 : index
    %swap3A_41 = vector.load %arg11[%swap3A_39, %swap3A_40] : memref<1000x128xf32, #tpu.memory_space<vmem>>, vector<1000x128xf32>
    tpu.vector_store %arg11[%swap3A_39, %swap3A_40], %sub3A {strides = array<i32>} : memref<1000x128xf32, #tpu.memory_space<vmem>>, vector<1000x128xf32>,
    return
  }
  func.func @transform_0(%arg0: i32) -> (i32, i32) {
    %c0_i32 = arith.constant 0 : i32
    %c0_i32_0 = arith.constant 0 : i32
    return %arg0, %c0_i32 : i32, i32
  }
  func.func @transform_1(%arg0: i32) -> (i32, i32) {
    %c0_i32 = arith.constant 0 : i32
    %c0_i32_0 = arith.constant 0 : i32
    return %arg0, %c0_i32 : i32, i32
  }
  func.func @transform_2(%arg0: i32) -> (i32, i32) {
    %c0_i32 = arith.constant 0 : i32
    %c0_i32_0 = arith.constant 0 : i32
    %c0_i32_1 = arith.constant 0 : i32
    return %c0_i32, %c0_i32_0 : i32, i32
  }
  func.func @transform_3(%arg0: i32) -> (i32, i32) {
    %c0_i32 = arith.constant 0 : i32
    %c0_i32_0 = arith.constant 0 : i32
    %c0_i32_1 = arith.constant 0 : i32
    return %c0_i32, %c0_i32_0 : i32, i32
  }
  func.func @transform_4(%arg0: i32) -> (i32, i32) {
    %c0_i32 = arith.constant 0 : i32
    %c0_i32_0 = arith.constant 0 : i32
    %c0_i32_1 = arith.constant 0 : i32
    return %c0_i32, %c0_i32_0 : i32, i32
  }
  func.func @transform_5(%arg0: i32) -> (i32, i32) {
    %c0_i32 = arith.constant 0 : i32
    %c0_i32_0 = arith.constant 0 : i32
    %c0_i32_1 = arith.constant 0 : i32
    return %c0_i32, %c0_i32_0 : i32, i32
  }
  func.func @transform_6(%arg0: i32) -> (i32, i32) {
    %c0_i32 = arith.constant 0 : i32
    %c0_i32_0 = arith.constant 0 : i32
    %c0_i32_1 = arith.constant 0 : i32
    return %c0_i32, %c0_i32_0 : i32, i32
  }
  func.func @transform_7(%arg0: i32) -> (i32, i32) {
    %c0_i32 = arith.constant 0 : i32
    %c0_i32_0 = arith.constant 0 : i32
    %c0_i32_1 = arith.constant 0 : i32
    return %c0_i32, %c0_i32_0 : i32, i32
  }
  func.func @transform_8(%arg0: i32) -> (i32, i32) {
    %c0_i32 = arith.constant 0 : i32
    %c0_i32_0 = arith.constant 0 : i32
    return %arg0, %c0_i32 : i32, i32
  }
  func.func @transform_9(%arg0: i32) -> (i32, i32) {
    %c0_i32 = arith.constant 0 : i32
    %c0_i32_0 = arith.constant 0 : i32
    return %arg0, %c0_i32 : i32, i32
  }
  func.func @transform_10(%arg0: i32) -> (i32, i32) {
    %c0_i32 = arith.constant 0 : i32
    %c0_i32_0 = arith.constant 0 : i32
    return %arg0, %c0_i32 : i32, i32
  }
}

module attributes {stable_mosaic.version = 14 : i64} {
  func.func @_post_body(%arg0: i32, %arg1: memref<1000x128xf32, #tpu.memory_space<vmem>>, %arg2: memref<2x1000x128xf32, #tpu.memory_space<vmem>>, %arg3: memref<2x1000x16xf32, #tpu.memory_space<vmem>>, %arg4: memref<1x128xf32, #tpu.memory_space<vmem>>, %arg5: memref<1x128xf32, #tpu.memory_space<vmem>>, %arg6: memref<128x128xf32, #tpu.memory_space<vmem>>, %arg7: memref<128x128xf32, #tpu.memory_space<vmem>>, %arg8: memref<1x128xf32, #tpu.memory_space<vmem>>, %arg9: memref<1x128xf32, #tpu.memory_space<vmem>>, %arg10: memref<1x128xf32, #tpu.memory_space<vmem>>, %arg11: memref<1000x128xf32, #tpu.memory_space<vmem>>) attributes {dimension_semantics = [#tpu.dimension_semantics<arbitrary>], iteration_bounds = array<i64: 10>, scalar_prefetch = 0 : i64, scratch_operands = 0 : i64, tpu.core_type = #tpu.core_type<tc>, window_params = [{transform_indices = @transform_0, window_bounds = array<i64: 1000, 128>}, {transform_indices = @transform_1, window_bounds = array<i64: 2, 1000, 128>}, {transform_indices = @transform_2, window_bounds = array<i64: 2, 1000, 16>}, {pipeline_mode = #tpu.pipeline_mode<synchronous>, transform_indices = @transform_3, window_bounds = array<i64: 1, 128>}, {pipeline_mode = #tpu.pipeline_mode<synchronous>, transform_indices = @transform_4, window_bounds = array<i64: 1, 128>}, {pipeline_mode = #tpu.pipeline_mode<synchronous>, transform_indices = @transform_5, window_bounds = array<i64: 128, 128>}, {pipeline_mode = #tpu.pipeline_mode<synchronous>, transform_indices = @transform_6, window_bounds = array<i64: 128, 128>}, {pipeline_mode = #tpu.pipeline_mode<synchronous>, transform_indices = @transform_7, window_bounds = array<i64: 1, 128>}, {pipeline_mode = #tpu.pipeline_mode<synchronous>, transform_indices = @transform_8, window_bounds = array<i64: 1, 128>}, {pipeline_mode = #tpu.pipeline_mode<synchronous>, transform_indices = @transform_9, window_bounds = array<i64: 1, 128>}, {transform_indices = @transform_10, window_bounds = array<i64: 1000, 128>}]} {
    %get3A = arith.constant 0 : index
    %get3A_0 = arith.constant 0 : index
    %get3A_1 = vector.load %arg1[%get3A, %get3A_0] : memref<1000x128xf32, #tpu.memory_space<vmem>>, vector<1000x128xf32>
    %get3A_2 = arith.constant 0 : index
    %get3A_3 = arith.constant 0 : index
    %get3A_4 = arith.constant 0 : index
    %get3A_5 = vector.load %arg2[%get3A_2, %get3A_3, %get3A_4] : memref<2x1000x128xf32, #tpu.memory_space<vmem>>, vector<1x1000x128xf32>
    %get3A_6 = vector.shape_cast %get3A_5 : vector<1x1000x128xf32> to vector<1000x128xf32>
    %get3A_7 = arith.constant 1 : index
    %get3A_8 = arith.constant 0 : index
    %get3A_9 = arith.constant 0 : index
    %get3A_10 = vector.load %arg2[%get3A_7, %get3A_8, %get3A_9] : memref<2x1000x128xf32, #tpu.memory_space<vmem>>, vector<1x1000x128xf32>
    %get3A_11 = vector.shape_cast %get3A_10 : vector<1x1000x128xf32> to vector<1000x128xf32>
    %add3A = arith.addf %get3A_6, %get3A_11 : vector<1000x128xf32>
    %get3A_12 = arith.constant 0 : index
    %get3A_13 = arith.constant 0 : index
    %get3A_14 = arith.constant 0 : index
    %get3A_15 = vector.load %arg3[%get3A_12, %get3A_13, %get3A_14] : memref<2x1000x16xf32, #tpu.memory_space<vmem>>, vector<1x1000x16xf32>
    %get3A_16 = vector.shape_cast %get3A_15 : vector<1x1000x16xf32> to vector<1000x16xf32>
    %get3A_17 = arith.constant 1 : index
    %get3A_18 = arith.constant 0 : index
    %get3A_19 = arith.constant 0 : index
    %get3A_20 = vector.load %arg3[%get3A_17, %get3A_18, %get3A_19] : memref<2x1000x16xf32, #tpu.memory_space<vmem>>, vector<1x1000x16xf32>
    %get3A_21 = vector.shape_cast %get3A_20 : vector<1x1000x16xf32> to vector<1000x16xf32>
    %add3A_22 = arith.addf %get3A_16, %get3A_21 : vector<1000x16xf32>
    %reduce_sum3A = arith.constant dense<0.000000e+00> : vector<1000xf32>
    %reduce_sum3A_23 = vector.multi_reduction <add>, %add3A_22, %reduce_sum3A [1] : vector<1000x16xf32> to vector<1000xf32>
    %broadcast_in_dim3A = vector.shape_cast %reduce_sum3A_23 : vector<1000xf32> to vector<1000x1xf32>
    %get3A_24 = arith.constant 0 : index
    %get3A_25 = arith.constant 0 : index
    %get3A_26 = vector.load %arg4[%get3A_24, %get3A_25] : memref<1x128xf32, #tpu.memory_space<vmem>>, vector<1x128xf32>
    %mul3A = vector.broadcast %get3A_26 : vector<1x128xf32> to vector<1000x128xf32>
    %mul3A_27 = arith.mulf %mul3A, %add3A : vector<1000x128xf32>
    %get3A_28 = arith.constant 0 : index
    %get3A_29 = arith.constant 0 : index
    %get3A_30 = vector.load %arg5[%get3A_28, %get3A_29] : memref<1x128xf32, #tpu.memory_space<vmem>>, vector<1x128xf32>
    %mul3A_31 = vector.broadcast %get3A_30 : vector<1x128xf32> to vector<1000x128xf32>
    %mul3A_32 = vector.broadcast %broadcast_in_dim3A : vector<1000x1xf32> to vector<1000x128xf32>
    %mul3A_33 = arith.mulf %mul3A_31, %mul3A_32 : vector<1000x128xf32>
    %add3A_34 = arith.addf %mul3A_27, %mul3A_33 : vector<1000x128xf32>
    %jit3A = arith.constant 1.000000e+00 : f32
    %max3A = vector.broadcast %jit3A : f32 to vector<1000x1xf32>
    %max3A_35 = arith.maximumf %max3A, %broadcast_in_dim3A : vector<1000x1xf32>
    %div3A = vector.broadcast %max3A_35 : vector<1000x1xf32> to vector<1000x128xf32>
    %div3A_36 = arith.divf %add3A_34, %div3A : vector<1000x128xf32>
    %get3A_37 = arith.constant 0 : index
    %get3A_38 = arith.constant 0 : index
    %get3A_39 = vector.load %arg6[%get3A_37, %get3A_38] : memref<128x128xf32, #tpu.memory_space<vmem>>, vector<128x128xf32>
    %dot_general3A = arith.constant dense<0.000000e+00> : vector<1000x128xf32>
    %dot_general3A_40 = tpu.matmul %get3A_1, %get3A_39, %dot_general3A {dimension_numbers = #tpu.dot_dimension_numbers<[1], [0], [0], [1], [0, 0, 1, 1], [], []>, transpose_lhs_hint = false} : vector<1000x128xf32>, vector<128x128xf32>, vector<1000x128xf32> -> vector<1000x128xf32>
    %get3A_41 = arith.constant 0 : index
    %get3A_42 = arith.constant 0 : index
    %get3A_43 = vector.load %arg7[%get3A_41, %get3A_42] : memref<128x128xf32, #tpu.memory_space<vmem>>, vector<128x128xf32>
    %dot_general3A_44 = arith.constant dense<0.000000e+00> : vector<1000x128xf32>
    %dot_general3A_45 = tpu.matmul %div3A_36, %get3A_43, %dot_general3A_44 {dimension_numbers = #tpu.dot_dimension_numbers<[1], [0], [0], [1], [0, 0, 1, 1], [], []>, transpose_lhs_hint = false} : vector<1000x128xf32>, vector<128x128xf32>, vector<1000x128xf32> -> vector<1000x128xf32>
    %add3A_46 = arith.addf %dot_general3A_40, %dot_general3A_45 : vector<1000x128xf32>
    %get3A_47 = arith.constant 0 : index
    %get3A_48 = arith.constant 0 : index
    %get3A_49 = vector.load %arg8[%get3A_47, %get3A_48] : memref<1x128xf32, #tpu.memory_space<vmem>>, vector<1x128xf32>
    %add3A_50 = vector.broadcast %get3A_49 : vector<1x128xf32> to vector<1000x128xf32>
    %add3A_51 = arith.addf %add3A_46, %add3A_50 : vector<1000x128xf32>
    %reduce_sum3A_52 = arith.constant dense<0.000000e+00> : vector<1000xf32>
    %reduce_sum3A_53 = vector.multi_reduction <add>, %add3A_51, %reduce_sum3A_52 [1] : vector<1000x128xf32> to vector<1000xf32>
    %broadcast_in_dim3A_54 = vector.shape_cast %reduce_sum3A_53 : vector<1000xf32> to vector<1000x1xf32>
    %div3A_55 = arith.constant 1.280000e+02 : f32
    %div3A_56 = vector.broadcast %div3A_55 : f32 to vector<1000x1xf32>
    %div3A_57 = arith.divf %broadcast_in_dim3A_54, %div3A_56 : vector<1000x1xf32>
    %mul3A_58 = arith.mulf %add3A_51, %add3A_51 : vector<1000x128xf32>
    %reduce_sum3A_59 = arith.constant dense<0.000000e+00> : vector<1000xf32>
    %reduce_sum3A_60 = vector.multi_reduction <add>, %mul3A_58, %reduce_sum3A_59 [1] : vector<1000x128xf32> to vector<1000xf32>
    %broadcast_in_dim3A_61 = vector.shape_cast %reduce_sum3A_60 : vector<1000xf32> to vector<1000x1xf32>
    %div3A_62 = arith.constant 1.280000e+02 : f32
    %div3A_63 = vector.broadcast %div3A_62 : f32 to vector<1000x1xf32>
    %div3A_64 = arith.divf %broadcast_in_dim3A_61, %div3A_63 : vector<1000x1xf32>
    %mul3A_65 = arith.mulf %div3A_57, %div3A_57 : vector<1000x1xf32>
    %sub3A = arith.subf %div3A_64, %mul3A_65 : vector<1000x1xf32>
    %sub3A_66 = vector.broadcast %div3A_57 : vector<1000x1xf32> to vector<1000x128xf32>
    %sub3A_67 = arith.subf %add3A_51, %sub3A_66 : vector<1000x128xf32>
    %add3A_68 = arith.constant 9.99999974E-6 : f32
    %add3A_69 = vector.broadcast %add3A_68 : f32 to vector<1000x1xf32>
    %add3A_70 = arith.addf %sub3A, %add3A_69 : vector<1000x1xf32>
    %rsqrt3A = math.rsqrt %add3A_70 : vector<1000x1xf32>
    %mul3A_71 = vector.broadcast %rsqrt3A : vector<1000x1xf32> to vector<1000x128xf32>
    %mul3A_72 = arith.mulf %sub3A_67, %mul3A_71 : vector<1000x128xf32>
    %get3A_73 = arith.constant 0 : index
    %get3A_74 = arith.constant 0 : index
    %get3A_75 = vector.load %arg9[%get3A_73, %get3A_74] : memref<1x128xf32, #tpu.memory_space<vmem>>, vector<1x128xf32>
    %mul3A_76 = vector.broadcast %get3A_75 : vector<1x128xf32> to vector<1000x128xf32>
    %mul3A_77 = arith.mulf %mul3A_72, %mul3A_76 : vector<1000x128xf32>
    %get3A_78 = arith.constant 0 : index
    %get3A_79 = arith.constant 0 : index
    %get3A_80 = vector.load %arg10[%get3A_78, %get3A_79] : memref<1x128xf32, #tpu.memory_space<vmem>>, vector<1x128xf32>
    %add3A_81 = vector.broadcast %get3A_80 : vector<1x128xf32> to vector<1000x128xf32>
    %add3A_82 = arith.addf %mul3A_77, %add3A_81 : vector<1000x128xf32>
    %add3A_83 = arith.addf %get3A_1, %add3A_82 : vector<1000x128xf32>
    %swap3A = arith.constant 0 : index
    %swap3A_84 = arith.constant 0 : index
    %swap3A_85 = vector.load %arg11[%swap3A, %swap3A_84] : memref<1000x128xf32, #tpu.memory_space<vmem>>, vector<1000x128xf32>
    tpu.vector_store %arg11[%swap3A, %swap3A_84], %add3A_83 {strides = array<i32>} : memref<1000x128xf32, #tpu.memory_space<vmem>>, vector<1000x128xf32>,
    return
  }
  func.func @transform_0(%arg0: i32) -> (i32, i32) {
    %c0_i32 = arith.constant 0 : i32
    %c0_i32_0 = arith.constant 0 : i32
    return %arg0, %c0_i32 : i32, i32
  }
  func.func @transform_1(%arg0: i32) -> (i32, i32, i32) {
    %c0_i32 = arith.constant 0 : i32
    %c0_i32_0 = arith.constant 0 : i32
    %c0_i32_1 = arith.constant 0 : i32
    return %c0_i32, %arg0, %c0_i32_0 : i32, i32, i32
  }
  func.func @transform_2(%arg0: i32) -> (i32, i32, i32) {
    %c0_i32 = arith.constant 0 : i32
    %c0_i32_0 = arith.constant 0 : i32
    %c0_i32_1 = arith.constant 0 : i32
    return %c0_i32, %arg0, %c0_i32_0 : i32, i32, i32
  }
  func.func @transform_3(%arg0: i32) -> (i32, i32) {
    %c0_i32 = arith.constant 0 : i32
    %c0_i32_0 = arith.constant 0 : i32
    %c0_i32_1 = arith.constant 0 : i32
    return %c0_i32, %c0_i32_0 : i32, i32
  }
  func.func @transform_4(%arg0: i32) -> (i32, i32) {
    %c0_i32 = arith.constant 0 : i32
    %c0_i32_0 = arith.constant 0 : i32
    %c0_i32_1 = arith.constant 0 : i32
    return %c0_i32, %c0_i32_0 : i32, i32
  }
  func.func @transform_5(%arg0: i32) -> (i32, i32) {
    %c0_i32 = arith.constant 0 : i32
    %c0_i32_0 = arith.constant 0 : i32
    %c0_i32_1 = arith.constant 0 : i32
    return %c0_i32, %c0_i32_0 : i32, i32
  }
  func.func @transform_6(%arg0: i32) -> (i32, i32) {
    %c0_i32 = arith.constant 0 : i32
    %c0_i32_0 = arith.constant 0 : i32
    %c0_i32_1 = arith.constant 0 : i32
    return %c0_i32, %c0_i32_0 : i32, i32
  }
  func.func @transform_7(%arg0: i32) -> (i32, i32) {
    %c0_i32 = arith.constant 0 : i32
    %c0_i32_0 = arith.constant 0 : i32
    %c0_i32_1 = arith.constant 0 : i32
    return %c0_i32, %c0_i32_0 : i32, i32
  }
  func.func @transform_8(%arg0: i32) -> (i32, i32) {
    %c0_i32 = arith.constant 0 : i32
    %c0_i32_0 = arith.constant 0 : i32
    %c0_i32_1 = arith.constant 0 : i32
    return %c0_i32, %c0_i32_0 : i32, i32
  }
  func.func @transform_9(%arg0: i32) -> (i32, i32) {
    %c0_i32 = arith.constant 0 : i32
    %c0_i32_0 = arith.constant 0 : i32
    %c0_i32_1 = arith.constant 0 : i32
    return %c0_i32, %c0_i32_0 : i32, i32
  }
  func.func @transform_10(%arg0: i32) -> (i32, i32) {
    %c0_i32 = arith.constant 0 : i32
    %c0_i32_0 = arith.constant 0 : i32
    return %arg0, %c0_i32 : i32, i32
  }
}

</mosaic_0001>

<sc_bundles>
// kernel: kernel.5.cloned.1.call-start
scs
__scs_entry_jumppad:
0x0: {  	(pc) =	sbr.rel $0x88, $3  }
0x1: {  	(tag) =	ssettag $0x0;
	lr =	simm.s32 $0x1  }
0x2: {  	[smem:$0x3F94] =	sst lr;
	_ =	strace $0xD0000000  }
0x3: {  	_ = 	snop  }
0x4: {  	_ = 	snop  }
0x5: {  	_ = 	snop  }
0x6: {  	_ = 	snop  }
0x7: {  	_ = 	snop  }
__scs_overlays_trampoline_lowered:
0x8: {  	[smem:$0x3FA3] =	sst s0  }
0x9: {  	[smem:$0x3FA4] =	sst s1  }
0xa: {  	[smem:$0x3FA5] =	sst s2  }
0xb: {  	[smem:$0x3FA6] =	sst s3  }
0xc: {  	[smem:$0x3FA7] =	sst s4  }
0xd: {  	[smem:$0x3FA8] =	sst s5  }
0xe: {  	[smem:$0x3FA9] =	sst s6  }
0xf: {  	[smem:$0x3FAA] =	sst s7  }
0x10: {  	[smem:$0x3FAB] =	sst s8  }
0x11: {  	[smem:$0x3FAC] =	sst s9;
	s0 =	simm.s32 @!p0 $0x0  }
0x12: {  	s1 =	sld [smem:$0x3F92];
	s0 =	simm.s32 @p0 $0x1  }
0x13: {  	[smem:$0x3FAD] =	sst s0;
	s0 =	simm.s32 @!p1 $0x0  }
0x14: {  	s2 =	sld [smem:$0x3F91];
	s0 =	simm.s32 @p1 $0x1  }
0x15: {  	[smem:$0x3FAE] =	sst s0;
	s0 =	simm.s32 @!p2 $0x0  }
0x16: {  	s3 =	sld [smem:$0x3FDB];
	s0 =	simm.s32 @p2 $0x1  }
0x17: {  	s4 =	simm.s32 $0x1BF5;
	[smem:$0x3FB0] =	sst s0  }
0x18: {  	s0 =	sld [smem:$0x3F93];
	_ =	swait.ge [sflag:s4], $0x0  }
0x19: {  	s7 =	sld [smem:$0x3F94]  }
0x1a: {  	s8 =	sadd.s32 $0xFFFFE003, lr  }
0x1b: {  	s9 =	sadd.s32 $0xFFFFFEF7, lr;
	s5 =	simm.s32 $0xFFFFFFFF;
	p2 =	slt.u32 s8, $0xFFFFF086  }
0x1c: {  	p1 =	slt.u32 s9, $0xF7A;
	s5 =	simm.s32 @!p2 $0x0  }
0x1d: {  	s5 =	simm.s32 @p1 $0x1;
	p0 =	seq.s32 s7, s2  }
0x1e: {  	s7 =	smul.u32 @!p0 $0xF7A, s2;
	p2 =	seq.s32 @!p0 s5, $0x0  }
0x1f: {  	s9 =	smul.u32 $0xF7A, s1;
	s8 =	simm.s32 @!p0 $0x1BF5;
	p2 =	por !p2, p0  }
0x20: {  	[sflag:s8] =	ssyncset.s32 @!p0 $0xFFFFF086;
	s6 =	sadd.s32 @!p0 s3, s7;
	s7 =	simm.s32 @!p0 $0x108  }
0x21: {  	s3 =	sadd.s32 s3, s9;
	s6 =	sadd.s32 @!p0 $0x88, s6;
	s7 =	simm.s32 @p2 $0x1082  }
0x22: {  	[simem:s7], [sflag:s8] =	dma.local @!p0 [hbm:s6], $0xF7A  }
0x23: {  	s9 =	sor.u32 $0xD0000000, s2;
	s6 =	simm.s32 $0x108;
	_ =	swait.ge @!p0 [sflag:s8], $0x0  }
0x24: {  	s3 =	sadd.s32 $0x88, s3;
	s6 =	simm.s32 @!p1 $0x1082;
	[sflag:s4] =	ssyncset.s32 $0xFFFFF086  }
0x25: {  	[simem:s6], [sflag:s4] =	dma.local [hbm:s3], $0xF7A  }
0x26: {  	[smem:$0x3F94] =	sst s1;
	(tag) =	ssettag s2;
	_ =	strace s9  }
0x27: {  	s1 =	sld [smem:$0x3FA4]  }
0x28: {  	s2 =	sld [smem:$0x3FA5]  }
0x29: {  	s4 =	sld [smem:$0x3FA7]  }
0x2a: {  	p0 =	seq.s32 s5, $0x0;
	s5 =	sld [smem:$0x3FA8]  }
0x2b: {  	s6 =	sld [smem:$0x3FA9]  }
0x2c: {  	s7 =	sld [smem:$0x3FAA]  }
0x2d: {  	s3 =	simm.s32 $0x108;
	s8 =	sld [smem:$0x3FAB]  }
0x2e: {  	s3 =	simm.s32 @!p0 $0x1082;
	s9 =	sld [smem:$0x3FAC]  }
0x2f: {  	lr =	sadd.s32 s0, s3;
	s0 =	sld [smem:$0x3FA3]  }
0x30: {  	s3 =	sld [smem:$0x3FA6]  }
0x31: {  	[smem:$0x3FAF] =	sst s10  }
0x32: {  	s10 =	sld [smem:$0x3FAD];
	_ =	sdelay $0x3  }
0x33: {  	p0 =	seq.s32 s10, $0x1;
	s10 =	sld [smem:$0x3FAF];
	_ =	sdelay $0x3  }
0x34: {  	[smem:$0x3FAF] =	sst s10  }
0x35: {  	s10 =	sld [smem:$0x3FAE];
	_ =	sdelay $0x3  }
0x36: {  	p1 =	seq.s32 s10, $0x1;
	s10 =	sld [smem:$0x3FAF];
	_ =	sdelay $0x3  }
0x37: {  	[smem:$0x3FAF] =	sst s10  }
0x38: {  	s10 =	sld [smem:$0x3FB0]  }
0x39: {  	_ = 	snop;
	(pc) =	sbr.ind lr, $3  }
0x3a: {  	_ = 	snop  }
0x3b: {  	_ = 	snop  }
0x3c: {  	p2 =	seq.s32 s10, $0x1;
	s10 =	sld [smem:$0x3FAF]  }
0x3d: {  	_ =	shalt  }
0x3e: {  	_ =	shalt  }
0x3f: {  	_ =	shalt  }
0x40: {  	_ =	shalt  }
0x41: {  	_ =	shalt  }
0x42: {  	_ =	shalt  }
0x43: {  	_ =	shalt  }
0x44: {  	_ =	shalt  }
0x45: {  	_ =	shalt  }
0x46: {  	_ =	shalt  }
0x47: {  	_ =	shalt  }
0x48: {  	_ =	shalt  }
0x49: {  	_ =	shalt  }
0x4a: {  	_ =	shalt  }
0x4b: {  	_ =	shalt  }
0x4c: {  	_ =	shalt  }
0x4d: {  	_ =	shalt  }
0x4e: {  	_ =	shalt  }
0x4f: {  	_ =	shalt  }
0x50: {  	_ =	shalt  }
0x51: {  	_ =	shalt  }
0x52: {  	_ =	shalt  }
0x53: {  	_ =	shalt  }
0x54: {  	_ =	shalt  }
0x55: {  	_ =	shalt  }
0x56: {  	_ =	shalt  }
0x57: {  	_ =	shalt  }
0x58: {  	_ =	shalt  }
0x59: {  	_ =	shalt  }
0x5a: {  	_ =	shalt  }
0x5b: {  	_ =	shalt  }
0x5c: {  	_ =	shalt  }
0x5d: {  	_ =	shalt  }
0x5e: {  	_ =	shalt  }
0x5f: {  	_ =	shalt  }
0x60: {  	_ =	shalt  }
0x61: {  	_ =	shalt  }
0x62: {  	_ =	shalt  }
0x63: {  	_ =	shalt  }
0x64: {  	_ =	shalt  }
0x65: {  	_ =	shalt  }
0x66: {  	_ =	shalt  }
0x67: {  	_ =	shalt  }
0x68: {  	_ =	shalt  }
0x69: {  	_ =	shalt  }
0x6a: {  	_ =	shalt  }
0x6b: {  	_ =	shalt  }
0x6c: {  	_ =	shalt  }
0x6d: {  	_ =	shalt  }
0x6e: {  	_ =	shalt  }
0x6f: {  	_ =	shalt  }
0x70: {  	_ =	shalt  }
0x71: {  	_ =	shalt  }
0x72: {  	_ =	shalt  }
0x73: {  	_ =	shalt  }
0x74: {  	_ =	shalt  }
0x75: {  	_ =	shalt  }
0x76: {  	_ =	shalt  }
0x77: {  	_ =	shalt  }
0x78: {  	_ =	shalt  }
0x79: {  	_ =	shalt  }
0x7a: {  	_ =	shalt  }
0x7b: {  	_ =	shalt  }
0x7c: {  	_ =	shalt  }
0x7d: {  	_ =	shalt  }
0x7e: {  	_ =	shalt  }
0x7f: {  	_ =	shalt  }
0x80: {  	_ =	shalt  }
0x81: {  	_ =	shalt  }
0x82: {  	_ =	shalt  }
0x83: {  	_ =	shalt  }
0x84: {  	_ =	shalt  }
0x85: {  	_ =	shalt  }
0x86: {  	_ =	shalt  }
0x87: {  	_ =	shalt  }
.Lfunc_end0:
.L_simem_size_0:
called_computation_lowered:
.L_overlay_start_0:
0x88: {  	s2 =	sld [smem:$0x3FD9]  }
0x89: {  	s3 =	sld [smem:$0x3FFE];
	_ =	sdelay $0x1  }
0x8a: {  	s1 =	srdreg.scid  }
0x8b: {  	s0 =	sand.u32 $0x1, s1  }
0x8c: {  	s17 =	sshll.u32 s0, $0xA;
	s2 =	sadd.s32 s3, s2  }
0x8d: {  	s2 =	sadd.s32 s2, s17  }
0x8e: {  	[smem:$0x3FBB] =	sst s2  }
0x8f: {  	_ = 	snop  }
0x90: {  	s2 =	sld [smem:$0x3FD0];
	(tm) =	ssettm $0x1  }
0x91: {  	s18 =	sld [smem:$0x3FFB];
	_ =	sdelay $0x3  }
0x92: {  	_ =	strace s18  }
0x93: {  	s3 =	sld [smem:$0x3FFC];
	_ =	sdelay $0x3  }
0x94: {  	_ =	strace s3  }
0x95: {  	s3 =	sld [smem:$0x3FFD];
	_ =	sdelay $0x3  }
0x96: {  	_ =	strace s3  }
0x97: {  	_ =	strace $0x8FFFFFFF  }
0x98: {  	s19 =	sld [smem:$0x3FDB];
	_ =	sdelay $0x1  }
0x99: {  	s4 =	simm.s32 $_scs_section_size  }
0x9a: {  	s5 =	simm.s32 $_size__tile_overlayer_lowered;
	s6 =	simm.s32 $_tile_overlayer_lowered  }
0x9b: {  	s22 =	simm.s32 $0x1BFF;
	s21 =	sshll.u32 s6, $0x1;
	s3 =	sadd.s32 s4, s19  }
0x9c: {  	s7 =	simm.s32 $0x0;
	s20 =	sshll.u32 s5, $0x1;
	s5 =	sadd.s32 s21, s3  }
0x9d: {  	[timem:s7], [sflag:s22] =	dma.local [hbm:s5], s20  }
0x9e: {  	_ =	swait.ge [sflag:s22], s20  }
0x9f: {  	s4 =	ssub.s32 $0x0, s20;
	[sflag:s22] =	ssyncset.done $0x0  }
0xa0: {  	[sflag:s22] =	ssyncadd.s32 s4;
	_ =	sdelay $0x1  }
0xa1: {  	s23 =	simm.s32 $0x1B8B  }
0xa2: {  	_ =	swait.ge [sflag:s23], $0x1  }
0xa3: {  	[sflag:s23] =	ssyncset.done $0x0  }
0xa4: {  	s25 =	simm.s32 $0x1B8E;
	s24 =	sld [smem:$0x3FFE];
	[sflag:s23] =	ssyncadd.s32 $0xFFFFFFFF  }
0xa5: {  	s26 =	simm.s32 $execute0_lowered;
	[smem:$0x3FD2] =	sst s25  }
0xa6: {  	s5 =	sshll.u32 s26, $0x1;
	_ =	strace $0x80000046;
	[dreg:$0x1] =	wrdreg $0xFFFFFFFF  }
0xa7: {  	s28 =	simm.s32 $_size_execute0_lowered;
	s3 =	sadd.s32 s3, s5;
	[dreg:$0x0] =	wrdreg $0x0  }
0xa8: {  	s5 =	sshll.u32 s28, $0x1;
	[dreg:$0x2] =	wrdreg s3  }
0xa9: {  	[dreg:$0x3] =	wrdreg s5  }
0xaa: {  	[dreg:$0x4] =	wrdreg $0xC0  }
0xab: {  	_ =	task [dreg:s7], $0x5FFFF  }
0xac: {  	[dreg:$0x1] =	wrdreg $0xFFFFFFFF  }
0xad: {  	[dreg:$0x0] =	wrdreg $0x60  }
0xae: {  	[dreg:$0x2] =	wrdreg s24  }
0xaf: {  	[dreg:$0x3] =	wrdreg s2  }
0xb0: {  	[dreg:$0x4] =	wrdreg $0x85000  }
0xb1: {  	[dreg:$0x5] =	wrdreg $0x1C1000  }
0xb2: {  	[dreg:$0x6] =	wrdreg $0x9  }
0xb3: {  	_ =	task.clear_ibuf [dreg:s7], $0x7FFFF;
	_ =	strace $0x90000046  }
0xb4: {  	s29 =	simm.s32 $0x9;
	_ =	strace $0x80000048  }
0xb5: {  	_ =	swait.ge [sflag:s29], $0x1  }
0xb6: {  	[sflag:s29] =	ssyncadd.s32 $0xFFFFFFFF  }
0xb7: {  	_ =	strace $0x90000048  }
0xb8: {  	_ =	sfence  }
0xb9: {  	s30 =	sld [smem:$0x0];
	_ =	sdelay $0x2  }
0xba: {  	s31 =	sshll.u32 s1, $0xD;
	s1 =	sshrl.u32 s1, $0x2  }
0xbb: {  	s3 =	sand.u32 $0x4000, s31;
	s1 =	sadd.s32 s1, s30  }
0xbc: {  	s0 =	sor.u32 s3, s0;
	s1 =	sshll.u32 s1, $0x11  }
0xbd: {  	s0 =	sor.u32 s1, s0  }
0xbe: {  	s0 =	sadd.s32 $0x8F2B, s0  }
0xbf: {  	[sflag:s0] =	ssyncadd.remote.s32 $0x1  }
0xc0: {  	_ =	sfence.sel $0xFFFF  }
0xc1: {  	[dreg:$0x0] =	wrdreg $0xFFFFFFFF;
	(pc) =	sbr.abs _section_cstart, $3  }
0xc2: {  	[dreg:$0x1] =	wrdreg $0xFFFFFFFF  }
0xc3: {  	_ =	task.clear_ibuf [dreg:s7], $0x2FFFF;
	_ =	strace $0x9FFFFFFF  }
0xc4: {  	(tm) =	ssettm $0x7FFFFFFF  }
0xc5: {  	_ =	shalt  }
tec
execute0_lowered:
.L_overlay_start_1:
0x0: {  	(tag) =	ssettag $0x1  }
0x1: {  	s0 =	rddreg [dreg:$0x0]  }
0x2: {  	s1 =	rddreg [dreg:$0x1]  }
0x3: {  	s3 =	rddreg [dreg:$0x2]  }
0x4: {  	s4 =	rddreg [dreg:$0x3]  }
0x5: {  	s5 =	simm.s32 $0x0;
	s18 =	stileid.u32;
	s2 =	srdreg.scid  }
0x6: {  	s28 =	simm.s32 $0x4080;
	s29 =	simm.s32 $0x40C0;
	s31 =	simm.s32 $0x6100  }
0x7: {  	[smem:$0x7FF] =	sst s5;
	s9 =	smul.u32 $0x13C00, s18;
	s2 =	sand.u32 $0x1, s2  }
0x8: {  	s6 =	sadd.s32 $0x2200, s0;
	s7 =	sadd.s32 $0x29A00, s0;
	s11 =	smul.u32 $0x2780, s18  }
0x9: {  	s8 =	sadd.s32 $0x51200, s0;
	s16 =	sshll.u32 s18, $0x1;
	s23 =	sshll.u32 s18, $0x6  }
0xa: {  	s18 =	simm.s32 $0x0;
	_ =	strace $0x80000047;
	s10 =	smul.u32 $0x13C000, s2  }
0xb: {  	s14 =	smul.u32 $0x27800, s2;
	s15 =	ssub.s32 $0x2, s2;
	s2 =	sor.u32 s2, s16  }
0xc: {  	s12 =	sshrl.u32 s9, $0x3;
	s13 =	sshrl.u32 s11, $0x3;
	s17 =	sshrl.u32 s15, $0x1  }
0xd: {  	s2 =	smul.u32 $0x2780, s2;
	s10 =	sadd.s32 s9, s10;
	s12 =	sadd.s32 s12, s0  }
0xe: {  	s13 =	sadd.s32 s13, s0;
	s14 =	sadd.s32 s11, s14;
	s22 =	ssub.s32 s15, s17  }
0xf: {  	s9 =	sadd.s32 s9, s3;
	s17 =	sor.u32 $0x1C0B, s23;
	s11 =	sadd.s32 s11, s4  }
0x10: {  	s23 =	simm.s32 $0x9;
	s10 =	sshrl.u32 s10, $0x3;
	s14 =	sshrl.u32 s14, $0x3  }
0x11: {  	s12 =	sadd.s32 $0x5B000, s12;
	s24 =	sshrl.u32 s2, $0x3;
	s13 =	sadd.s32 $0x82800, s13  }
0x12: {  	s15 =	sadd.s32 $0x80, s2;
	s30 =	smax.u32 s22, $0x1;
	[dreg:$0x6] =	wrdreg s17  }
0x13: {  	s16 =	sshrl.u32 s11, $0x3;
	s22 =	simm.s32 $0x40;
	[dreg:$0x5] =	wrdreg s12  }
0x14: {  	s11 =	simm.s32 $0x6;
	s10 =	sadd.s32 s10, s0;
	[dreg:$0x7] =	wrdreg s13  }
0x15: {  	s0 =	sadd.s32 s14, s0;
	s25 =	sadd.s32 s1, s24;
	[dreg:$0xc] =	wrdreg s30  }
0x16: {  	s12 =	sadd.s32 s8, s24;
	s14 =	sor.u32 $0x40, s2;
	[dreg:$0xe] =	wrdreg s16  }
0x17: {  	s13 =	simm.s32 $0xB;
	s24 =	simm.s32 $0xA;
	[dreg:$0x8] =	wrdreg s25  }
0x18: {  	s2 =	simm.s32 $0x2;
	[dreg:$0x9] =	wrdreg s12;
	s26 =	sadd.s32 $0x87800, s10  }
0x19: {  	s0 =	sadd.s32 $0xD6800, s0;
	s12 =	sshrl.u32 s9, $0x3;
	[dreg:$0xa] =	wrdreg s26  }
0x1a: {  	v0 =	vimm.f32 $0.0e+00;
	vm0 =	vcmask $0x300;
	s25 =	simm.s32 $0x8100;
	s9 =	simm.s32 $0x5;
	[dreg:$0xb] =	wrdreg s0  }
0x1b: {  	v0 =	vsel vm0, $0x3F800000, v0;
	s26 =	simm.s32 $0x2080;
	s0 =	simm.s32 $0x1;
	[dreg:$0xd] =	wrdreg s12  }
.LBB2_1:
0x1c: {  	[dreg:$0xf] =	wrdreg s18  }
0x1d: {  	s10 =	rddreg [dreg:$0x5]  }
0x1e: {  	[spmem:s12], [sflag:s17] =	dma.local [hbm:s10], $0x2780  }
0x1f: {  	_ =	swait.ge [sflag:s13], $0x2780  }
0x20: {  	[sflag:s13] =	ssyncset.done $0x0  }
0x21: {  	s30 =	rddreg [dreg:$0x7];
	[sflag:s13] =	ssyncadd.s32 $0xFFFFD880  }
0x22: {  	[spmem:s16], [sflag:s17] =	dma.local [hbm:s30], $0x4F0  }
0x23: {  	_ =	swait.ge [sflag:s13], $0x4F0  }
0x24: {  	[sflag:s13] =	ssyncset.done $0x0  }
0x25: {  	s10 =	simm.s32 $0x40;
	s12 =	simm.s32 $0x0;
	[sflag:s13] =	ssyncadd.s32 $0xFFFFFB10  }
.LBB2_2:
0x26: {  	p0 =	sne.s32 s10, $0xFC0;
	[tilespmem:s12+$0x8100] =	vst v0;
	s12 =	smov.u32 s10;
	s10 =	sadd.s32 $0x40, s10  }
.Ltmp0:
0x27: {  	(pc) =	sbr.rel @p0 .LBB2_2-.Ltmp0, $2  }
0x28: {  	_ =	sdelay $0x2  }
0x29: {  	s12 =	sshra.s32 s12, $0x2  }
0x2a: {  	[tilespmem:s12+$0x8100] =	vst v0  }
0x2b: {  	[bflag:$0x0] =	sbarrier.arrive $0xFFFF  }
0x2c: {  	s12 =	simm.s32 $0x0;
	s10 =	rddreg [dreg:$0x8]  }
0x2d: {  	[tilespmem:s12], [sflag:$0x9] =	stream.linear.gather [hbm4b:s10+s12], $0x40, $0x38;
	[tilespmem:$0x1E880] =	vst v63  }
0x2e: {  	s21 =	rddreg [dreg:$0x9]  }
0x2f: {  	[tilespmem:s22], [sflag:$0xA] =	stream.linear.gather [hbm4b:s21+s12], $0x40, $0x38;
	[tilespmem:$0x1E880] =	vst v63  }
0x30: {  	_ =	swait.ge [sflag:s23], $0x40  }
0x31: {  	[sflag:s23] =	ssyncset.done $0x0  }
0x32: {  	[sflag:s23] =	ssyncadd.s32 $0xFFFFFFC0  }
0x33: {  	_ =	swait.ge [sflag:s24], $0x40  }
0x34: {  	[sflag:s24] =	ssyncset.done $0x0  }
0x35: {  	s30 =	simm.s32 $0x80;
	[sflag:s24] =	ssyncadd.s32 $0xFFFFFFC0  }
0x36: {  	[tilespmem:s30], [sflag:$0x1] =	stream.indirect.gather [hbm4b:s6+s22], $0x80, s12, s22, $0xb8;
	[tilespmem:$0x1E880] =	vst v63  }
0x37: {  	_ = 	snop  }
0x38: {  	[tilespmem:s26], [sflag:$0x2] =	stream.indirect.gather [hbm4b:s7+s22], $0x80, s22, s22, $0xb8;
	[tilespmem:$0x1E880] =	vst v63  }
.LBB2_4:
0x39: {  	p0 =	seq.s32 s12, $0x0  }
0x3a: {  	s10 =	simm.s32 @!p0 $0x7  }
0x3b: {  	_ =	swait.ge @!p0 [sflag:s10], $0x2000  }
0x3c: {  	[sflag:s10] =	ssyncset.done @!p0 $0x0  }
0x3d: {  	s13 =	sshll.u32 s12, $0x7;
	[sflag:s10] =	ssyncadd.s32 @!p0 $0xFFFFE000;
	s10 =	simm.s32 @!p0 $0x8  }
0x3e: {  	s16 =	sadd.s32 s13, s14;
	_ =	swait.ge @!p0 [sflag:s10], $0x400  }
0x3f: {  	s16 =	sshrl.u32 s16, $0x3;
	[sflag:s10] =	ssyncset.done @!p0 $0x0  }
0x40: {  	s21 =	sadd.s32 s1, s16;
	[sflag:s10] =	ssyncadd.s32 @!p0 $0xFFFFFC00  }
0x41: {  	[tilespmem:s28], [sflag:$0x9] =	stream.linear.gather [hbm4b:s21+s5], $0x40, $0x38;
	[tilespmem:$0x1E880] =	vst v63  }
0x42: {  	s30 =	sadd.s32 s8, s16  }
0x43: {  	[tilespmem:s29], [sflag:$0xA] =	stream.linear.gather [hbm4b:s30+s5], $0x40, $0x38;
	[tilespmem:$0x1E880] =	vst v63  }
0x44: {  	_ =	swait.ge [sflag:s23], $0x40  }
0x45: {  	[sflag:s23] =	ssyncset.done $0x0  }
0x46: {  	[sflag:s23] =	ssyncadd.s32 $0xFFFFFFC0  }
0x47: {  	_ =	swait.ge [sflag:s24], $0x40  }
0x48: {  	[sflag:s24] =	ssyncset.done $0x0  }
0x49: {  	s16 =	simm.s32 $0x4100;
	[sflag:s24] =	ssyncadd.s32 $0xFFFFFFC0  }
0x4a: {  	[tilespmem:s16], [sflag:$0x5] =	stream.indirect.gather [hbm4b:s6+s22], $0x80, s28, s22, $0xb8;
	[tilespmem:$0x1E880] =	vst v63  }
0x4b: {  	_ = 	snop  }
0x4c: {  	[tilespmem:s31], [sflag:$0x6] =	stream.indirect.gather [hbm4b:s7+s22], $0x80, s29, s22, $0xb8;
	[tilespmem:$0x1E880] =	vst v63  }
0x4d: {  	_ =	swait.ge [sflag:s0], $0x2000  }
0x4e: {  	[sflag:s0] =	ssyncset.done $0x0  }
0x4f: {  	[sflag:s0] =	ssyncadd.s32 $0xFFFFE000  }
0x50: {  	_ =	swait.ge [sflag:s2], $0x2000  }
0x51: {  	[sflag:s2] =	ssyncset.done $0x0  }
0x52: {  	s17 =	simm.s32 $0x100;
	[sflag:s2] =	ssyncadd.s32 $0xFFFFE000  }
0x53: {  	s16 =	simm.s32 $0x2100;
	v1 =	vld [tilespmem:s17+$0x70]  }
0x54: {  	v2 =	vld [tilespmem:s16+$0x70]  }
0x55: {  	v4 =	vld [tilespmem:s17+$0x60]  }
0x56: {  	v5 =	vld [tilespmem:s16+$0x60]  }
0x57: {  	v6 =	vld [tilespmem:s17+$0x50]  }
0x58: {  	v7 =	vld [tilespmem:s16+$0x50]  }
0x59: {  	v8 =	vld [tilespmem:s17+$0x40]  }
0x5a: {  	v9 =	vld [tilespmem:s16+$0x40]  }
0x5b: {  	v10 =	vld [tilespmem:s17+$0x20]  }
0x5c: {  	v11 =	vld [tilespmem:s17+$0x0]  }
0x5d: {  	v12 =	vld [tilespmem:s16+$0x0]  }
0x5e: {  	v13 =	vld [tilespmem:s17+$0x10]  }
0x5f: {  	v14 =	vld [tilespmem:s16+$0x10]  }
0x60: {  	v15 =	vld [tilespmem:s16+$0x20]  }
0x61: {  	v16 =	vld [tilespmem:s17+$0x30]  }
0x62: {  	v17 =	vld [tilespmem:s16+$0x30];
	v3 =	vadd.f32 v2, v1  }
0x63: {  	v1 =	vadd.f32 v5, v4;
	v2 =	vadd.f32 v12, v11  }
0x64: {  	v11 =	vadd.f32 v9, v8;
	v5 =	vadd.f32 v14, v13  }
0x65: {  	v8 =	vadd.f32 v15, v10;
	v4 =	vmul.f32 v3, v3;
	v9 =	vmul.f32 v1, v1  }
0x66: {  	v12 =	vadd.f32 v7, v6;
	v10 =	vmul.f32 v2, v2;
	v6 =	vmul.f32 v11, v11  }
0x67: {  	v17 =	vadd.f32 v17, v16;
	v7 =	vmul.f32 v5, v5;
	v13 =	vmul.f32 v8, v8  }
0x68: {  	v14 =	vmul.f32 v12, v12;
	v10 =	vmul.f32 $7.135481390e-02, v10  }
0x69: {  	v15 =	vmul.f32 v17, v17;
	v7 =	vmul.f32 $7.135481390e-02, v7  }
0x6a: {  	v13 =	vmul.f32 $7.135481390e-02, v13;
	v4 =	vmul.f32 $7.135481390e-02, v4;
	v10 =	vsub.f32 $-1.595769170e+00, v10  }
0x6b: {  	v9 =	vmul.f32 $7.135481390e-02, v9;
	v15 =	vmul.f32 $7.135481390e-02, v15;
	v7 =	vsub.f32 $-1.595769170e+00, v7  }
0x6c: {  	v6 =	vmul.f32 $7.135481390e-02, v6;
	v13 =	vsub.f32 $-1.595769170e+00, v13;
	v10 =	vmul.f32 v10, v2  }
0x6d: {  	v14 =	vmul.f32 $7.135481390e-02, v14;
	v15 =	vsub.f32 $-1.595769170e+00, v15;
	v7 =	vmul.f32 v7, v5  }
0x6e: {  	v13 =	vmul.f32 v13, v8;
	v10 =	vmul.f32 $1.442695020e+00, v10  }
0x6f: {  	v18 =	vld [tilespmem:s17+$0xFFFFFF90];
	v6 =	vsub.f32 $-1.595769170e+00, v6;
	v15 =	vmul.f32 v15, v17;
	v7 =	vmul.f32 $1.442695020e+00, v7  }
0x70: {  	v19 =	vld [tilespmem:s17+$0xFFFFFF80];
	(erf) = vpow2.f32 v10;
	v10 =	vmul.f32 $1.442695020e+00, v13  }
0x71: {  	v16 =	vld [tilespmem:s16+$0xFFFFFF80];
	v6 =	vmul.f32 v6, v11;
	(erf) = vpow2.f32 v7  }
0x72: {  	v4 =	vsub.f32 $-1.595769170e+00, v4;
	v13 =	vld [tilespmem:s16+$0xFFFFFF90];
	(erf) = vpow2.f32 v10;
	v10 =	vmul.f32 $1.442695020e+00, v15  }
0x73: {  	v20 =	vld [tilespmem:s17+$0xFFFFFFA0];
	v6 =	vmul.f32 $1.442695020e+00, v6;
	v7 =	vsub.f32 $-1.595769170e+00, v14  }
0x74: {  	v9 =	vsub.f32 $-1.595769170e+00, v9;
	v21 =	vmul.f32 v4, v3;
	v14 =	vld [tilespmem:s16+$0xFFFFFFA0];
	(erf) = vpow2.f32 v10  }
0x75: {  	v22 =	vld [tilespmem:s16+$0xFFFFFFB0];
	v7 =	vmul.f32 v7, v12;
	(erf) = vpow2.f32 v6  }
0x76: {  	v9 =	vmul.f32 v9, v1;
	v10 =	vadd.f32 v16, v19;
	v16 =	vld [tilespmem:s16+$0xFFFFFFC0]  }
0x77: {  	v23 =	vmul.f32 $1.442695020e+00, v7;
	v7 =	vadd.f32 v13, v18;
	v6 =	vld [tilespmem:s17+$0xFFFFFFC0];
	v13 =	vmul.f32 $1.442695020e+00, v21  }
0x78: {  	v9 =	vmul.f32 $1.442695020e+00, v9;
	v15 =	vld [tilespmem:s17+$0xFFFFFFB0]  }
0x79: {  	v4 =	vadd.f32 v14, v20;
	v14 =	vpop (erf);
	(erf) = vpow2.f32 v23  }
0x7a: {  	v18 =	vmul.f32 v10, v10;
	v14 =	vadd.f32 $1.000000000e+00, v14;
	v19 =	vpop (erf);
	(erf) = vpow2.f32 v9  }
0x7b: {  	v9 =	vmul.f32 v7, v7;
	v19 =	vadd.f32 $1.000000000e+00, v19;
	(erf) = vpow2.f32 v13;
	v13 =	vpop (erf)  }
0x7c: {  	v6 =	vadd.f32 v16, v6;
	(erf) = vrcp.f32 v14;
	v14 =	vadd.f32 $1.000000000e+00, v13  }
0x7d: {  	v13 =	vadd.f32 v22, v15;
	v15 =	vmul.f32 v4, v4;
	(erf) = vrcp.f32 v19;
	v16 =	vpop (erf)  }
0x7e: {  	v9 =	vmul.f32 $7.135481390e-02, v9;
	(erf) = vrcp.f32 v14;
	v16 =	vadd.f32 $1.000000000e+00, v16;
	v21 =	vpop (erf)  }
0x7f: {  	v18 =	vmul.f32 $7.135481390e-02, v18;
	v15 =	vmul.f32 $7.135481390e-02, v15;
	v21 =	vadd.f32 $1.000000000e+00, v21  }
0x80: {  	v9 =	vsub.f32 $-1.595769170e+00, v9  }
0x81: {  	v18 =	vsub.f32 $-1.595769170e+00, v18;
	v19 =	vld [tilespmem:s16+$0xFFFFFFD0];
	(erf) = vrcp.f32 v16;
	v15 =	vsub.f32 $-1.595769170e+00, v15  }
0x82: {  	v14 =	vld [tilespmem:s17+$0xFFFFFFD0];
	v9 =	vmul.f32 v9, v7;
	v16 =	vpop (erf)  }
0x83: {  	v18 =	vmul.f32 v18, v10;
	(erf) = vrcp.f32 v21;
	v16 =	vadd.f32 $1.000000000e+00, v16;
	v21 =	vpop (erf)  }
0x84: {  	v23 =	vld [tilespmem:s16+$0xFFFFFFE0];
	v20 =	vmul.f32 v13, v13;
	v27 =	vmul.f32 $1.442695020e+00, v9;
	v9 =	vadd.f32 $1.000000000e+00, v21;
	v21 =	vpop (erf)  }
0x85: {  	v22 =	vld [tilespmem:s17+$0xFFFFFFE0];
	v28 =	vmul.f32 v15, v4;
	v15 =	vpop (erf);
	(erf) = vrcp.f32 v16  }
0x86: {  	v24 =	vld [tilespmem:s17+$0xFFFFFFF0];
	v18 =	vmul.f32 $1.442695020e+00, v18;
	v29 =	vpop (erf);
	(erf) = vrcp.f32 v9;
	v9 =	vadd.f32 $1.000000000e+00, v21  }
0x87: {  	v26 =	vld [tilespmem:s16+$0xFFFFFFF0];
	v16 =	vadd.f32 v19, v14;
	v2 =	vmul.f32 v15, v2;
	v5 =	vmul.f32 v29, v5;
	v14 =	vpop (erf)  }
0x88: {  	(erf) = vpow2.f32 v18;
	v8 =	vmul.f32 v14, v8  }
0x89: {  	v18 =	vmul.f32 v2, v2;
	v19 =	vmul.f32 v5, v5  }
0x8a: {  	v15 =	vadd.f32 v23, v22;
	(erf) = vrcp.f32 v9;
	v22 =	vadd.f32 v5, v2;
	v9 =	vpop (erf)  }
0x8b: {  	v9 =	vmul.f32 v9, v17;
	v17 =	vadd.f32 v19, v18;
	v18 =	vmul.f32 v8, v8  }
0x8c: {  	v25 =	vmul.f32 v6, v6;
	v20 =	vmul.f32 $7.135481390e-02, v20;
	v14 =	vadd.f32 v26, v24;
	v24 =	vpop (erf)  }
0x8d: {  	v22 =	vadd.f32 v8, v22;
	v11 =	vmul.f32 v24, v11;
	v24 =	vmul.f32 v9, v9  }
0x8e: {  	v20 =	vsub.f32 $-1.595769170e+00, v20;
	v17 =	vadd.f32 v18, v17  }
0x8f: {  	v21 =	vmul.f32 $7.135481390e-02, v25;
	v23 =	vmul.f32 $1.442695020e+00, v28;
	v22 =	vadd.f32 v9, v22;
	v18 =	vpop (erf)  }
0x90: {  	v18 =	vmul.f32 v18, v12;
	v12 =	vadd.f32 v24, v17;
	v17 =	vmul.f32 v11, v11  }
0x91: {  	(erf) = vpow2.f32 v27;
	v19 =	vmul.f32 v16, v16;
	v22 =	vadd.f32 v11, v22;
	v24 =	vpop (erf)  }
0x92: {  	v1 =	vmul.f32 v24, v1;
	v24 =	vpop (erf);
	v12 =	vadd.f32 v17, v12;
	v17 =	vmul.f32 v18, v18  }
0x93: {  	v19 =	vmul.f32 $7.135481390e-02, v19;
	(erf) = vpow2.f32 v23;
	v22 =	vadd.f32 v18, v22;
	v23 =	vpop (erf)  }
0x94: {  	v3 =	vmul.f32 v23, v3;
	v12 =	vadd.f32 v17, v12;
	v17 =	vmul.f32 v1, v1  }
0x95: {  	v20 =	vmul.f32 v20, v13;
	v21 =	vsub.f32 $-1.595769170e+00, v21;
	v22 =	vadd.f32 v1, v22  }
0x96: {  	v19 =	vsub.f32 $-1.595769170e+00, v19;
	v12 =	vadd.f32 v17, v12;
	v17 =	vmul.f32 v3, v3  }
0x97: {  	v20 =	vmul.f32 $1.442695020e+00, v20;
	v25 =	vmul.f32 v15, v15;
	v22 =	vadd.f32 v3, v22  }
0x98: {  	v21 =	vmul.f32 v21, v6;
	v12 =	vadd.f32 v17, v12;
	v17 =	vmul.f32 v19, v16  }
0x99: {  	(erf) = vpow2.f32 v20;
	v23 =	vmul.f32 $7.135481390e-02, v25;
	(xrf2) =	vadd.scan.msk.f32 $0xffff, v22  }
0x9a: {  	v25 =	vmul.f32 v14, v14;
	(xrf2) =	vadd.scan.msk.f32 $0xffff, v12;
	v12 =	vmul.f32 $1.442695020e+00, v17  }
0x9b: {  	v21 =	vmul.f32 $1.442695020e+00, v21;
	v19 =	vsub.f32 $-1.595769170e+00, v23  }
0x9c: {  	v20 =	vmul.f32 $7.135481390e-02, v25  }
0x9d: {  	(erf) = vpow2.f32 v21;
	v17 =	vmul.f32 v19, v15  }
0x9e: {  	v19 =	vsub.f32 $-1.595769170e+00, v20;
	v20 =	vadd.f32 $1.000000000e+00, v24;
	(erf) = vpow2.f32 v12;
	v12 =	vpop (erf)  }
0x9f: {  	v12 =	vadd.f32 $1.000000000e+00, v12  }
0xa0: {  	v17 =	vmul.f32 $1.442695020e+00, v17  }
0xa1: {  	v19 =	vmul.f32 v19, v14;
	(erf) = vrcp.f32 v20  }
0xa2: {  	(erf) = vpow2.f32 v17;
	v20 =	vpop (erf)  }
0xa3: {  	v19 =	vmul.f32 $1.442695020e+00, v19;
	(erf) = vrcp.f32 v12;
	v12 =	vpop (erf)  }
0xa4: {  	v12 =	vadd.f32 $1.000000000e+00, v12  }
0xa5: {  	v17 =	vadd.f32 $1.000000000e+00, v20  }
0xa6: {  	(erf) = vpow2.f32 v19  }
0xa7: {  	(erf) = vrcp.f32 v17;
	v19 =	vpop (erf)  }
0xa8: {  	(erf) = vrcp.f32 v12;
	v12 =	vpop (erf)  }
0xa9: {  	v12 =	vadd.f32 $1.000000000e+00, v12  }
0xaa: {  	v17, _, _ =	vpop (xrf2);
	v19 =	vadd.f32 $1.000000000e+00, v19  }
0xab: {  	(v2sf) =	vpush v17, $0xF;
	v17, _, _ =	vpop (xrf2)  }
0xac: {  	(v2sf) =	vpush v17, $0xF;
	(erf) = vrcp.f32 v19;
	v17 =	vpop (erf)  }
0xad: {  	(erf) = vrcp.f32 v12;
	v12 =	vpop (erf)  }
0xae: {  	v19 =	vmul.f32 v17, v10;
	v10 =	vadd.f32 $1.000000000e+00, v12;
	v12 =	vpop (erf)  }
0xaf: {  	v12 =	vmul.f32 v12, v7;
	v7 =	vpop (erf)  }
0xb0: {  	v17 =	vmul.f32 v19, v19;
	v20 =	vpop (erf)  }
0xb1: {  	v21 =	vmul.f32 v12, v12;
	v22 =	vmul.f32 v20, v4;
	v23 =	vadd.f32 v12, v19  }
0xb2: {  	s18 =	simm.s32 $0x200;
	v7 =	vadd.f32 $1.000000000e+00, v7;
	(erf) = vrcp.f32 v10;
	v20 =	vpop (erf)  }
0xb3: {  	v30 =	vld [tilespmem:s18+$0x30];
	v20 =	vmul.f32 v20, v13;
	v13 =	vadd.f32 v21, v17;
	v21 =	vadd.f32 v22, v23  }
0xb4: {  	v38 =	vld [tilespmem:s18+$0x10];
	s17 =	simm.s32 $0x2200;
	v17 =	vmul.f32 v22, v22  }
0xb5: {  	v32 =	vld [tilespmem:s17+$0x30];
	(erf) = vrcp.f32 v7;
	v23 =	vpop (erf)  }
0xb6: {  	v33 =	vld [tilespmem:s17+$0x20];
	v25 =	vmul.f32 v20, v20;
	v24 =	vmul.f32 v23, v6;
	v6 =	vadd.f32 v17, v13  }
0xb7: {  	v34 =	vld [tilespmem:s17+$0x0];
	v13 =	vadd.f32 v20, v21;
	v21 =	vpop (erf)  }
0xb8: {  	v28 =	vld [tilespmem:s18+$0x50];
	v23 =	vmul.f32 v24, v24;
	v6 =	vadd.f32 v25, v6;
	v25 =	vmul.f32 v21, v16  }
0xb9: {  	v27 =	vld [tilespmem:s17+$0x60]  }
0xba: {  	v10 =	vld [tilespmem:s18+$0x70];
	v21 =	vmul.f32 v25, v25  }
0xbb: {  	s19 =	spop (v2sf);
	v17 =	vld [tilespmem:s17+$0x50];
	v13 =	vadd.f32 v24, v13  }
0xbc: {  	v4 =	vld [tilespmem:s17+$0x70];
	s19 =	smul.f32 $7.812500000e-03, s19;
	s20 =	spop (v2sf);
	v6 =	vadd.f32 v23, v6;
	v23 =	vpop (erf)  }
0xbd: {  	v7 =	vld [tilespmem:s18+$0x60];
	s20 =	smul.f32 $7.812500000e-03, s20;
	v13 =	vadd.f32 v25, v13;
	v26 =	vmul.f32 v23, v15  }
0xbe: {  	v29 =	vld [tilespmem:s18+$0x40];
	s21 =	smul.f32 s19, s19;
	v6 =	vadd.f32 v21, v6;
	v21 =	vpop (erf)  }
0xbf: {  	v16 =	vld [tilespmem:s17+$0x40];
	v13 =	vadd.f32 v26, v13;
	v23 =	vmul.f32 v26, v26;
	v31 =	vmul.f32 v21, v14  }
0xc0: {  	s20 =	ssub.f32 s20, s21;
	v14 =	vld [tilespmem:s18+$0x0];
	v21 =	vadd.f32 v17, v28  }
0xc1: {  	v15 =	vld [tilespmem:s18+$0x20];
	v35 =	vadd.f32 v23, v6;
	v37 =	vadd.f32 v31, v13  }
0xc2: {  	v42 =	vld [tilespmem:s18+$0xFFFFFFB0];
	v6 =	vmov s20;
	v13 =	vadd.f32 v4, v10;
	v23 =	vadd.f32 v27, v7  }
0xc3: {  	v17 =	vld [tilespmem:s17+$0xFFFFFF90];
	v10 =	vmul.f32 v31, v31;
	v27 =	vadd.f32 v32, v30;
	v4 =	vadd.f32 $9.999999740e-06, v6  }
0xc4: {  	v7 =	vld [tilespmem:s18+$0xFFFFFF90];
	v55 =	vmul.f32 v21, v21;
	v6 =	vadd.f32 v16, v29;
	v30 =	vmul.f32 v23, v23  }
0xc5: {  	v39 =	vld [tilespmem:s17+$0x10];
	v57 =	vmul.f32 v27, v27;
	v16 =	vbroadcast v4, $0x0;
	v28 =	vadd.f32 v34, v14  }
0xc6: {  	v43 =	vld [tilespmem:s17+$0xFFFFFFB0];
	v4 =	vadd.f32 v33, v15;
	v14 =	vmul.f32 v13, v13;
	v54 =	vmul.f32 v6, v6  }
0xc7: {  	v36 =	vld [tilespmem:s17+$0xFFFFFF80];
	v33 =	vmul.f32 $7.135481390e-02, v55;
	v29 =	vshrl.u32 v16, $0x1;
	v16 =	vmul.f32 $5.000000000e-01, v16  }
0xc8: {  	v41 =	vadd.f32 v10, v35;
	v15 =	vld [tilespmem:s18+$0xFFFFFF80];
	v10 =	vmul.f32 v28, v28;
	v40 =	vmul.f32 v4, v4  }
0xc9: {  	v35 =	vadd.f32 v17, v7;
	v14 =	vmul.f32 $7.135481390e-02, v14;
	v32 =	vmul.f32 $7.135481390e-02, v54  }
0xca: {  	v33 =	vsub.f32 $-1.595769170e+00, v33;
	v56 =	vsub.s32 $0x5F3759DF, v29;
	v29 =	vadd.f32 v39, v38  }
0xcb: {  	v38 =	vmul.f32 $7.135481390e-02, v57;
	v39 =	vadd.f32 v43, v42;
	v58 =	vmul.f32 v56, v16  }
0xcc: {  	v10 =	vmul.f32 $7.135481390e-02, v10;
	v32 =	vsub.f32 $-1.595769170e+00, v32;
	v33 =	vmul.f32 v33, v21  }
0xcd: {  	v7 =	vmul.f32 v29, v29;
	v36 =	vadd.f32 v36, v15;
	v15 =	vmul.f32 $7.135481390e-02, v30  }
0xce: {  	v14 =	vsub.f32 $-1.595769170e+00, v14;
	v30 =	vmul.f32 $7.135481390e-02, v40;
	v50 =	vmul.f32 v39, v39  }
0xcf: {  	v38 =	vsub.f32 $-1.595769170e+00, v38;
	v17 =	vmul.f32 v56, v58;
	v32 =	vmul.f32 v32, v6  }
0xd0: {  	v10 =	vsub.f32 $-1.595769170e+00, v10;
	v62 =	vmul.f32 v14, v13;
	v7 =	vmul.f32 $7.135481390e-02, v7  }
0xd1: {  	v33 =	vmul.f32 $1.442695020e+00, v33;
	v30 =	vsub.f32 $-1.595769170e+00, v30;
	v17 =	vsub.f32 $1.500000000e+00, v17  }
0xd2: {  	v59 =	vld [tilespmem:s18+$0xFFFFFFA0];
	v38 =	vmul.f32 v38, v27;
	v10 =	vmul.f32 v10, v28;
	v7 =	vsub.f32 $-1.595769170e+00, v7  }
0xd3: {  	v60 =	vld [tilespmem:s17+$0xFFFFFFA0];
	v30 =	vmul.f32 v30, v4;
	v17 =	vmul.f32 v56, v17  }
0xd4: {  	v10 =	vmul.f32 $1.442695020e+00, v10;
	v7 =	vmul.f32 v7, v29  }
0xd5: {  	v44 =	vld [tilespmem:s18+$0xFFFFFFC0];
	v15 =	vsub.f32 $-1.595769170e+00, v15;
	v61 =	vmul.f32 $1.442695020e+00, v38;
	v16 =	vmul.f32 v17, v16  }
0xd6: {  	v46 =	vld [tilespmem:s18+$0xFFFFFFD0];
	(xrf2) =	vadd.scan.msk.f32 $0xffff, v37;
	(erf) = vpow2.f32 v10;
	v7 =	vmul.f32 $1.442695020e+00, v7  }
0xd7: {  	v45 =	vld [tilespmem:s17+$0xFFFFFFC0];
	v15 =	vmul.f32 v15, v23;
	v16 =	vmul.f32 v16, v17  }
0xd8: {  	v47 =	vld [tilespmem:s18+$0xFFFFFFE0];
	v38 =	vadd.f32 v60, v59;
	v30 =	vmul.f32 $1.442695020e+00, v30;
	(erf) = vpow2.f32 v7  }
0xd9: {  	v32 =	vmul.f32 $1.442695020e+00, v32;
	v15 =	vmul.f32 $1.442695020e+00, v15;
	v7 =	vsub.f32 $1.500000000e+00, v16;
	v16 =	vld [tilespmem:s17+$0xFFFFFFD0]  }
0xda: {  	v49 =	vmul.f32 v38, v38;
	v10 =	vmov s19;
	(erf) = vpow2.f32 v30;
	v30 =	vld [tilespmem:s17+$0xFFFFFFE0]  }
0xdb: {  	v3 =	vsub.f32 v3, v10;
	(erf) = vpow2.f32 v61;
	v7 =	vmul.f32 v7, v17  }
0xdc: {  	(xrf2) =	vadd.scan.msk.f32 $0xffff, v41;
	v17 =	vadd.f32 v45, v44;
	(erf) = vpow2.f32 v32;
	v45 =	vmul.f32 v36, v36  }
0xdd: {  	v63 =	vld [tilespmem:s17+$0xFFFFFFF0];
	(erf) = vpow2.f32 v33;
	v33 =	vmul.f32 $7.135481390e-02, v49  }
0xde: {  	v40 =	vmul.f32 v7, v3;
	v3 =	vld [tilespmem:s18+$0xFFFFFFF0];
	(erf) = vpow2.f32 v15  }
0xdf: {  	v16 =	vadd.f32 v16, v46;
	v14 =	vadd.f32 v30, v47;
	v30 =	vmul.f32 $1.442695020e+00, v62;
	v46 =	vpop (erf)  }
0xe0: {  	v52, _, _ =	vpop (xrf2);
	v32 =	vmul.f32 $7.135481390e-02, v45;
	v55 =	vmul.f32 v17, v17;
	v34 =	vadd.f32 $1.000000000e+00, v46  }
0xe1: {  	(v2sf) =	vpush v52, $0xF;
	v47 =	vmul.f32 v35, v35;
	(erf) = vpow2.f32 v30;
	v48 =	vpop (erf)  }
0xe2: {  	v33 =	vsub.f32 $-1.595769170e+00, v33;
	(erf) = vrcp.f32 v34;
	v41 =	vadd.f32 $1.000000000e+00, v48  }
0xe3: {  	v32 =	vsub.f32 $-1.595769170e+00, v32;
	v30 =	vmul.f32 $7.135481390e-02, v47;
	v15 =	vadd.f32 v63, v3;
	v3 =	vpop (erf)  }
0xe4: {  	v33 =	vmul.f32 v33, v38;
	v3 =	vadd.f32 $1.000000000e+00, v3;
	(erf) = vrcp.f32 v41  }
0xe5: {  	v61 =	vmul.f32 v16, v16;
	v52 =	vmul.f32 v14, v14;
	v30 =	vsub.f32 $-1.595769170e+00, v30;
	v51 =	vpop (erf)  }
0xe6: {  	v54, _, _ =	vpop (xrf2);
	v34 =	vmul.f32 $7.135481390e-02, v50;
	v37 =	vadd.f32 $1.000000000e+00, v51;
	(erf) = vrcp.f32 v3  }
0xe7: {  	(v2sf) =	vpush v54, $0xF;
	v30 =	vmul.f32 v30, v35;
	v53 =	vpop (erf);
	v3 =	vmul.f32 v32, v36  }
0xe8: {  	v51 =	vmul.f32 $7.135481390e-02, v61;
	v32 =	vadd.f32 $1.000000000e+00, v53;
	v56 =	vpop (erf);
	(erf) = vrcp.f32 v37  }
0xe9: {  	v58 =	vpop (erf);
	v37 =	vmul.f32 $7.135481390e-02, v55;
	v57 =	vmul.f32 $1.442695020e+00, v3;
	v3 =	vadd.f32 $1.000000000e+00, v56  }
0xea: {  	v55 =	vmul.f32 v15, v15;
	(erf) = vrcp.f32 v32;
	v32 =	vadd.f32 $1.000000000e+00, v58;
	v59 =	vpop (erf)  }
0xeb: {  	v30 =	vmul.f32 $1.442695020e+00, v30;
	v63 =	vsub.f32 $-1.595769170e+00, v37;
	v60 =	vpop (erf);
	(erf) = vrcp.f32 v3  }
0xec: {  	v62 =	vsub.f32 v2, v10;
	v56 =	vmul.f32 $7.135481390e-02, v55;
	(erf) = vrcp.f32 v32  }
0xed: {  	v2 =	vmul.f32 v60, v28;
	v28 =	vadd.f32 $1.000000000e+00, v59;
	v32 =	vmul.f32 v63, v17;
	v3 =	vpop (erf)  }
0xee: {  	(erf) = vpow2.f32 v57;
	v3 =	vmul.f32 v3, v29  }
0xef: {  	v49 =	vsub.f32 v5, v10;
	v43 =	vpop (erf);
	(erf) = vrcp.f32 v28;
	v28 =	vmul.f32 v2, v2  }
0xf0: {  	v34 =	vsub.f32 $-1.595769170e+00, v34;
	v4 =	vmul.f32 v43, v4;
	v47 =	vmul.f32 v3, v3  }
0xf1: {  	v32 =	vmul.f32 $1.442695020e+00, v32;
	v48 =	vpop (erf);
	(erf) = vpow2.f32 v30;
	v46 =	vadd.f32 v3, v2  }
0xf2: {  	v5 =	vmul.f32 v48, v27;
	v30 =	vmul.f32 v4, v4;
	v28 =	vadd.f32 v47, v28  }
0xf3: {  	v29 =	vmul.f32 $1.442695020e+00, v33;
	v33 =	vmul.f32 $7.135481390e-02, v52;
	v50 =	vpop (erf);
	v37 =	vadd.f32 v4, v46  }
0xf4: {  	v6 =	vmul.f32 v50, v6;
	v28 =	vadd.f32 v30, v28;
	v30 =	vmul.f32 v5, v5  }
0xf5: {  	v27 =	vmul.f32 v34, v39;
	v34 =	vsub.f32 $-1.595769170e+00, v51;
	v53 =	vpop (erf);
	v37 =	vadd.f32 v5, v37  }
0xf6: {  	v21 =	vmul.f32 v53, v21;
	v28 =	vadd.f32 v30, v28;
	v30 =	vmul.f32 v6, v6  }
0xf7: {  	v27 =	vmul.f32 $1.442695020e+00, v27;
	(erf) = vpow2.f32 v29;
	v29 =	vpop (erf);
	v37 =	vadd.f32 v6, v37  }
0xf8: {  	v23 =	vmul.f32 v29, v23;
	v29 =	vpop (erf);
	v28 =	vadd.f32 v30, v28;
	v30 =	vmul.f32 v21, v21  }
0xf9: {  	v33 =	vsub.f32 $-1.595769170e+00, v33;
	(erf) = vpow2.f32 v27;
	v54 =	vpop (erf);
	v37 =	vadd.f32 v21, v37  }
0xfa: {  	v13 =	vmul.f32 v54, v13;
	v28 =	vadd.f32 v30, v28;
	v30 =	vmul.f32 v23, v23  }
0xfb: {  	s20 =	spop (v2sf);
	v27 =	vmul.f32 v34, v16;
	(erf) = vpow2.f32 v32;
	v37 =	vadd.f32 v23, v37  }
0xfc: {  	s10 =	smul.f32 $7.812500000e-03, s20;
	s21 =	spop (v2sf);
	v34 =	vsub.f32 $-1.595769170e+00, v56;
	v28 =	vadd.f32 v30, v28;
	v30 =	vmul.f32 v13, v13  }
0xfd: {  	s19 =	smul.f32 $7.812500000e-03, s21;
	v27 =	vmul.f32 $1.442695020e+00, v27;
	v37 =	vadd.f32 v13, v37  }
0xfe: {  	s30 =	smul.f32 s10, s10;
	v33 =	vmul.f32 v33, v14;
	v58 =	vmul.f32 v34, v15;
	v28 =	vadd.f32 v30, v28  }
0xff: {  	v29 =	vadd.f32 $1.000000000e+00, v29;
	(erf) = vpow2.f32 v27;
	(xrf2) =	vadd.scan.msk.f32 $0xffff, v37  }
0x100: {  	s19 =	ssub.f32 s19, s30;
	v57 =	vpop (erf);
	v37 =	vsub.f32 v8, v10;
	v8 =	vmul.f32 $1.442695020e+00, v58;
	(xrf2) =	vadd.scan.msk.f32 $0xffff, v28;
	v28 =	vmul.f32 $1.442695020e+00, v33  }
0x101: {  	v32 =	vadd.f32 $1.000000000e+00, v57;
	(erf) = vrcp.f32 v29  }
0x102: {  	v60 =	vmov s10;
	v27 =	vmov s19;
	v30 =	vpop (erf);
	(erf) = vpow2.f32 v28  }
0x103: {  	v59 =	vadd.f32 $9.999999740e-06, v27;
	v27 =	vsub.f32 v19, v60;
	v19 =	vpop (erf);
	(erf) = vrcp.f32 v32  }
0x104: {  	(erf) = vpow2.f32 v8;
	v8 =	vpop (erf)  }
0x105: {  	v61 =	vbroadcast v59, $0x0;
	v30 =	vadd.f32 $1.000000000e+00, v30;
	v8 =	vadd.f32 $1.000000000e+00, v8  }
0x106: {  	v28 =	vsub.f32 v12, v60;
	v12 =	vadd.f32 $1.000000000e+00, v19  }
0x107: {  	v41 =	vmul.f32 $5.000000000e-01, v61;
	v19 =	vshrl.u32 v61, $0x1;
	(erf) = vrcp.f32 v30  }
0x108: {  	(erf) = vrcp.f32 v12;
	v12 =	vsub.s32 $0x5F3759DF, v19  }
0x109: {  	v29 =	vsub.f32 v22, v60;
	v22 =	vmul.f32 v12, v41;
	(erf) = vrcp.f32 v8;
	v8 =	vpop (erf)  }
0x10a: {  	v34 =	vsub.f32 v20, v60;
	v19, _, _ =	vpop (xrf2);
	v20 =	vadd.f32 $1.000000000e+00, v8  }
0x10b: {  	v31 =	vsub.f32 v31, v60;
	(v2sf) =	vpush v19, $0xF;
	v19 =	vmul.f32 v12, v22  }
0x10c: {  	v33 =	vsub.f32 v25, v60;
	v30 =	vsub.f32 v26, v60;
	v8, _, _ =	vpop (xrf2)  }
0x10d: {  	v26 =	vmul.f32 v7, v62;
	v22 =	vpop (erf);
	(v2sf) =	vpush v8, $0xF;
	v25 =	vsub.f32 $1.500000000e+00, v19  }
0x10e: {  	v32 =	vsub.f32 v24, v60;
	v8 =	vmul.f32 v22, v36;
	(erf) = vrcp.f32 v20;
	v20 =	vpop (erf)  }
0x10f: {  	v62 =	vmul.f32 v7, v49;
	v25 =	vmul.f32 v12, v25;
	v20 =	vadd.f32 $1.000000000e+00, v20;
	v24 =	vpop (erf)  }
0x110: {  	v22 =	vsub.f32 v9, v10;
	v19 =	vmul.f32 v8, v8;
	v9 =	vmul.f32 v24, v35;
	v63 =	vpop (erf)  }
0x111: {  	[tilespmem:s16+$0x70] =	vst v40;
	v24 =	vsub.f32 v11, v10;
	v35 =	vadd.f32 $1.000000000e+00, v63;
	v11 =	vpop (erf);
	(erf) = vrcp.f32 v20  }
0x112: {  	[tilespmem:s16+$0x0] =	vst v26;
	v20 =	vadd.f32 v9, v8;
	v40 =	vmul.f32 v9, v9;
	v12 =	vmul.f32 v11, v38;
	v11 =	vpop (erf)  }
0x113: {  	s21 =	simm.s32 $0x2;
	s10 =	simm.s32 $0x300;
	s19 =	simm.s32 $0x2200;
	[tilespmem:s16+$0x10] =	vst v62;
	v26 =	vsub.f32 v18, v10;
	v11 =	vmul.f32 v11, v39;
	(erf) = vrcp.f32 v35  }
.LBB2_5:
0x114: {  	v35 =	vld [tilespmem:s10+$0x70];
	v36 =	vadd.f32 v40, v19;
	v20 =	vadd.f32 v12, v20;
	v38 =	vmul.f32 v12, v12;
	s17 =	sadd.s32 $0x100, s17;
	v18 =	vpop (erf)  }
0x115: {  	v10 =	vsub.f32 v1, v10;
	v39 =	vld [tilespmem:s17+$0x70];
	v40 =	vmul.f32 v11, v11;
	v19 =	vmul.f32 v18, v17;
	v18 =	vmovc v21  }
0x116: {  	v1 =	vmovc v23;
	v17 =	vld [tilespmem:s10+$0x60];
	v21 =	vadd.f32 v38, v36;
	v20 =	vadd.f32 v11, v20;
	v36 =	vmul.f32 v25, v41  }
0x117: {  	v37 =	vmul.f32 v7, v37;
	v23 =	vld [tilespmem:s17+$0x60];
	v38 =	vmul.f32 v19, v19;
	v41 =	vpop (erf)  }
0x118: {  	v42 =	vld [tilespmem:s10+$0x50];
	v21 =	vadd.f32 v40, v21;
	v40 =	vadd.f32 v19, v20;
	v20 =	vmul.f32 v41, v16  }
0x119: {  	v36 =	vmul.f32 v36, v25;
	v16 =	vld [tilespmem:s17+$0x50];
	[tilespmem:s16+$0x20] =	vst v37;
	v37 =	vmul.f32 v7, v22  }
0x11a: {  	v41 =	vld [tilespmem:s10+$0x40];
	v21 =	vadd.f32 v38, v21;
	v38 =	vadd.f32 v20, v40;
	v40 =	vmul.f32 v20, v20;
	v22 =	vpop (erf)  }
0x11b: {  	v43 =	vld [tilespmem:s17+$0x40];
	v22 =	vmul.f32 v22, v14;
	s20 =	spop (v2sf);
	v14 =	vsub.f32 $1.500000000e+00, v36;
	[tilespmem:s16+$0x30] =	vst v37;
	v36 =	vmul.f32 v7, v24  }
0x11c: {  	v26 =	vmul.f32 v7, v26;
	v7 =	vmul.f32 v7, v10;
	v37 =	vld [tilespmem:s10+$0x30];
	v21 =	vadd.f32 v40, v21;
	s20 =	smul.f32 $7.812500000e-03, s20;
	v24 =	vpop (erf);
	s18 =	spop (v2sf)  }
0x11d: {  	v10 =	vld [tilespmem:s17+$0x30];
	v38 =	vadd.f32 v22, v38;
	v40 =	vmul.f32 v22, v22;
	v24 =	vmul.f32 v24, v15;
	s18 =	smul.f32 $7.812500000e-03, s18;
	[tilespmem:s16+$0x40] =	vst v36  }
0x11e: {  	v14 =	vmul.f32 v14, v25;
	v15 =	vld [tilespmem:s10+$0x20];
	s30 =	smul.f32 s20, s20;
	[tilespmem:s16+$0x50] =	vst v26  }
0x11f: {  	v25 =	vld [tilespmem:s17+$0x20];
	v21 =	vadd.f32 v40, v21;
	v26 =	vadd.f32 v24, v38;
	v36 =	vmul.f32 v24, v24;
	[tilespmem:s16+$0x60] =	vst v7  }
0x120: {  	v27 =	vmul.f32 v14, v27;
	v28 =	vmul.f32 v14, v28;
	v7 =	vld [tilespmem:s10+$0x0];
	s18 =	ssub.f32 s18, s30  }
0x121: {  	v34 =	vmul.f32 v14, v34;
	v38 =	vld [tilespmem:s17+$0x0];
	v36 =	vadd.f32 v36, v21;
	(xrf2) =	vadd.scan.msk.f32 $0xffff, v26;
	v26 =	vmul.f32 v14, v29  }
0x122: {  	v32 =	vmul.f32 v14, v32;
	v33 =	vmul.f32 v14, v33;
	v40 =	vld [tilespmem:s17+$0xFFFFFF80];
	v21 =	vmov s18;
	[tilespmem:s16+$0xFFFFFF80] =	vst v27  }
0x123: {  	v27 =	vadd.f32 v39, v35;
	v39 =	vmul.f32 v14, v30;
	v44 =	vld [tilespmem:s10+$0x10];
	v35 =	vadd.f32 $9.999999740e-06, v21;
	[tilespmem:s16+$0xFFFFFF90] =	vst v28  }
0x124: {  	v23 =	vadd.f32 v23, v17;
	v14 =	vmul.f32 v14, v31;
	v21 =	vadd.f32 v16, v42;
	v45 =	vld [tilespmem:s17+$0x10];
	(xrf2) =	vadd.scan.msk.f32 $0xffff, v36  }
0x125: {  	v29 =	vadd.f32 v10, v37;
	v28 =	vadd.f32 v43, v41;
	v16 =	vld [tilespmem:s10+$0xFFFFFF90];
	v10 =	vbroadcast v35, $0x0;
	[tilespmem:s16+$0xFFFFFFA0] =	vst v26  }
0x126: {  	s21 =	sadd.s32 $0x2, s21;
	v30 =	vadd.f32 v25, v15;
	v17 =	vld [tilespmem:s17+$0xFFFFFF90];
	v31 =	vadd.f32 v38, v7;
	v7 =	vmul.f32 v27, v27;
	[tilespmem:s16+$0xFFFFFFB0] =	vst v34  }
0x127: {  	p0 =	slt.u32 s21, $0x3E;
	v34 =	vmul.f32 v23, v23;
	v15 =	vld [tilespmem:s10+$0xFFFFFF80];
	v25 =	vshrl.u32 v10, $0x1;
	v10 =	vmul.f32 $5.000000000e-01, v10;
	[tilespmem:s16+$0xFFFFFFC0] =	vst v32  }
0x128: {  	v36 =	vmul.f32 v28, v28;
	v37 =	vmul.f32 v21, v21;
	v35 =	vld [tilespmem:s10+$0xFFFFFFA0];
	v38 =	vsub.s32 $0x5F3759DF, v25;
	[tilespmem:s16+$0xFFFFFFD0] =	vst v33  }
0x129: {  	v41 =	vmul.f32 v29, v29;
	v33 =	vld [tilespmem:s17+$0xFFFFFFA0];
	v32 =	vadd.f32 v45, v44;
	v26 =	vmul.f32 v38, v10;
	[tilespmem:s16+$0xFFFFFFE0] =	vst v39  }
0x12a: {  	v43 =	vmul.f32 v30, v30;
	v42 =	vmul.f32 v31, v31;
	v39 =	vld [tilespmem:s10+$0xFFFFFFB0];
	[tilespmem:s16+$0xFFFFFFF0] =	vst v14;
	s16 =	smov.u32 s19;
	s19 =	smov.u32 s17  }
0x12b: {  	v25 =	vadd.f32 v17, v16;
	v14 =	vld [tilespmem:s17+$0xFFFFFFB0];
	v16 =	vmul.f32 v32, v32;
	v17 =	vmul.f32 v38, v26;
	v44, _, _ =	vpop (xrf2)  }
0x12c: {  	v7 =	vmul.f32 $7.135481390e-02, v7;
	v26 =	vadd.f32 v40, v15;
	v15 =	vld [tilespmem:s10+$0xFFFFFFC0];
	v40 =	vmul.f32 $7.135481390e-02, v42  }
0x12d: {  	v34 =	vmul.f32 $7.135481390e-02, v34;
	v42 =	vld [tilespmem:s17+$0xFFFFFFC0];
	v16 =	vmul.f32 $7.135481390e-02, v16;
	v17 =	vsub.f32 $1.500000000e+00, v17  }
0x12e: {  	v37 =	vmul.f32 $7.135481390e-02, v37;
	v43 =	vmul.f32 $7.135481390e-02, v43;
	v45 =	vld [tilespmem:s10+$0xFFFFFFD0];
	v40 =	vsub.f32 $-1.595769170e+00, v40;
	v46, _, _ =	vpop (xrf2)  }
0x12f: {  	v36 =	vmul.f32 $7.135481390e-02, v36;
	v47 =	vld [tilespmem:s17+$0xFFFFFFD0];
	v16 =	vsub.f32 $-1.595769170e+00, v16;
	v17 =	vmul.f32 v38, v17  }
0x130: {  	v41 =	vmul.f32 $7.135481390e-02, v41;
	v43 =	vsub.f32 $-1.595769170e+00, v43;
	v38 =	vld [tilespmem:s10+$0xFFFFFFE0];
	v40 =	vmul.f32 v40, v31  }
0x131: {  	v49 =	vsub.f32 $-1.595769170e+00, v7;
	v48 =	vld [tilespmem:s17+$0xFFFFFFE0];
	v16 =	vmul.f32 v16, v32;
	v7 =	vmul.f32 v17, v10  }
0x132: {  	v41 =	vsub.f32 $-1.595769170e+00, v41;
	v50 =	vld [tilespmem:s10+$0xFFFFFFF0];
	v10 =	vmul.f32 $1.442695020e+00, v40;
	v40 =	vmul.f32 v43, v30  }
0x133: {  	v37 =	vsub.f32 $-1.595769170e+00, v37;
	v43 =	vld [tilespmem:s17+$0xFFFFFFF0];
	v16 =	vmul.f32 $1.442695020e+00, v16;
	v7 =	vmul.f32 v7, v17  }
0x134: {  	v36 =	vsub.f32 $-1.595769170e+00, v36;
	v41 =	vmul.f32 v41, v29;
	(erf) = vpow2.f32 v10  }
0x135: {  	v40 =	vmul.f32 $1.442695020e+00, v40;
	(erf) = vpow2.f32 v16;
	v7 =	vsub.f32 $1.500000000e+00, v7  }
0x136: {  	v36 =	vmul.f32 v36, v28;
	v10 =	vmov s20;
	v16 =	vmul.f32 $1.442695020e+00, v41  }
0x137: {  	v13 =	vsub.f32 v13, v10;
	(erf) = vpow2.f32 v40;
	v7 =	vmul.f32 v7, v17  }
0x138: {  	v37 =	vmul.f32 v37, v21;
	v40 =	vmul.f32 $1.442695020e+00, v36;
	v17 =	vsub.f32 $-1.595769170e+00, v34  }
0x139: {  	v35 =	vadd.f32 v33, v35;
	(erf) = vpow2.f32 v16;
	v13 =	vmul.f32 v7, v13  }
0x13a: {  	v33 =	vmul.f32 v49, v27;
	v36 =	vadd.f32 v14, v39;
	v14 =	vmul.f32 v17, v23  }
0x13b: {  	v17 =	vadd.f32 v42, v15;
	v15 =	vmul.f32 $1.442695020e+00, v37;
	(erf) = vpow2.f32 v40;
	[tilespmem:s16+$0x70] =	vst v13  }
0x13c: {  	v16 =	vadd.f32 v47, v45;
	v13 =	vmul.f32 v26, v26;
	v34 =	vmul.f32 $1.442695020e+00, v14  }
0x13d: {  	v33 =	vmul.f32 $1.442695020e+00, v33;
	v14 =	vadd.f32 v48, v38;
	v37 =	vpop (erf);
	(erf) = vpow2.f32 v15  }
0x13e: {  	v15 =	vmul.f32 v25, v25;
	v39 =	vadd.f32 $1.000000000e+00, v37;
	v38 =	vpop (erf);
	(erf) = vpow2.f32 v34  }
0x13f: {  	v13 =	vmul.f32 $7.135481390e-02, v13;
	v34 =	vadd.f32 $1.000000000e+00, v38;
	(erf) = vpow2.f32 v33  }
0x140: {  	v33 =	vmul.f32 $7.135481390e-02, v15;
	v15 =	vadd.f32 v43, v50;
	(erf) = vrcp.f32 v39;
	v37 =	vpop (erf)  }
0x141: {  	v38 =	vmul.f32 v35, v35;
	v40 =	vadd.f32 $1.000000000e+00, v37;
	(erf) = vrcp.f32 v34  }
0x142: {  	v13 =	vsub.f32 $-1.595769170e+00, v13;
	v33 =	vsub.f32 $-1.595769170e+00, v33;
	v34 =	vmul.f32 v36, v36;
	v39 =	vpop (erf)  }
0x143: {  	v38 =	vmul.f32 $7.135481390e-02, v38;
	v39 =	vadd.f32 $1.000000000e+00, v39;
	(erf) = vrcp.f32 v40  }
0x144: {  	v13 =	vmul.f32 v13, v26;
	v33 =	vmul.f32 v33, v25;
	v37 =	vpop (erf);
	(v2sf) =	vpush v44, $0xF  }
0x145: {  	v38 =	vsub.f32 $-1.595769170e+00, v38;
	v42 =	vadd.f32 $1.000000000e+00, v37;
	(erf) = vrcp.f32 v39  }
0x146: {  	v34 =	vmul.f32 $7.135481390e-02, v34;
	v39 =	vmul.f32 v17, v17;
	v40 =	vpop (erf);
	(v2sf) =	vpush v46, $0xF  }
0x147: {  	v13 =	vmul.f32 $1.442695020e+00, v13;
	v40 =	vadd.f32 $1.000000000e+00, v40;
	(erf) = vrcp.f32 v42;
	v37 =	vpop (erf)  }
0x148: {  	v33 =	vmul.f32 $1.442695020e+00, v33;
	v38 =	vmul.f32 v38, v35;
	v37 =	vadd.f32 $1.000000000e+00, v37;
	v41 =	vpop (erf)  }
0x149: {  	v34 =	vsub.f32 $-1.595769170e+00, v34;
	v39 =	vmul.f32 $7.135481390e-02, v39;
	v42 =	vpop (erf);
	(erf) = vrcp.f32 v40  }
0x14a: {  	v43 =	vmul.f32 v16, v16;
	v40 =	vsub.f32 v2, v10;
	v44 =	vpop (erf);
	(erf) = vrcp.f32 v37  }
0x14b: {  	v2 =	vmul.f32 v42, v31;
	v31 =	vmul.f32 v44, v32;
	v32 =	vadd.f32 $1.000000000e+00, v41  }
0x14c: {  	v37 =	vmul.f32 $1.442695020e+00, v38;
	v41 =	vsub.f32 $-1.595769170e+00, v39;
	(erf) = vpow2.f32 v13;
	v13 =	vpop (erf)  }
0x14d: {  	v38 =	vadd.f32 v31, v2;
	v30 =	vmul.f32 v13, v30;
	(erf) = vrcp.f32 v32  }
0x14e: {  	v42 =	vsub.f32 v3, v10;
	v13 =	vmul.f32 v2, v2;
	v45 =	vmul.f32 v31, v31;
	v39 =	vpop (erf)  }
0x14f: {  	v3 =	vmovc v31;
	v44 =	vadd.f32 v30, v38;
	v38 =	vmul.f32 v39, v29;
	(erf) = vpow2.f32 v33  }
0x150: {  	v29 =	vmul.f32 v34, v36;
	v13 =	vadd.f32 v45, v13;
	v31 =	vmul.f32 v30, v30;
	v32 =	vpop (erf)  }
0x151: {  	v33 =	vmul.f32 $7.135481390e-02, v43;
	v34 =	vadd.f32 v38, v44;
	v39 =	vmul.f32 v32, v28  }
0x152: {  	v28 =	vmul.f32 v14, v14;
	v13 =	vadd.f32 v31, v13;
	v31 =	vmul.f32 v38, v38;
	v32 =	vpop (erf)  }
0x153: {  	v34 =	vadd.f32 v39, v34;
	v21 =	vmul.f32 v32, v21;
	(erf) = vpow2.f32 v37;
	v32 =	vpop (erf);
	s18 =	spop (v2sf)  }
0x154: {  	v29 =	vmul.f32 $1.442695020e+00, v29;
	v43 =	vadd.f32 v31, v13;
	v31 =	vmul.f32 v39, v39;
	s18 =	smul.f32 $7.812500000e-03, s18  }
0x155: {  	v37 =	vmul.f32 v41, v17;
	v23 =	vmul.f32 v32, v23;
	v34 =	vadd.f32 v21, v34;
	v32 =	vpop (erf);
	s20 =	spop (v2sf)  }
0x156: {  	v33 =	vsub.f32 $-1.595769170e+00, v33;
	v31 =	vadd.f32 v31, v43;
	v41 =	vmul.f32 v21, v21;
	v13 =	vpop (erf);
	s20 =	smul.f32 $7.812500000e-03, s20  }
0x157: {  	v28 =	vmul.f32 $7.135481390e-02, v28;
	s30 =	smul.f32 s18, s18;
	v34 =	vadd.f32 v23, v34;
	v13 =	vmul.f32 v13, v27  }
0x158: {  	v27 =	vmul.f32 v15, v15;
	v31 =	vadd.f32 v41, v31;
	v41 =	vmul.f32 v23, v23;
	v43 =	vpop (erf)  }
0x159: {  	v37 =	vmul.f32 $1.442695020e+00, v37;
	s20 =	ssub.f32 s20, s30;
	v34 =	vadd.f32 v13, v34;
	(erf) = vpow2.f32 v29  }
0x15a: {  	v29 =	vmul.f32 v33, v16;
	v31 =	vadd.f32 v41, v31;
	v41 =	vmul.f32 v13, v13  }
0x15b: {  	v28 =	vsub.f32 $-1.595769170e+00, v28;
	v27 =	vmul.f32 $7.135481390e-02, v27;
	(erf) = vpow2.f32 v37;
	(xrf2) =	vadd.scan.msk.f32 $0xffff, v34  }
0x15c: {  	v32 =	vadd.f32 $1.000000000e+00, v32;
	v29 =	vmul.f32 $1.442695020e+00, v29;
	v31 =	vadd.f32 v41, v31;
	v33 =	vpop (erf)  }
0x15d: {  	v28 =	vmul.f32 v28, v14;
	v34 =	vadd.f32 $1.000000000e+00, v43;
	v27 =	vsub.f32 $-1.595769170e+00, v27  }
0x15e: {  	v33 =	vadd.f32 $1.000000000e+00, v33;
	(erf) = vpow2.f32 v29;
	(xrf2) =	vadd.scan.msk.f32 $0xffff, v31;
	v29 =	vmov s20  }
0x15f: {  	v28 =	vmul.f32 $1.442695020e+00, v28;
	v27 =	vmul.f32 v27, v15;
	v29 =	vadd.f32 $9.999999740e-06, v29  }
0x160: {  	v37 =	vsub.f32 v4, v10;
	v4 =	vmovc v30;
	v31 =	vmov s18;
	(erf) = vrcp.f32 v32  }
0x161: {  	v30 =	vmul.f32 $1.442695020e+00, v27;
	v27 =	vsub.f32 v8, v31;
	(erf) = vpow2.f32 v28  }
0x162: {  	v32 =	vbroadcast v29, $0x0;
	v28 =	vsub.f32 v9, v31;
	(erf) = vrcp.f32 v34;
	v8 =	vpop (erf)  }
0x163: {  	v29 =	vsub.f32 v12, v31;
	v34 =	vadd.f32 $1.000000000e+00, v8;
	(erf) = vpow2.f32 v30  }
0x164: {  	v12 =	vshrl.u32 v32, $0x1;
	v41 =	vmul.f32 $5.000000000e-01, v32;
	(erf) = vrcp.f32 v33;
	v9 =	vpop (erf)  }
0x165: {  	v12 =	vsub.s32 $0x5F3759DF, v12;
	v30 =	vadd.f32 $1.000000000e+00, v9;
	(erf) = vrcp.f32 v34;
	v8, _, _ =	vpop (xrf2)  }
0x166: {  	v32 =	vsub.f32 v19, v31;
	v43 =	vmul.f32 v12, v41;
	v34 =	vsub.f32 v11, v31  }
0x167: {  	v33 =	vsub.f32 v20, v31;
	(erf) = vrcp.f32 v30;
	v9 =	vpop (erf);
	v30 =	vsub.f32 v22, v31  }
0x168: {  	v11 =	vmul.f32 v12, v43;
	v22 =	vadd.f32 $1.000000000e+00, v9;
	(v2sf) =	vpush v8, $0xF;
	v8, _, _ =	vpop (xrf2)  }
0x169: {  	v20 =	vmul.f32 v7, v40;
	v31 =	vsub.f32 v24, v31;
	v19 =	vpop (erf);
	(v2sf) =	vpush v8, $0xF  }
0x16a: {  	v11 =	vsub.f32 $1.500000000e+00, v11;
	v8 =	vmul.f32 v19, v26;
	(erf) = vrcp.f32 v22;
	v9 =	vpop (erf)  }
.Ltmp1:
0x16b: {  	v22 =	vsub.f32 v5, v10;
	v26 =	vadd.f32 $1.000000000e+00, v9;
	v9 =	vpop (erf);
	[tilespmem:s16+$0x0] =	vst v20;
	v20 =	vmul.f32 v7, v42;
	(pc) =	sbr.rel @p0 .LBB2_5-.Ltmp1, $4  }
0x16c: {  	v24 =	vsub.f32 v6, v10;
	v19 =	vmul.f32 v8, v8;
	v9 =	vmul.f32 v9, v25;
	v5 =	vpop (erf)  }
0x16d: {  	v25 =	vmul.f32 v12, v11;
	v42 =	vadd.f32 $1.000000000e+00, v5;
	v6 =	vpop (erf);
	(erf) = vrcp.f32 v26;
	[tilespmem:s16+$0x10] =	vst v20  }
0x16e: {  	v20 =	vadd.f32 v9, v8;
	v40 =	vmul.f32 v9, v9;
	v12 =	vmul.f32 v6, v35;
	v6 =	vpop (erf)  }
0x16f: {  	s10 =	sadd.s32 $0x100, s10;
	v26 =	vsub.f32 v18, v10;
	v5 =	vmovc v38;
	v11 =	vmul.f32 v6, v36;
	(erf) = vrcp.f32 v42;
	v6 =	vmovc v39  }
0x170: {  	v20 =	vadd.f32 v12, v20  }
0x171: {  	v18 =	vadd.f32 v40, v19;
	v19 =	vmul.f32 v12, v12  }
0x172: {  	v35 =	vpop (erf)  }
0x173: {  	v36 =	vmul.f32 v11, v11;
	v17 =	vmul.f32 v35, v17;
	v18 =	vadd.f32 v19, v18  }
0x174: {  	v19 =	vadd.f32 v11, v20;
	v20 =	vpop (erf)  }
0x175: {  	v35 =	vmul.f32 v17, v17;
	v18 =	vadd.f32 v36, v18;
	v16 =	vmul.f32 v20, v16  }
0x176: {  	v19 =	vadd.f32 v17, v19;
	v20 =	vpop (erf)  }
0x177: {  	v18 =	vadd.f32 v35, v18;
	v42 =	vmul.f32 v16, v16;
	v14 =	vmul.f32 v20, v14  }
0x178: {  	v19 =	vadd.f32 v16, v19;
	v20 =	vpop (erf)  }
0x179: {  	v18 =	vadd.f32 v42, v18;
	v43 =	vmul.f32 v14, v14;
	v15 =	vmul.f32 v20, v15  }
0x17a: {  	v19 =	vadd.f32 v14, v19  }
0x17b: {  	v18 =	vadd.f32 v43, v18;
	v20 =	vmul.f32 v15, v15  }
0x17c: {  	v19 =	vadd.f32 v15, v19  }
0x17d: {  	v18 =	vadd.f32 v20, v18  }
0x17e: {  	(xrf2) =	vadd.scan.msk.f32 $0xffff, v19  }
0x17f: {  	(xrf2) =	vadd.scan.msk.f32 $0xffff, v18;
	_ =	sdelay $0x8  }
0x180: {  	v18, _, _ =	vpop (xrf2)  }
0x181: {  	(v2sf) =	vpush v18, $0xF;
	v19, _, _ =	vpop (xrf2)  }
0x182: {  	(v2sf) =	vpush v19, $0xF;
	_ =	sdelay $0x5  }
0x183: {  	s10 =	spop (v2sf)  }
0x184: {  	s17 =	spop (v2sf);
	s18 =	smul.f32 $7.812500000e-03, s10  }
0x185: {  	s17 =	smul.f32 $7.812500000e-03, s17  }
0x186: {  	s20 =	smul.f32 s18, s18;
	_ =	sdelay $0x1  }
0x187: {  	s10 =	ssub.f32 s17, s20;
	_ =	sdelay $0x1  }
0x188: {  	v18 =	vmov s10  }
0x189: {  	v18 =	vadd.f32 $9.999999740e-06, v18;
	s21 =	spop (v2sf)  }
0x18a: {  	s10 =	smul.f32 $7.812500000e-03, s21;
	s30 =	spop (v2sf)  }
0x18b: {  	v18 =	vbroadcast v18, $0x0;
	s17 =	smul.f32 $7.812500000e-03, s30  }
0x18c: {  	s20 =	smul.f32 s10, s10  }
0x18d: {  	v19 =	vshrl.u32 v18, $0x1;
	v18 =	vmul.f32 $5.000000000e-01, v18  }
0x18e: {  	v20 =	vmul.f32 v25, v41;
	v19 =	vsub.s32 $0x5F3759DF, v19;
	s17 =	ssub.f32 s17, s20  }
0x18f: {  	v44 =	vmul.f32 v19, v18  }
0x190: {  	v20 =	vmul.f32 v20, v25;
	v45 =	vmov s17  }
0x191: {  	v35 =	vmul.f32 v19, v44;
	v36 =	vadd.f32 $9.999999740e-06, v45  }
0x192: {  	v37 =	vmul.f32 v7, v37;
	v22 =	vmul.f32 v7, v22;
	v20 =	vsub.f32 $1.500000000e+00, v20  }
0x193: {  	v24 =	vmul.f32 v7, v24;
	v35 =	vsub.f32 $1.500000000e+00, v35;
	v36 =	vbroadcast v36, $0x0  }
0x194: {  	v1 =	vsub.f32 v1, v10;
	v10 =	vmul.f32 v7, v26;
	[tilespmem:s16+$0x20] =	vst v37;
	v20 =	vmul.f32 v20, v25  }
0x195: {  	[tilespmem:s16+$0x30] =	vst v22;
	v19 =	vmul.f32 v19, v35;
	v22 =	vshrl.u32 v36, $0x1;
	v25 =	vmul.f32 $5.000000000e-01, v36  }
0x196: {  	v1 =	vmul.f32 v7, v1;
	[tilespmem:s16+$0x40] =	vst v24;
	v7 =	vmul.f32 v20, v27;
	v22 =	vsub.s32 $0x5F3759DF, v22  }
0x197: {  	[tilespmem:s16+$0x50] =	vst v10;
	v10 =	vmul.f32 v19, v18;
	v18 =	vmul.f32 v22, v25  }
0x198: {  	[tilespmem:s16+$0x60] =	vst v1;
	v1 =	vmul.f32 v20, v28;
	v24 =	vmul.f32 v20, v29  }
0x199: {  	[tilespmem:s16+$0xFFFFFF80] =	vst v7;
	v7 =	vmul.f32 v10, v19;
	v10 =	vmul.f32 v22, v18  }
0x19a: {  	[tilespmem:s16+$0xFFFFFF90] =	vst v1;
	v18 =	vmul.f32 v20, v34  }
0x19b: {  	v1 =	vmul.f32 v20, v32;
	[tilespmem:s16+$0xFFFFFFA0] =	vst v24;
	v7 =	vsub.f32 $1.500000000e+00, v7;
	v10 =	vsub.f32 $1.500000000e+00, v10  }
0x19c: {  	v26 =	vmul.f32 v20, v30;
	v24 =	vmul.f32 v20, v33;
	[tilespmem:s16+$0xFFFFFFB0] =	vst v18;
	v18 =	vmov s18  }
0x19d: {  	[tilespmem:s16+$0xFFFFFFC0] =	vst v1;
	v1 =	vmul.f32 v7, v19;
	v7 =	vsub.f32 v13, v18;
	v10 =	vmul.f32 v22, v10  }
0x19e: {  	[tilespmem:s16+$0xFFFFFFE0] =	vst v26;
	v13 =	vmul.f32 v20, v31;
	v2 =	vsub.f32 v2, v18  }
0x19f: {  	[tilespmem:s16+$0xFFFFFFD0] =	vst v24;
	v3 =	vsub.f32 v3, v18;
	v7 =	vmul.f32 v1, v7;
	v19 =	vmul.f32 v10, v25  }
0x1a0: {  	v4 =	vsub.f32 v4, v18;
	[tilespmem:s16+$0xFFFFFFF0] =	vst v13;
	v2 =	vmul.f32 v1, v2  }
0x1a1: {  	v5 =	vsub.f32 v5, v18;
	v3 =	vmul.f32 v1, v3;
	[tilespmem:s19+$0x70] =	vst v7;
	v7 =	vmul.f32 v19, v10  }
0x1a2: {  	v4 =	vmul.f32 v1, v4;
	[tilespmem:s19+$0x0] =	vst v2;
	v2 =	vsub.f32 v6, v18  }
0x1a3: {  	v5 =	vmul.f32 v1, v5;
	[tilespmem:s19+$0x10] =	vst v3;
	v3 =	vsub.f32 v21, v18;
	v6 =	vsub.f32 $1.500000000e+00, v7  }
0x1a4: {  	v13 =	vsub.f32 v23, v18;
	[tilespmem:s19+$0x20] =	vst v4;
	v2 =	vmul.f32 v1, v2;
	v7 =	vmov s10  }
0x1a5: {  	[tilespmem:s19+$0x30] =	vst v5;
	v3 =	vmul.f32 v1, v3;
	v4 =	vsub.f32 v8, v7;
	v5 =	vmul.f32 v6, v10  }
0x1a6: {  	v1 =	vmul.f32 v1, v13;
	[tilespmem:s19+$0x40] =	vst v2;
	v6 =	vsub.f32 v9, v7  }
0x1a7: {  	v2 =	vsub.f32 v12, v7;
	[tilespmem:s19+$0x50] =	vst v3;
	v3 =	vmul.f32 v5, v4  }
0x1a8: {  	[tilespmem:s19+$0x60] =	vst v1;
	v4 =	vsub.f32 v11, v7;
	v1 =	vmul.f32 v5, v6  }
0x1a9: {  	v6 =	vsub.f32 v17, v7;
	v2 =	vmul.f32 v5, v2;
	[tilespmem:s19+$0xFFFFFF80] =	vst v3  }
0x1aa: {  	v3 =	vsub.f32 v16, v7;
	v4 =	vmul.f32 v5, v4;
	[tilespmem:s19+$0xFFFFFF90] =	vst v1  }
0x1ab: {  	v1 =	vsub.f32 v14, v7;
	v6 =	vmul.f32 v5, v6;
	[tilespmem:s19+$0xFFFFFFA0] =	vst v2  }
0x1ac: {  	v2 =	vsub.f32 v15, v7;
	v3 =	vmul.f32 v5, v3;
	[tilespmem:s19+$0xFFFFFFB0] =	vst v4  }
0x1ad: {  	v1 =	vmul.f32 v5, v1;
	[tilespmem:s19+$0xFFFFFFC0] =	vst v6  }
0x1ae: {  	v2 =	vmul.f32 v5, v2;
	[tilespmem:s19+$0xFFFFFFD0] =	vst v3  }
0x1af: {  	[tilespmem:s19+$0xFFFFFFE0] =	vst v1  }
0x1b0: {  	p0 =	seq.s32 s12, $0x4E;
	[tilespmem:s19+$0xFFFFFFF0] =	vst v2  }
0x1b1: {  	[spmem:s3] =	stream.indirect.scatter.add.f32 [tilespmem:s26], [sflag:$0x3], $0x80, s22, s22, $0xb8;
	[tilespmem:$0x1E880] =	vst v63  }
0x1b2: {  	s10 =	simm.s32 @!p0 $0x3  }
0x1b3: {  	[spmem:s4] =	stream.indirect.scatter.add.f32 [tilespmem:s25], [sflag:$0x4], $0x10, s22, s22, $0xb8;
	[tilespmem:$0x1E880] =	vst v63  }
0x1b4: {  	_ =	swait.ge @!p0 [sflag:s10], $0x2000  }
0x1b5: {  	[sflag:s10] =	ssyncset.done @!p0 $0x0  }
0x1b6: {  	[sflag:s10] =	ssyncadd.s32 @!p0 $0xFFFFE000;
	s10 =	simm.s32 @!p0 $0x4  }
0x1b7: {  	s13 =	sadd.s32 @!p0 s13, s15;
	_ =	swait.ge @!p0 [sflag:s10], $0x400  }
0x1b8: {  	s13 =	sshrl.u32 @!p0 s13, $0x3;
	[sflag:s10] =	ssyncset.done @!p0 $0x0  }
0x1b9: {  	s16 =	simm.s32 @!p0 $0x0;
	[sflag:s10] =	ssyncadd.s32 @!p0 $0xFFFFFC00;
	s10 =	sadd.s32 @!p0 s1, s13  }
0x1ba: {  	[tilespmem:s16], [sflag:$0x9] =	stream.linear.gather @!p0 [hbm4b:s10+s16], $0x40, $0x38;
	[tilespmem:$0x1E880] =	vst v63  }
0x1bb: {  	s10 =	sadd.s32 @!p0 s8, s13;
	s13 =	simm.s32 @!p0 $0x40  }
0x1bc: {  	[tilespmem:s13], [sflag:$0xA] =	stream.linear.gather @!p0 [hbm4b:s10+s16], $0x40, $0x38;
	[tilespmem:$0x1E880] =	vst v63  }
0x1bd: {  	s10 =	simm.s32 @!p0 $0x9  }
0x1be: {  	_ =	swait.ge @!p0 [sflag:s10], $0x40  }
0x1bf: {  	[sflag:s10] =	ssyncset.done @!p0 $0x0  }
0x1c0: {  	[sflag:s10] =	ssyncadd.s32 @!p0 $0xFFFFFFC0;
	s10 =	simm.s32 @!p0 $0xA  }
0x1c1: {  	_ =	swait.ge @!p0 [sflag:s10], $0x40  }
0x1c2: {  	[sflag:s10] =	ssyncset.done @!p0 $0x0  }
0x1c3: {  	[sflag:s10] =	ssyncadd.s32 @!p0 $0xFFFFFFC0;
	s10 =	simm.s32 @!p0 $0x80  }
0x1c4: {  	[tilespmem:s10], [sflag:$0x1] =	stream.indirect.gather @!p0 [hbm4b:s6+s13], $0x80, s16, s13, $0xb8;
	[tilespmem:$0x1E880] =	vst v63  }
0x1c5: {  	s10 =	simm.s32 @!p0 $0x2080  }
0x1c6: {  	[tilespmem:s10], [sflag:$0x2] =	stream.indirect.gather @!p0 [hbm4b:s7+s13], $0x80, s13, s13, $0xb8;
	[tilespmem:$0x1E880] =	vst v63  }
0x1c7: {  	_ =	swait.ge [sflag:s9], $0x2000  }
0x1c8: {  	[sflag:s9] =	ssyncset.done $0x0  }
0x1c9: {  	[sflag:s9] =	ssyncadd.s32 $0xFFFFE000  }
0x1ca: {  	_ =	swait.ge [sflag:s11], $0x2000  }
0x1cb: {  	[sflag:s11] =	ssyncset.done $0x0  }
0x1cc: {  	s19 =	simm.s32 $0x4180;
	[sflag:s11] =	ssyncadd.s32 $0xFFFFE000  }
0x1cd: {  	s13 =	simm.s32 $0x6180;
	v1 =	vld [tilespmem:s19+$0x70]  }
0x1ce: {  	v2 =	vld [tilespmem:s13+$0x70]  }
0x1cf: {  	v4 =	vld [tilespmem:s19+$0x60]  }
0x1d0: {  	v5 =	vld [tilespmem:s13+$0x60]  }
0x1d1: {  	v6 =	vld [tilespmem:s19+$0x50]  }
0x1d2: {  	v7 =	vld [tilespmem:s13+$0x50]  }
0x1d3: {  	v8 =	vld [tilespmem:s19+$0x40]  }
0x1d4: {  	v9 =	vld [tilespmem:s13+$0x40]  }
0x1d5: {  	v10 =	vld [tilespmem:s19+$0x20]  }
0x1d6: {  	v11 =	vld [tilespmem:s19+$0x0]  }
0x1d7: {  	v12 =	vld [tilespmem:s13+$0x0]  }
0x1d8: {  	v13 =	vld [tilespmem:s19+$0x10]  }
0x1d9: {  	v14 =	vld [tilespmem:s13+$0x10]  }
0x1da: {  	v15 =	vld [tilespmem:s13+$0x20]  }
0x1db: {  	v16 =	vld [tilespmem:s19+$0x30]  }
0x1dc: {  	v17 =	vld [tilespmem:s13+$0x30];
	v3 =	vadd.f32 v2, v1  }
0x1dd: {  	v1 =	vadd.f32 v5, v4;
	v2 =	vadd.f32 v12, v11  }
0x1de: {  	v11 =	vadd.f32 v9, v8;
	v5 =	vadd.f32 v14, v13  }
0x1df: {  	v8 =	vadd.f32 v15, v10;
	v4 =	vmul.f32 v3, v3;
	v9 =	vmul.f32 v1, v1  }
0x1e0: {  	v12 =	vadd.f32 v7, v6;
	v10 =	vmul.f32 v2, v2;
	v6 =	vmul.f32 v11, v11  }
0x1e1: {  	v17 =	vadd.f32 v17, v16;
	v7 =	vmul.f32 v5, v5;
	v13 =	vmul.f32 v8, v8  }
0x1e2: {  	v14 =	vmul.f32 v12, v12;
	v10 =	vmul.f32 $7.135481390e-02, v10  }
0x1e3: {  	v15 =	vmul.f32 v17, v17;
	v7 =	vmul.f32 $7.135481390e-02, v7  }
0x1e4: {  	v13 =	vmul.f32 $7.135481390e-02, v13;
	v4 =	vmul.f32 $7.135481390e-02, v4;
	v10 =	vsub.f32 $-1.595769170e+00, v10  }
0x1e5: {  	v9 =	vmul.f32 $7.135481390e-02, v9;
	v15 =	vmul.f32 $7.135481390e-02, v15;
	v7 =	vsub.f32 $-1.595769170e+00, v7  }
0x1e6: {  	v6 =	vmul.f32 $7.135481390e-02, v6;
	v13 =	vsub.f32 $-1.595769170e+00, v13;
	v10 =	vmul.f32 v10, v2  }
0x1e7: {  	v14 =	vmul.f32 $7.135481390e-02, v14;
	v15 =	vsub.f32 $-1.595769170e+00, v15;
	v7 =	vmul.f32 v7, v5  }
0x1e8: {  	v13 =	vmul.f32 v13, v8;
	v10 =	vmul.f32 $1.442695020e+00, v10  }
0x1e9: {  	v18 =	vld [tilespmem:s19+$0xFFFFFF90];
	v6 =	vsub.f32 $-1.595769170e+00, v6;
	v15 =	vmul.f32 v15, v17;
	v7 =	vmul.f32 $1.442695020e+00, v7  }
0x1ea: {  	v19 =	vld [tilespmem:s19+$0xFFFFFF80];
	(erf) = vpow2.f32 v10;
	v10 =	vmul.f32 $1.442695020e+00, v13  }
0x1eb: {  	v16 =	vld [tilespmem:s13+$0xFFFFFF80];
	v6 =	vmul.f32 v6, v11;
	(erf) = vpow2.f32 v7  }
0x1ec: {  	v4 =	vsub.f32 $-1.595769170e+00, v4;
	v13 =	vld [tilespmem:s13+$0xFFFFFF90];
	(erf) = vpow2.f32 v10;
	v10 =	vmul.f32 $1.442695020e+00, v15  }
0x1ed: {  	v20 =	vld [tilespmem:s19+$0xFFFFFFA0];
	v6 =	vmul.f32 $1.442695020e+00, v6;
	v7 =	vsub.f32 $-1.595769170e+00, v14  }
0x1ee: {  	v9 =	vsub.f32 $-1.595769170e+00, v9;
	v21 =	vmul.f32 v4, v3;
	v14 =	vld [tilespmem:s13+$0xFFFFFFA0];
	(erf) = vpow2.f32 v10  }
0x1ef: {  	v22 =	vld [tilespmem:s13+$0xFFFFFFB0];
	v7 =	vmul.f32 v7, v12;
	(erf) = vpow2.f32 v6  }
0x1f0: {  	v9 =	vmul.f32 v9, v1;
	v10 =	vadd.f32 v16, v19;
	v16 =	vld [tilespmem:s13+$0xFFFFFFC0]  }
0x1f1: {  	v23 =	vmul.f32 $1.442695020e+00, v7;
	v7 =	vadd.f32 v13, v18;
	v6 =	vld [tilespmem:s19+$0xFFFFFFC0];
	v13 =	vmul.f32 $1.442695020e+00, v21  }
0x1f2: {  	v9 =	vmul.f32 $1.442695020e+00, v9;
	v15 =	vld [tilespmem:s19+$0xFFFFFFB0]  }
0x1f3: {  	v4 =	vadd.f32 v14, v20;
	(erf) = vpow2.f32 v23;
	v14 =	vpop (erf)  }
0x1f4: {  	v18 =	vmul.f32 v10, v10;
	v14 =	vadd.f32 $1.000000000e+00, v14;
	v19 =	vpop (erf);
	(erf) = vpow2.f32 v9  }
0x1f5: {  	v9 =	vmul.f32 v7, v7;
	v19 =	vadd.f32 $1.000000000e+00, v19;
	(erf) = vpow2.f32 v13;
	v13 =	vpop (erf)  }
0x1f6: {  	v6 =	vadd.f32 v16, v6;
	(erf) = vrcp.f32 v14;
	v14 =	vadd.f32 $1.000000000e+00, v13  }
0x1f7: {  	v13 =	vadd.f32 v22, v15;
	v15 =	vmul.f32 v4, v4;
	(erf) = vrcp.f32 v19;
	v16 =	vpop (erf)  }
0x1f8: {  	v9 =	vmul.f32 $7.135481390e-02, v9;
	(erf) = vrcp.f32 v14;
	v16 =	vadd.f32 $1.000000000e+00, v16;
	v21 =	vpop (erf)  }
0x1f9: {  	v18 =	vmul.f32 $7.135481390e-02, v18;
	v15 =	vmul.f32 $7.135481390e-02, v15;
	v21 =	vadd.f32 $1.000000000e+00, v21  }
0x1fa: {  	v9 =	vsub.f32 $-1.595769170e+00, v9  }
0x1fb: {  	v18 =	vsub.f32 $-1.595769170e+00, v18;
	v19 =	vld [tilespmem:s13+$0xFFFFFFD0];
	(erf) = vrcp.f32 v16;
	v15 =	vsub.f32 $-1.595769170e+00, v15  }
0x1fc: {  	v14 =	vld [tilespmem:s19+$0xFFFFFFD0];
	v9 =	vmul.f32 v9, v7;
	v16 =	vpop (erf)  }
0x1fd: {  	v18 =	vmul.f32 v18, v10;
	(erf) = vrcp.f32 v21;
	v16 =	vadd.f32 $1.000000000e+00, v16;
	v21 =	vpop (erf)  }
0x1fe: {  	v23 =	vld [tilespmem:s13+$0xFFFFFFE0];
	v20 =	vmul.f32 v13, v13;
	v27 =	vmul.f32 $1.442695020e+00, v9;
	v9 =	vadd.f32 $1.000000000e+00, v21;
	v21 =	vpop (erf)  }
0x1ff: {  	v22 =	vld [tilespmem:s19+$0xFFFFFFE0];
	v28 =	vmul.f32 v15, v4;
	v15 =	vpop (erf);
	(erf) = vrcp.f32 v16  }
0x200: {  	v24 =	vld [tilespmem:s19+$0xFFFFFFF0];
	v18 =	vmul.f32 $1.442695020e+00, v18;
	v29 =	vpop (erf);
	(erf) = vrcp.f32 v9;
	v9 =	vadd.f32 $1.000000000e+00, v21  }
0x201: {  	v26 =	vld [tilespmem:s13+$0xFFFFFFF0];
	v16 =	vadd.f32 v19, v14;
	v2 =	vmul.f32 v15, v2;
	v5 =	vmul.f32 v29, v5;
	v14 =	vpop (erf)  }
0x202: {  	(erf) = vpow2.f32 v18;
	v8 =	vmul.f32 v14, v8  }
0x203: {  	v18 =	vmul.f32 v2, v2;
	v19 =	vmul.f32 v5, v5  }
0x204: {  	v15 =	vadd.f32 v23, v22;
	(erf) = vrcp.f32 v9;
	v22 =	vadd.f32 v5, v2;
	v9 =	vpop (erf)  }
0x205: {  	v9 =	vmul.f32 v9, v17;
	v17 =	vadd.f32 v19, v18;
	v18 =	vmul.f32 v8, v8  }
0x206: {  	v25 =	vmul.f32 v6, v6;
	v20 =	vmul.f32 $7.135481390e-02, v20;
	v14 =	vadd.f32 v26, v24;
	v24 =	vpop (erf)  }
0x207: {  	v22 =	vadd.f32 v8, v22;
	v11 =	vmul.f32 v24, v11;
	v24 =	vmul.f32 v9, v9  }
0x208: {  	v20 =	vsub.f32 $-1.595769170e+00, v20;
	v17 =	vadd.f32 v18, v17  }
0x209: {  	v21 =	vmul.f32 $7.135481390e-02, v25;
	v23 =	vmul.f32 $1.442695020e+00, v28;
	v22 =	vadd.f32 v9, v22;
	v18 =	vpop (erf)  }
0x20a: {  	v18 =	vmul.f32 v18, v12;
	v12 =	vadd.f32 v24, v17;
	v17 =	vmul.f32 v11, v11  }
0x20b: {  	(erf) = vpow2.f32 v27;
	v19 =	vmul.f32 v16, v16;
	v22 =	vadd.f32 v11, v22;
	v24 =	vpop (erf)  }
0x20c: {  	v1 =	vmul.f32 v24, v1;
	v24 =	vpop (erf);
	v12 =	vadd.f32 v17, v12;
	v17 =	vmul.f32 v18, v18  }
0x20d: {  	v19 =	vmul.f32 $7.135481390e-02, v19;
	(erf) = vpow2.f32 v23;
	v22 =	vadd.f32 v18, v22;
	v23 =	vpop (erf)  }
0x20e: {  	v3 =	vmul.f32 v23, v3;
	v12 =	vadd.f32 v17, v12;
	v17 =	vmul.f32 v1, v1  }
0x20f: {  	v20 =	vmul.f32 v20, v13;
	v21 =	vsub.f32 $-1.595769170e+00, v21;
	v22 =	vadd.f32 v1, v22  }
0x210: {  	v19 =	vsub.f32 $-1.595769170e+00, v19;
	v12 =	vadd.f32 v17, v12;
	v17 =	vmul.f32 v3, v3  }
0x211: {  	v20 =	vmul.f32 $1.442695020e+00, v20;
	v25 =	vmul.f32 v15, v15;
	v22 =	vadd.f32 v3, v22  }
0x212: {  	v21 =	vmul.f32 v21, v6;
	v12 =	vadd.f32 v17, v12;
	v17 =	vmul.f32 v19, v16  }
0x213: {  	(erf) = vpow2.f32 v20;
	v23 =	vmul.f32 $7.135481390e-02, v25;
	(xrf2) =	vadd.scan.msk.f32 $0xffff, v22  }
0x214: {  	v25 =	vmul.f32 v14, v14;
	(xrf2) =	vadd.scan.msk.f32 $0xffff, v12;
	v12 =	vmul.f32 $1.442695020e+00, v17  }
0x215: {  	v21 =	vmul.f32 $1.442695020e+00, v21;
	v19 =	vsub.f32 $-1.595769170e+00, v23  }
0x216: {  	v20 =	vmul.f32 $7.135481390e-02, v25  }
0x217: {  	(erf) = vpow2.f32 v21;
	v17 =	vmul.f32 v19, v15  }
0x218: {  	v19 =	vsub.f32 $-1.595769170e+00, v20;
	v20 =	vadd.f32 $1.000000000e+00, v24;
	(erf) = vpow2.f32 v12;
	v12 =	vpop (erf)  }
0x219: {  	v12 =	vadd.f32 $1.000000000e+00, v12  }
0x21a: {  	v17 =	vmul.f32 $1.442695020e+00, v17  }
0x21b: {  	v19 =	vmul.f32 v19, v14;
	(erf) = vrcp.f32 v20  }
0x21c: {  	(erf) = vpow2.f32 v17;
	v20 =	vpop (erf)  }
0x21d: {  	v19 =	vmul.f32 $1.442695020e+00, v19;
	(erf) = vrcp.f32 v12;
	v12 =	vpop (erf)  }
0x21e: {  	v12 =	vadd.f32 $1.000000000e+00, v12  }
0x21f: {  	v17 =	vadd.f32 $1.000000000e+00, v20  }
0x220: {  	(erf) = vpow2.f32 v19  }
0x221: {  	(erf) = vrcp.f32 v17;
	v19 =	vpop (erf)  }
0x222: {  	(erf) = vrcp.f32 v12;
	v12 =	vpop (erf)  }
0x223: {  	v12 =	vadd.f32 $1.000000000e+00, v12  }
0x224: {  	v17, _, _ =	vpop (xrf2);
	v19 =	vadd.f32 $1.000000000e+00, v19  }
0x225: {  	(v2sf) =	vpush v17, $0xF;
	v17, _, _ =	vpop (xrf2)  }
0x226: {  	(v2sf) =	vpush v17, $0xF;
	(erf) = vrcp.f32 v19;
	v17 =	vpop (erf)  }
0x227: {  	(erf) = vrcp.f32 v12;
	v12 =	vpop (erf)  }
0x228: {  	v19 =	vmul.f32 v17, v10;
	v10 =	vadd.f32 $1.000000000e+00, v12;
	v12 =	vpop (erf)  }
0x229: {  	v12 =	vmul.f32 v12, v7;
	v7 =	vpop (erf)  }
0x22a: {  	v17 =	vmul.f32 v19, v19;
	v20 =	vpop (erf)  }
0x22b: {  	v21 =	vmul.f32 v12, v12;
	v22 =	vmul.f32 v20, v4;
	v23 =	vadd.f32 v12, v19  }
0x22c: {  	s10 =	simm.s32 $0x4280;
	v7 =	vadd.f32 $1.000000000e+00, v7;
	(erf) = vrcp.f32 v10;
	v20 =	vpop (erf)  }
0x22d: {  	s16 =	simm.s32 $0x6280;
	v30 =	vld [tilespmem:s10+$0x30];
	v20 =	vmul.f32 v20, v13;
	v13 =	vadd.f32 v21, v17;
	v21 =	vadd.f32 v22, v23  }
0x22e: {  	v46 =	vld [tilespmem:s16+$0x30];
	v17 =	vmul.f32 v22, v22  }
0x22f: {  	v47 =	vld [tilespmem:s16+$0x20];
	(erf) = vrcp.f32 v7;
	v23 =	vpop (erf)  }
0x230: {  	v48 =	vld [tilespmem:s16+$0x0];
	v25 =	vmul.f32 v20, v20;
	v24 =	vmul.f32 v23, v6;
	v6 =	vadd.f32 v17, v13  }
0x231: {  	v38 =	vld [tilespmem:s10+$0x10];
	v13 =	vadd.f32 v20, v21;
	v21 =	vpop (erf)  }
0x232: {  	v28 =	vld [tilespmem:s10+$0x50];
	v23 =	vmul.f32 v24, v24;
	v6 =	vadd.f32 v25, v6;
	v25 =	vmul.f32 v21, v16  }
0x233: {  	v27 =	vld [tilespmem:s16+$0x60]  }
0x234: {  	v10 =	vld [tilespmem:s10+$0x70];
	v21 =	vmul.f32 v25, v25  }
0x235: {  	s20 =	spop (v2sf);
	v17 =	vld [tilespmem:s16+$0x50];
	v13 =	vadd.f32 v24, v13  }
0x236: {  	v4 =	vld [tilespmem:s16+$0x70];
	s17 =	smul.f32 $7.812500000e-03, s20;
	s21 =	spop (v2sf);
	v6 =	vadd.f32 v23, v6;
	v23 =	vpop (erf)  }
0x237: {  	v7 =	vld [tilespmem:s10+$0x60];
	s18 =	smul.f32 $7.812500000e-03, s21;
	v13 =	vadd.f32 v25, v13;
	v26 =	vmul.f32 v23, v15  }
0x238: {  	v29 =	vld [tilespmem:s10+$0x40];
	s30 =	smul.f32 s17, s17;
	v6 =	vadd.f32 v21, v6;
	v21 =	vpop (erf)  }
0x239: {  	v16 =	vld [tilespmem:s16+$0x40];
	v13 =	vadd.f32 v26, v13;
	v23 =	vmul.f32 v26, v26;
	v31 =	vmul.f32 v21, v14  }
0x23a: {  	s18 =	ssub.f32 s18, s30;
	v15 =	vld [tilespmem:s10+$0x20];
	v21 =	vadd.f32 v17, v28  }
0x23b: {  	v14 =	vld [tilespmem:s10+$0x0];
	v49 =	vadd.f32 v23, v6;
	v50 =	vadd.f32 v31, v13  }
0x23c: {  	v39 =	vld [tilespmem:s16+$0x10];
	v6 =	vmov s18;
	v13 =	vadd.f32 v4, v10;
	v23 =	vadd.f32 v27, v7  }
0x23d: {  	v17 =	vld [tilespmem:s16+$0xFFFFFF90];
	v10 =	vmul.f32 v31, v31;
	v27 =	vadd.f32 v46, v30;
	v53 =	vmul.f32 v21, v21  }
0x23e: {  	v7 =	vld [tilespmem:s10+$0xFFFFFF90];
	v4 =	vadd.f32 $9.999999740e-06, v6;
	v6 =	vadd.f32 v16, v29;
	v30 =	vmul.f32 v23, v23  }
0x23f: {  	v42 =	vld [tilespmem:s10+$0xFFFFFFB0];
	v55 =	vmul.f32 v27, v27;
	v57 =	vadd.f32 v10, v49;
	v33 =	vmul.f32 $7.135481390e-02, v53  }
0x240: {  	v43 =	vld [tilespmem:s16+$0xFFFFFFB0];
	v16 =	vbroadcast v4, $0x0;
	v28 =	vadd.f32 v48, v14;
	v4 =	vadd.f32 v47, v15  }
0x241: {  	v51 =	vld [tilespmem:s16+$0xFFFFFF80];
	v14 =	vmul.f32 v13, v13;
	v52 =	vmul.f32 v6, v6;
	v33 =	vsub.f32 $-1.595769170e+00, v33  }
0x242: {  	v15 =	vld [tilespmem:s10+$0xFFFFFF80];
	v29 =	vshrl.u32 v16, $0x1;
	v16 =	vmul.f32 $5.000000000e-01, v16;
	v10 =	vmul.f32 v28, v28  }
0x243: {  	v58 =	vmul.f32 v4, v4;
	v35 =	vadd.f32 v17, v7;
	v14 =	vmul.f32 $7.135481390e-02, v14  }
0x244: {  	v32 =	vmul.f32 $7.135481390e-02, v52;
	v54 =	vsub.s32 $0x5F3759DF, v29;
	v29 =	vadd.f32 v39, v38  }
0x245: {  	v38 =	vmul.f32 $7.135481390e-02, v55;
	v33 =	vmul.f32 v33, v21;
	v39 =	vadd.f32 v43, v42  }
0x246: {  	v56 =	vmul.f32 v54, v16;
	v10 =	vmul.f32 $7.135481390e-02, v10;
	v14 =	vsub.f32 $-1.595769170e+00, v14  }
0x247: {  	v7 =	vmul.f32 v29, v29;
	v36 =	vadd.f32 v51, v15;
	v15 =	vmul.f32 $7.135481390e-02, v30  }
0x248: {  	v32 =	vsub.f32 $-1.595769170e+00, v32;
	v30 =	vmul.f32 $7.135481390e-02, v58;
	v33 =	vmul.f32 $1.442695020e+00, v33  }
0x249: {  	(xrf2) =	vadd.scan.msk.f32 $0xffff, v50;
	v38 =	vsub.f32 $-1.595769170e+00, v38;
	v50 =	vmul.f32 v39, v39;
	v17 =	vmul.f32 v54, v56  }
0x24a: {  	v10 =	vsub.f32 $-1.595769170e+00, v10;
	v32 =	vmul.f32 v32, v6;
	v7 =	vmul.f32 $7.135481390e-02, v7  }
0x24b: {  	v62 =	vmul.f32 v14, v13;
	v30 =	vsub.f32 $-1.595769170e+00, v30;
	v17 =	vsub.f32 $1.500000000e+00, v17  }
0x24c: {  	v59 =	vld [tilespmem:s10+$0xFFFFFFA0];
	v38 =	vmul.f32 v38, v27;
	v10 =	vmul.f32 v10, v28;
	v7 =	vsub.f32 $-1.595769170e+00, v7  }
0x24d: {  	v60 =	vld [tilespmem:s16+$0xFFFFFFA0];
	v30 =	vmul.f32 v30, v4;
	v17 =	vmul.f32 v54, v17  }
0x24e: {  	v10 =	vmul.f32 $1.442695020e+00, v10;
	v7 =	vmul.f32 v7, v29  }
0x24f: {  	v44 =	vld [tilespmem:s10+$0xFFFFFFC0];
	v15 =	vsub.f32 $-1.595769170e+00, v15;
	v61 =	vmul.f32 $1.442695020e+00, v38;
	v16 =	vmul.f32 v17, v16  }
0x250: {  	v45 =	vld [tilespmem:s16+$0xFFFFFFC0];
	(erf) = vpow2.f32 v10;
	v7 =	vmul.f32 $1.442695020e+00, v7  }
0x251: {  	v46 =	vld [tilespmem:s10+$0xFFFFFFD0];
	v15 =	vmul.f32 v15, v23;
	v16 =	vmul.f32 v16, v17  }
0x252: {  	v47 =	vld [tilespmem:s10+$0xFFFFFFE0];
	v38 =	vadd.f32 v60, v59;
	v30 =	vmul.f32 $1.442695020e+00, v30;
	(erf) = vpow2.f32 v7  }
0x253: {  	v32 =	vmul.f32 $1.442695020e+00, v32;
	v15 =	vmul.f32 $1.442695020e+00, v15;
	v7 =	vsub.f32 $1.500000000e+00, v16;
	v16 =	vld [tilespmem:s16+$0xFFFFFFD0]  }
0x254: {  	v49 =	vmul.f32 v38, v38;
	v10 =	vmov s17;
	(erf) = vpow2.f32 v30;
	v30 =	vld [tilespmem:s16+$0xFFFFFFE0]  }
0x255: {  	v3 =	vsub.f32 v3, v10;
	(erf) = vpow2.f32 v61;
	v7 =	vmul.f32 v7, v17  }
0x256: {  	(xrf2) =	vadd.scan.msk.f32 $0xffff, v57;
	v17 =	vadd.f32 v45, v44;
	(erf) = vpow2.f32 v32;
	v45 =	vmul.f32 v36, v36  }
0x257: {  	v63 =	vld [tilespmem:s16+$0xFFFFFFF0];
	(erf) = vpow2.f32 v33;
	v33 =	vmul.f32 $7.135481390e-02, v49  }
0x258: {  	v40 =	vmul.f32 v7, v3;
	v3 =	vld [tilespmem:s10+$0xFFFFFFF0];
	(erf) = vpow2.f32 v15  }
0x259: {  	v16 =	vadd.f32 v16, v46;
	v14 =	vadd.f32 v30, v47;
	v30 =	vmul.f32 $1.442695020e+00, v62;
	v46 =	vpop (erf)  }
0x25a: {  	v52, _, _ =	vpop (xrf2);
	v32 =	vmul.f32 $7.135481390e-02, v45;
	v55 =	vmul.f32 v17, v17;
	v34 =	vadd.f32 $1.000000000e+00, v46  }
0x25b: {  	(v2sf) =	vpush v52, $0xF;
	v47 =	vmul.f32 v35, v35;
	(erf) = vpow2.f32 v30;
	v48 =	vpop (erf)  }
0x25c: {  	v33 =	vsub.f32 $-1.595769170e+00, v33;
	(erf) = vrcp.f32 v34;
	v41 =	vadd.f32 $1.000000000e+00, v48  }
0x25d: {  	v32 =	vsub.f32 $-1.595769170e+00, v32;
	v30 =	vmul.f32 $7.135481390e-02, v47;
	v15 =	vadd.f32 v63, v3;
	v3 =	vpop (erf)  }
0x25e: {  	v33 =	vmul.f32 v33, v38;
	v3 =	vadd.f32 $1.000000000e+00, v3;
	(erf) = vrcp.f32 v41  }
0x25f: {  	v61 =	vmul.f32 v16, v16;
	v52 =	vmul.f32 v14, v14;
	v30 =	vsub.f32 $-1.595769170e+00, v30;
	v51 =	vpop (erf)  }
0x260: {  	v54, _, _ =	vpop (xrf2);
	v34 =	vmul.f32 $7.135481390e-02, v50;
	v37 =	vadd.f32 $1.000000000e+00, v51;
	(erf) = vrcp.f32 v3  }
0x261: {  	(v2sf) =	vpush v54, $0xF;
	v30 =	vmul.f32 v30, v35;
	v53 =	vpop (erf);
	v3 =	vmul.f32 v32, v36  }
0x262: {  	v51 =	vmul.f32 $7.135481390e-02, v61;
	v32 =	vadd.f32 $1.000000000e+00, v53;
	v56 =	vpop (erf);
	(erf) = vrcp.f32 v37  }
0x263: {  	v58 =	vpop (erf);
	v37 =	vmul.f32 $7.135481390e-02, v55;
	v57 =	vmul.f32 $1.442695020e+00, v3;
	v3 =	vadd.f32 $1.000000000e+00, v56  }
0x264: {  	v55 =	vmul.f32 v15, v15;
	(erf) = vrcp.f32 v32;
	v32 =	vadd.f32 $1.000000000e+00, v58;
	v59 =	vpop (erf)  }
0x265: {  	v30 =	vmul.f32 $1.442695020e+00, v30;
	v63 =	vsub.f32 $-1.595769170e+00, v37;
	v60 =	vpop (erf);
	(erf) = vrcp.f32 v3  }
0x266: {  	v62 =	vsub.f32 v2, v10;
	v56 =	vmul.f32 $7.135481390e-02, v55;
	(erf) = vrcp.f32 v32  }
0x267: {  	v2 =	vmul.f32 v60, v28;
	v28 =	vadd.f32 $1.000000000e+00, v59;
	v32 =	vmul.f32 v63, v17;
	v3 =	vpop (erf)  }
0x268: {  	(erf) = vpow2.f32 v57;
	v3 =	vmul.f32 v3, v29  }
0x269: {  	v49 =	vsub.f32 v5, v10;
	v43 =	vpop (erf);
	(erf) = vrcp.f32 v28;
	v28 =	vmul.f32 v2, v2  }
0x26a: {  	v34 =	vsub.f32 $-1.595769170e+00, v34;
	v4 =	vmul.f32 v43, v4;
	v47 =	vmul.f32 v3, v3  }
0x26b: {  	v32 =	vmul.f32 $1.442695020e+00, v32;
	v48 =	vpop (erf);
	(erf) = vpow2.f32 v30;
	v46 =	vadd.f32 v3, v2  }
0x26c: {  	v5 =	vmul.f32 v48, v27;
	v30 =	vmul.f32 v4, v4;
	v28 =	vadd.f32 v47, v28  }
0x26d: {  	v29 =	vmul.f32 $1.442695020e+00, v33;
	v33 =	vmul.f32 $7.135481390e-02, v52;
	v50 =	vpop (erf);
	v37 =	vadd.f32 v4, v46  }
0x26e: {  	v6 =	vmul.f32 v50, v6;
	v28 =	vadd.f32 v30, v28;
	v30 =	vmul.f32 v5, v5  }
0x26f: {  	v27 =	vmul.f32 v34, v39;
	v34 =	vsub.f32 $-1.595769170e+00, v51;
	v53 =	vpop (erf);
	v37 =	vadd.f32 v5, v37  }
0x270: {  	v21 =	vmul.f32 v53, v21;
	v28 =	vadd.f32 v30, v28;
	v30 =	vmul.f32 v6, v6  }
0x271: {  	v27 =	vmul.f32 $1.442695020e+00, v27;
	(erf) = vpow2.f32 v29;
	v29 =	vpop (erf);
	v37 =	vadd.f32 v6, v37  }
0x272: {  	v23 =	vmul.f32 v29, v23;
	v29 =	vpop (erf);
	v28 =	vadd.f32 v30, v28;
	v30 =	vmul.f32 v21, v21  }
0x273: {  	v33 =	vsub.f32 $-1.595769170e+00, v33;
	(erf) = vpow2.f32 v27;
	v54 =	vpop (erf);
	v37 =	vadd.f32 v21, v37  }
0x274: {  	v13 =	vmul.f32 v54, v13;
	v28 =	vadd.f32 v30, v28;
	v30 =	vmul.f32 v23, v23  }
0x275: {  	s20 =	spop (v2sf);
	v27 =	vmul.f32 v34, v16;
	(erf) = vpow2.f32 v32;
	v37 =	vadd.f32 v23, v37  }
0x276: {  	s10 =	smul.f32 $7.812500000e-03, s20;
	s21 =	spop (v2sf);
	v34 =	vsub.f32 $-1.595769170e+00, v56;
	v28 =	vadd.f32 v30, v28;
	v30 =	vmul.f32 v13, v13  }
0x277: {  	s17 =	smul.f32 $7.812500000e-03, s21;
	v27 =	vmul.f32 $1.442695020e+00, v27;
	v37 =	vadd.f32 v13, v37  }
0x278: {  	s30 =	smul.f32 s10, s10;
	v33 =	vmul.f32 v33, v14;
	v58 =	vmul.f32 v34, v15;
	v28 =	vadd.f32 v30, v28  }
0x279: {  	v29 =	vadd.f32 $1.000000000e+00, v29;
	(erf) = vpow2.f32 v27;
	(xrf2) =	vadd.scan.msk.f32 $0xffff, v37  }
0x27a: {  	s17 =	ssub.f32 s17, s30;
	v57 =	vpop (erf);
	v37 =	vsub.f32 v8, v10;
	v8 =	vmul.f32 $1.442695020e+00, v58;
	(xrf2) =	vadd.scan.msk.f32 $0xffff, v28;
	v28 =	vmul.f32 $1.442695020e+00, v33  }
0x27b: {  	v32 =	vadd.f32 $1.000000000e+00, v57;
	(erf) = vrcp.f32 v29  }
0x27c: {  	v60 =	vmov s10;
	v27 =	vmov s17;
	v30 =	vpop (erf);
	(erf) = vpow2.f32 v28  }
0x27d: {  	v59 =	vadd.f32 $9.999999740e-06, v27;
	v27 =	vsub.f32 v19, v60;
	v19 =	vpop (erf);
	(erf) = vrcp.f32 v32  }
0x27e: {  	(erf) = vpow2.f32 v8;
	v8 =	vpop (erf)  }
0x27f: {  	v61 =	vbroadcast v59, $0x0;
	v30 =	vadd.f32 $1.000000000e+00, v30;
	v8 =	vadd.f32 $1.000000000e+00, v8  }
0x280: {  	v28 =	vsub.f32 v12, v60;
	v12 =	vadd.f32 $1.000000000e+00, v19  }
0x281: {  	v41 =	vmul.f32 $5.000000000e-01, v61;
	v19 =	vshrl.u32 v61, $0x1;
	(erf) = vrcp.f32 v30  }
0x282: {  	(erf) = vrcp.f32 v12;
	v12 =	vsub.s32 $0x5F3759DF, v19  }
0x283: {  	v29 =	vsub.f32 v22, v60;
	v22 =	vmul.f32 v12, v41;
	(erf) = vrcp.f32 v8;
	v8 =	vpop (erf)  }
0x284: {  	v34 =	vsub.f32 v20, v60;
	v19, _, _ =	vpop (xrf2);
	v20 =	vadd.f32 $1.000000000e+00, v8  }
0x285: {  	v31 =	vsub.f32 v31, v60;
	(v2sf) =	vpush v19, $0xF;
	v19 =	vmul.f32 v12, v22  }
0x286: {  	v33 =	vsub.f32 v25, v60;
	v30 =	vsub.f32 v26, v60;
	v8, _, _ =	vpop (xrf2)  }
0x287: {  	v26 =	vmul.f32 v7, v62;
	v22 =	vpop (erf);
	(v2sf) =	vpush v8, $0xF;
	v25 =	vsub.f32 $1.500000000e+00, v19  }
0x288: {  	v32 =	vsub.f32 v24, v60;
	v8 =	vmul.f32 v22, v36;
	(erf) = vrcp.f32 v20;
	v20 =	vpop (erf)  }
0x289: {  	v62 =	vmul.f32 v7, v49;
	v25 =	vmul.f32 v12, v25;
	v20 =	vadd.f32 $1.000000000e+00, v20;
	v24 =	vpop (erf)  }
0x28a: {  	v22 =	vsub.f32 v9, v10;
	v19 =	vmul.f32 v8, v8;
	v9 =	vmul.f32 v24, v35;
	v63 =	vpop (erf)  }
0x28b: {  	[tilespmem:s13+$0x70] =	vst v40;
	v24 =	vsub.f32 v11, v10;
	v35 =	vadd.f32 $1.000000000e+00, v63;
	v11 =	vpop (erf);
	(erf) = vrcp.f32 v20  }
0x28c: {  	[tilespmem:s13+$0x0] =	vst v26;
	v20 =	vadd.f32 v9, v8;
	v40 =	vmul.f32 v9, v9;
	v12 =	vmul.f32 v11, v38;
	v11 =	vpop (erf)  }
0x28d: {  	s19 =	simm.s32 $0x2;
	s10 =	simm.s32 $0x4380;
	s17 =	simm.s32 $0x6280;
	[tilespmem:s13+$0x10] =	vst v62;
	v26 =	vsub.f32 v18, v10;
	v11 =	vmul.f32 v11, v39;
	(erf) = vrcp.f32 v35  }
.LBB2_7:
0x28e: {  	v35 =	vld [tilespmem:s10+$0x70];
	v36 =	vadd.f32 v40, v19;
	v20 =	vadd.f32 v12, v20;
	v38 =	vmul.f32 v12, v12;
	s16 =	sadd.s32 $0x100, s16;
	v18 =	vpop (erf)  }
0x28f: {  	v10 =	vsub.f32 v1, v10;
	v39 =	vld [tilespmem:s16+$0x70];
	v40 =	vmul.f32 v11, v11;
	v19 =	vmul.f32 v18, v17;
	v18 =	vmovc v21  }
0x290: {  	v1 =	vmovc v23;
	v17 =	vld [tilespmem:s10+$0x60];
	v21 =	vadd.f32 v38, v36;
	v20 =	vadd.f32 v11, v20;
	v36 =	vmul.f32 v25, v41  }
0x291: {  	v37 =	vmul.f32 v7, v37;
	v23 =	vld [tilespmem:s16+$0x60];
	v38 =	vmul.f32 v19, v19;
	v41 =	vpop (erf)  }
0x292: {  	v42 =	vld [tilespmem:s10+$0x50];
	v21 =	vadd.f32 v40, v21;
	v40 =	vadd.f32 v19, v20;
	v20 =	vmul.f32 v41, v16  }
0x293: {  	v36 =	vmul.f32 v36, v25;
	v16 =	vld [tilespmem:s16+$0x50];
	[tilespmem:s13+$0x20] =	vst v37;
	v37 =	vmul.f32 v7, v22  }
0x294: {  	v41 =	vld [tilespmem:s10+$0x40];
	v21 =	vadd.f32 v38, v21;
	v38 =	vadd.f32 v20, v40;
	v40 =	vmul.f32 v20, v20;
	v22 =	vpop (erf)  }
0x295: {  	v43 =	vld [tilespmem:s16+$0x40];
	v22 =	vmul.f32 v22, v14;
	s18 =	spop (v2sf);
	v14 =	vsub.f32 $1.500000000e+00, v36;
	[tilespmem:s13+$0x30] =	vst v37;
	v36 =	vmul.f32 v7, v24  }
0x296: {  	v26 =	vmul.f32 v7, v26;
	v7 =	vmul.f32 v7, v10;
	v37 =	vld [tilespmem:s10+$0x30];
	v21 =	vadd.f32 v40, v21;
	s20 =	smul.f32 $7.812500000e-03, s18;
	v24 =	vpop (erf);
	s18 =	spop (v2sf)  }
0x297: {  	v10 =	vld [tilespmem:s16+$0x30];
	v38 =	vadd.f32 v22, v38;
	v40 =	vmul.f32 v22, v22;
	v24 =	vmul.f32 v24, v15;
	s18 =	smul.f32 $7.812500000e-03, s18;
	[tilespmem:s13+$0x40] =	vst v36  }
0x298: {  	v14 =	vmul.f32 v14, v25;
	v15 =	vld [tilespmem:s10+$0x20];
	s21 =	smul.f32 s20, s20;
	[tilespmem:s13+$0x50] =	vst v26  }
0x299: {  	v25 =	vld [tilespmem:s16+$0x20];
	v21 =	vadd.f32 v40, v21;
	v26 =	vadd.f32 v24, v38;
	v36 =	vmul.f32 v24, v24;
	[tilespmem:s13+$0x60] =	vst v7  }
0x29a: {  	v27 =	vmul.f32 v14, v27;
	v28 =	vmul.f32 v14, v28;
	v7 =	vld [tilespmem:s10+$0x0];
	s18 =	ssub.f32 s18, s21  }
0x29b: {  	v34 =	vmul.f32 v14, v34;
	v38 =	vld [tilespmem:s16+$0x0];
	v36 =	vadd.f32 v36, v21;
	(xrf2) =	vadd.scan.msk.f32 $0xffff, v26;
	v26 =	vmul.f32 v14, v29  }
0x29c: {  	v32 =	vmul.f32 v14, v32;
	v33 =	vmul.f32 v14, v33;
	v40 =	vld [tilespmem:s16+$0xFFFFFF80];
	v21 =	vmov s18;
	[tilespmem:s13+$0xFFFFFF80] =	vst v27  }
0x29d: {  	v27 =	vadd.f32 v39, v35;
	v39 =	vmul.f32 v14, v30;
	v44 =	vld [tilespmem:s10+$0x10];
	v35 =	vadd.f32 $9.999999740e-06, v21;
	[tilespmem:s13+$0xFFFFFF90] =	vst v28  }
0x29e: {  	v23 =	vadd.f32 v23, v17;
	v14 =	vmul.f32 v14, v31;
	v21 =	vadd.f32 v16, v42;
	v45 =	vld [tilespmem:s16+$0x10];
	(xrf2) =	vadd.scan.msk.f32 $0xffff, v36  }
0x29f: {  	v29 =	vadd.f32 v10, v37;
	v28 =	vadd.f32 v43, v41;
	v16 =	vld [tilespmem:s10+$0xFFFFFF90];
	v10 =	vbroadcast v35, $0x0;
	[tilespmem:s13+$0xFFFFFFA0] =	vst v26  }
0x2a0: {  	s19 =	sadd.s32 $0x2, s19;
	v30 =	vadd.f32 v25, v15;
	v17 =	vld [tilespmem:s16+$0xFFFFFF90];
	v31 =	vadd.f32 v38, v7;
	v7 =	vmul.f32 v27, v27;
	[tilespmem:s13+$0xFFFFFFB0] =	vst v34  }
0x2a1: {  	p0 =	slt.u32 s19, $0x3E;
	v34 =	vmul.f32 v23, v23;
	v15 =	vld [tilespmem:s10+$0xFFFFFF80];
	v25 =	vshrl.u32 v10, $0x1;
	v10 =	vmul.f32 $5.000000000e-01, v10;
	[tilespmem:s13+$0xFFFFFFC0] =	vst v32  }
0x2a2: {  	v36 =	vmul.f32 v28, v28;
	v37 =	vmul.f32 v21, v21;
	v35 =	vld [tilespmem:s10+$0xFFFFFFA0];
	v38 =	vsub.s32 $0x5F3759DF, v25;
	[tilespmem:s13+$0xFFFFFFD0] =	vst v33  }
0x2a3: {  	v41 =	vmul.f32 v29, v29;
	v33 =	vld [tilespmem:s16+$0xFFFFFFA0];
	v32 =	vadd.f32 v45, v44;
	v26 =	vmul.f32 v38, v10;
	[tilespmem:s13+$0xFFFFFFE0] =	vst v39  }
0x2a4: {  	v43 =	vmul.f32 v30, v30;
	v42 =	vmul.f32 v31, v31;
	v39 =	vld [tilespmem:s10+$0xFFFFFFB0];
	[tilespmem:s13+$0xFFFFFFF0] =	vst v14;
	s13 =	smov.u32 s17;
	s17 =	smov.u32 s16  }
0x2a5: {  	v25 =	vadd.f32 v17, v16;
	v14 =	vld [tilespmem:s16+$0xFFFFFFB0];
	v16 =	vmul.f32 v32, v32;
	v17 =	vmul.f32 v38, v26;
	v44, _, _ =	vpop (xrf2)  }
0x2a6: {  	v7 =	vmul.f32 $7.135481390e-02, v7;
	v26 =	vadd.f32 v40, v15;
	v15 =	vld [tilespmem:s10+$0xFFFFFFC0];
	v40 =	vmul.f32 $7.135481390e-02, v42  }
0x2a7: {  	v34 =	vmul.f32 $7.135481390e-02, v34;
	v42 =	vld [tilespmem:s16+$0xFFFFFFC0];
	v16 =	vmul.f32 $7.135481390e-02, v16;
	v17 =	vsub.f32 $1.500000000e+00, v17  }
0x2a8: {  	v37 =	vmul.f32 $7.135481390e-02, v37;
	v43 =	vmul.f32 $7.135481390e-02, v43;
	v45 =	vld [tilespmem:s10+$0xFFFFFFD0];
	v40 =	vsub.f32 $-1.595769170e+00, v40;
	v46, _, _ =	vpop (xrf2)  }
0x2a9: {  	v36 =	vmul.f32 $7.135481390e-02, v36;
	v47 =	vld [tilespmem:s16+$0xFFFFFFD0];
	v16 =	vsub.f32 $-1.595769170e+00, v16;
	v17 =	vmul.f32 v38, v17  }
0x2aa: {  	v41 =	vmul.f32 $7.135481390e-02, v41;
	v43 =	vsub.f32 $-1.595769170e+00, v43;
	v38 =	vld [tilespmem:s10+$0xFFFFFFE0];
	v40 =	vmul.f32 v40, v31  }
0x2ab: {  	v49 =	vsub.f32 $-1.595769170e+00, v7;
	v48 =	vld [tilespmem:s16+$0xFFFFFFE0];
	v16 =	vmul.f32 v16, v32;
	v7 =	vmul.f32 v17, v10  }
0x2ac: {  	v41 =	vsub.f32 $-1.595769170e+00, v41;
	v50 =	vld [tilespmem:s10+$0xFFFFFFF0];
	v10 =	vmul.f32 $1.442695020e+00, v40;
	v40 =	vmul.f32 v43, v30  }
0x2ad: {  	v37 =	vsub.f32 $-1.595769170e+00, v37;
	v43 =	vld [tilespmem:s16+$0xFFFFFFF0];
	v16 =	vmul.f32 $1.442695020e+00, v16;
	v7 =	vmul.f32 v7, v17  }
0x2ae: {  	v36 =	vsub.f32 $-1.595769170e+00, v36;
	v41 =	vmul.f32 v41, v29;
	(erf) = vpow2.f32 v10  }
0x2af: {  	v40 =	vmul.f32 $1.442695020e+00, v40;
	(erf) = vpow2.f32 v16;
	v7 =	vsub.f32 $1.500000000e+00, v7  }
0x2b0: {  	v36 =	vmul.f32 v36, v28;
	v10 =	vmov s20;
	v16 =	vmul.f32 $1.442695020e+00, v41  }
0x2b1: {  	v13 =	vsub.f32 v13, v10;
	(erf) = vpow2.f32 v40;
	v7 =	vmul.f32 v7, v17  }
0x2b2: {  	v37 =	vmul.f32 v37, v21;
	v40 =	vmul.f32 $1.442695020e+00, v36;
	v17 =	vsub.f32 $-1.595769170e+00, v34  }
0x2b3: {  	v35 =	vadd.f32 v33, v35;
	(erf) = vpow2.f32 v16;
	v13 =	vmul.f32 v7, v13  }
0x2b4: {  	v33 =	vmul.f32 v49, v27;
	v36 =	vadd.f32 v14, v39;
	v14 =	vmul.f32 v17, v23  }
0x2b5: {  	v17 =	vadd.f32 v42, v15;
	v15 =	vmul.f32 $1.442695020e+00, v37;
	(erf) = vpow2.f32 v40;
	[tilespmem:s13+$0x70] =	vst v13  }
0x2b6: {  	v16 =	vadd.f32 v47, v45;
	v13 =	vmul.f32 v26, v26;
	v34 =	vmul.f32 $1.442695020e+00, v14  }
0x2b7: {  	v33 =	vmul.f32 $1.442695020e+00, v33;
	v14 =	vadd.f32 v48, v38;
	v37 =	vpop (erf);
	(erf) = vpow2.f32 v15  }
0x2b8: {  	v15 =	vmul.f32 v25, v25;
	v39 =	vadd.f32 $1.000000000e+00, v37;
	v38 =	vpop (erf);
	(erf) = vpow2.f32 v34  }
0x2b9: {  	v13 =	vmul.f32 $7.135481390e-02, v13;
	v34 =	vadd.f32 $1.000000000e+00, v38;
	(erf) = vpow2.f32 v33  }
0x2ba: {  	v33 =	vmul.f32 $7.135481390e-02, v15;
	v15 =	vadd.f32 v43, v50;
	(erf) = vrcp.f32 v39;
	v37 =	vpop (erf)  }
0x2bb: {  	v38 =	vmul.f32 v35, v35;
	v40 =	vadd.f32 $1.000000000e+00, v37;
	(erf) = vrcp.f32 v34  }
0x2bc: {  	v13 =	vsub.f32 $-1.595769170e+00, v13;
	v33 =	vsub.f32 $-1.595769170e+00, v33;
	v34 =	vmul.f32 v36, v36;
	v39 =	vpop (erf)  }
0x2bd: {  	v38 =	vmul.f32 $7.135481390e-02, v38;
	v39 =	vadd.f32 $1.000000000e+00, v39;
	(erf) = vrcp.f32 v40  }
0x2be: {  	v13 =	vmul.f32 v13, v26;
	v33 =	vmul.f32 v33, v25;
	v37 =	vpop (erf);
	(v2sf) =	vpush v44, $0xF  }
0x2bf: {  	v38 =	vsub.f32 $-1.595769170e+00, v38;
	v42 =	vadd.f32 $1.000000000e+00, v37;
	(erf) = vrcp.f32 v39  }
0x2c0: {  	v34 =	vmul.f32 $7.135481390e-02, v34;
	v39 =	vmul.f32 v17, v17;
	v40 =	vpop (erf);
	(v2sf) =	vpush v46, $0xF  }
0x2c1: {  	v13 =	vmul.f32 $1.442695020e+00, v13;
	v40 =	vadd.f32 $1.000000000e+00, v40;
	(erf) = vrcp.f32 v42;
	v37 =	vpop (erf)  }
0x2c2: {  	v33 =	vmul.f32 $1.442695020e+00, v33;
	v38 =	vmul.f32 v38, v35;
	v37 =	vadd.f32 $1.000000000e+00, v37;
	v41 =	vpop (erf)  }
0x2c3: {  	v34 =	vsub.f32 $-1.595769170e+00, v34;
	v39 =	vmul.f32 $7.135481390e-02, v39;
	v42 =	vpop (erf);
	(erf) = vrcp.f32 v40  }
0x2c4: {  	v43 =	vmul.f32 v16, v16;
	v40 =	vsub.f32 v2, v10;
	v44 =	vpop (erf);
	(erf) = vrcp.f32 v37  }
0x2c5: {  	v2 =	vmul.f32 v42, v31;
	v31 =	vmul.f32 v44, v32;
	v32 =	vadd.f32 $1.000000000e+00, v41  }
0x2c6: {  	v37 =	vmul.f32 $1.442695020e+00, v38;
	v41 =	vsub.f32 $-1.595769170e+00, v39;
	(erf) = vpow2.f32 v13;
	v13 =	vpop (erf)  }
0x2c7: {  	v38 =	vadd.f32 v31, v2;
	v30 =	vmul.f32 v13, v30;
	(erf) = vrcp.f32 v32  }
0x2c8: {  	v42 =	vsub.f32 v3, v10;
	v13 =	vmul.f32 v2, v2;
	v45 =	vmul.f32 v31, v31;
	v39 =	vpop (erf)  }
0x2c9: {  	v3 =	vmovc v31;
	v44 =	vadd.f32 v30, v38;
	v38 =	vmul.f32 v39, v29;
	(erf) = vpow2.f32 v33  }
0x2ca: {  	v29 =	vmul.f32 v34, v36;
	v13 =	vadd.f32 v45, v13;
	v31 =	vmul.f32 v30, v30;
	v32 =	vpop (erf)  }
0x2cb: {  	v33 =	vmul.f32 $7.135481390e-02, v43;
	v34 =	vadd.f32 v38, v44;
	v39 =	vmul.f32 v32, v28  }
0x2cc: {  	v28 =	vmul.f32 v14, v14;
	v13 =	vadd.f32 v31, v13;
	v31 =	vmul.f32 v38, v38;
	v32 =	vpop (erf)  }
0x2cd: {  	v34 =	vadd.f32 v39, v34;
	v21 =	vmul.f32 v32, v21;
	(erf) = vpow2.f32 v37;
	v32 =	vpop (erf);
	s18 =	spop (v2sf)  }
0x2ce: {  	v29 =	vmul.f32 $1.442695020e+00, v29;
	v43 =	vadd.f32 v31, v13;
	v31 =	vmul.f32 v39, v39;
	s18 =	smul.f32 $7.812500000e-03, s18  }
0x2cf: {  	v37 =	vmul.f32 v41, v17;
	v23 =	vmul.f32 v32, v23;
	v34 =	vadd.f32 v21, v34;
	v32 =	vpop (erf);
	s20 =	spop (v2sf)  }
0x2d0: {  	v33 =	vsub.f32 $-1.595769170e+00, v33;
	v31 =	vadd.f32 v31, v43;
	v41 =	vmul.f32 v21, v21;
	v13 =	vpop (erf);
	s20 =	smul.f32 $7.812500000e-03, s20  }
0x2d1: {  	v28 =	vmul.f32 $7.135481390e-02, v28;
	s21 =	smul.f32 s18, s18;
	v34 =	vadd.f32 v23, v34;
	v13 =	vmul.f32 v13, v27  }
0x2d2: {  	v27 =	vmul.f32 v15, v15;
	v31 =	vadd.f32 v41, v31;
	v41 =	vmul.f32 v23, v23;
	v43 =	vpop (erf)  }
0x2d3: {  	v37 =	vmul.f32 $1.442695020e+00, v37;
	s20 =	ssub.f32 s20, s21;
	v34 =	vadd.f32 v13, v34;
	(erf) = vpow2.f32 v29  }
0x2d4: {  	v29 =	vmul.f32 v33, v16;
	v31 =	vadd.f32 v41, v31;
	v41 =	vmul.f32 v13, v13  }
0x2d5: {  	v28 =	vsub.f32 $-1.595769170e+00, v28;
	v27 =	vmul.f32 $7.135481390e-02, v27;
	(erf) = vpow2.f32 v37;
	(xrf2) =	vadd.scan.msk.f32 $0xffff, v34  }
0x2d6: {  	v32 =	vadd.f32 $1.000000000e+00, v32;
	v29 =	vmul.f32 $1.442695020e+00, v29;
	v31 =	vadd.f32 v41, v31;
	v33 =	vpop (erf)  }
0x2d7: {  	v28 =	vmul.f32 v28, v14;
	v34 =	vadd.f32 $1.000000000e+00, v43;
	v27 =	vsub.f32 $-1.595769170e+00, v27  }
0x2d8: {  	v33 =	vadd.f32 $1.000000000e+00, v33;
	(erf) = vpow2.f32 v29;
	(xrf2) =	vadd.scan.msk.f32 $0xffff, v31;
	v29 =	vmov s20  }
0x2d9: {  	v28 =	vmul.f32 $1.442695020e+00, v28;
	v27 =	vmul.f32 v27, v15;
	v29 =	vadd.f32 $9.999999740e-06, v29  }
0x2da: {  	v37 =	vsub.f32 v4, v10;
	v4 =	vmovc v30;
	v31 =	vmov s18;
	(erf) = vrcp.f32 v32  }
0x2db: {  	v30 =	vmul.f32 $1.442695020e+00, v27;
	v27 =	vsub.f32 v8, v31;
	(erf) = vpow2.f32 v28  }
0x2dc: {  	v32 =	vbroadcast v29, $0x0;
	v28 =	vsub.f32 v9, v31;
	(erf) = vrcp.f32 v34;
	v8 =	vpop (erf)  }
0x2dd: {  	v29 =	vsub.f32 v12, v31;
	v34 =	vadd.f32 $1.000000000e+00, v8;
	(erf) = vpow2.f32 v30  }
0x2de: {  	v12 =	vshrl.u32 v32, $0x1;
	v41 =	vmul.f32 $5.000000000e-01, v32;
	(erf) = vrcp.f32 v33;
	v9 =	vpop (erf)  }
0x2df: {  	v12 =	vsub.s32 $0x5F3759DF, v12;
	v30 =	vadd.f32 $1.000000000e+00, v9;
	(erf) = vrcp.f32 v34;
	v8, _, _ =	vpop (xrf2)  }
0x2e0: {  	v32 =	vsub.f32 v19, v31;
	v43 =	vmul.f32 v12, v41;
	v34 =	vsub.f32 v11, v31  }
0x2e1: {  	v33 =	vsub.f32 v20, v31;
	(erf) = vrcp.f32 v30;
	v9 =	vpop (erf);
	v30 =	vsub.f32 v22, v31  }
0x2e2: {  	v11 =	vmul.f32 v12, v43;
	v22 =	vadd.f32 $1.000000000e+00, v9;
	(v2sf) =	vpush v8, $0xF;
	v8, _, _ =	vpop (xrf2)  }
0x2e3: {  	v20 =	vmul.f32 v7, v40;
	v31 =	vsub.f32 v24, v31;
	v19 =	vpop (erf);
	(v2sf) =	vpush v8, $0xF  }
0x2e4: {  	v11 =	vsub.f32 $1.500000000e+00, v11;
	v8 =	vmul.f32 v19, v26;
	(erf) = vrcp.f32 v22;
	v9 =	vpop (erf)  }
.Ltmp2:
0x2e5: {  	v22 =	vsub.f32 v5, v10;
	v26 =	vadd.f32 $1.000000000e+00, v9;
	v9 =	vpop (erf);
	[tilespmem:s13+$0x0] =	vst v20;
	v20 =	vmul.f32 v7, v42;
	(pc) =	sbr.rel @p0 .LBB2_7-.Ltmp2, $4  }
0x2e6: {  	v24 =	vsub.f32 v6, v10;
	v19 =	vmul.f32 v8, v8;
	v9 =	vmul.f32 v9, v25;
	v5 =	vpop (erf)  }
0x2e7: {  	v25 =	vmul.f32 v12, v11;
	v42 =	vadd.f32 $1.000000000e+00, v5;
	v6 =	vpop (erf);
	(erf) = vrcp.f32 v26;
	[tilespmem:s13+$0x10] =	vst v20  }
0x2e8: {  	v20 =	vadd.f32 v9, v8;
	v40 =	vmul.f32 v9, v9;
	v12 =	vmul.f32 v6, v35;
	v6 =	vpop (erf)  }
0x2e9: {  	s10 =	sadd.s32 $0x100, s10;
	v26 =	vsub.f32 v18, v10;
	v5 =	vmovc v38;
	v11 =	vmul.f32 v6, v36;
	(erf) = vrcp.f32 v42;
	v6 =	vmovc v39  }
0x2ea: {  	_ = 	snop  }
0x2eb: {  	v18 =	vadd.f32 v40, v19;
	v50 =	vmul.f32 v12, v12  }
0x2ec: {  	v20 =	vadd.f32 v12, v20;
	v35 =	vpop (erf)  }
0x2ed: {  	v36 =	vmul.f32 v11, v11;
	v17 =	vmul.f32 v35, v17;
	v18 =	vadd.f32 v50, v18  }
0x2ee: {  	v51 =	vadd.f32 v11, v20;
	v52 =	vpop (erf)  }
0x2ef: {  	v35 =	vmul.f32 v17, v17;
	v18 =	vadd.f32 v36, v18;
	v16 =	vmul.f32 v52, v16  }
0x2f0: {  	v19 =	vadd.f32 v17, v51;
	v53 =	vpop (erf)  }
0x2f1: {  	v18 =	vadd.f32 v35, v18;
	v54 =	vmul.f32 v16, v16;
	v14 =	vmul.f32 v53, v14  }
0x2f2: {  	v19 =	vadd.f32 v16, v19;
	v55 =	vpop (erf)  }
0x2f3: {  	v18 =	vadd.f32 v54, v18;
	v56 =	vmul.f32 v14, v14;
	v15 =	vmul.f32 v55, v15  }
0x2f4: {  	v19 =	vadd.f32 v14, v19  }
0x2f5: {  	v18 =	vadd.f32 v56, v18;
	v20 =	vmul.f32 v15, v15  }
0x2f6: {  	v19 =	vadd.f32 v15, v19  }
0x2f7: {  	v18 =	vadd.f32 v20, v18  }
0x2f8: {  	(xrf2) =	vadd.scan.msk.f32 $0xffff, v19  }
0x2f9: {  	(xrf2) =	vadd.scan.msk.f32 $0xffff, v18;
	_ =	sdelay $0x8  }
0x2fa: {  	v57, _, _ =	vpop (xrf2)  }
0x2fb: {  	(v2sf) =	vpush v57, $0xF;
	v58, _, _ =	vpop (xrf2)  }
0x2fc: {  	(v2sf) =	vpush v58, $0xF;
	_ =	sdelay $0x5  }
0x2fd: {  	s10 =	spop (v2sf)  }
0x2fe: {  	s16 =	spop (v2sf);
	s18 =	smul.f32 $7.812500000e-03, s10  }
0x2ff: {  	s19 =	smul.f32 $7.812500000e-03, s16  }
0x300: {  	s20 =	smul.f32 s18, s18;
	_ =	sdelay $0x1  }
0x301: {  	s10 =	ssub.f32 s19, s20;
	_ =	sdelay $0x1  }
0x302: {  	v59 =	vmov s10  }
0x303: {  	v18 =	vadd.f32 $9.999999740e-06, v59;
	s21 =	spop (v2sf)  }
0x304: {  	s10 =	smul.f32 $7.812500000e-03, s21;
	s30 =	spop (v2sf)  }
0x305: {  	v18 =	vbroadcast v18, $0x0;
	s16 =	smul.f32 $7.812500000e-03, s30  }
0x306: {  	s19 =	smul.f32 s10, s10  }
0x307: {  	v60 =	vshrl.u32 v18, $0x1;
	v18 =	vmul.f32 $5.000000000e-01, v18  }
0x308: {  	v61 =	vmul.f32 v25, v41;
	v19 =	vsub.s32 $0x5F3759DF, v60;
	s16 =	ssub.f32 s16, s19  }
0x309: {  	v62 =	vmul.f32 v19, v18  }
0x30a: {  	v20 =	vmul.f32 v61, v25;
	v63 =	vmov s16  }
0x30b: {  	v35 =	vmul.f32 v19, v62;
	v36 =	vadd.f32 $9.999999740e-06, v63  }
0x30c: {  	v37 =	vmul.f32 v7, v37;
	v22 =	vmul.f32 v7, v22;
	v20 =	vsub.f32 $1.500000000e+00, v20  }
0x30d: {  	v24 =	vmul.f32 v7, v24;
	v35 =	vsub.f32 $1.500000000e+00, v35;
	v36 =	vbroadcast v36, $0x0  }
0x30e: {  	v1 =	vsub.f32 v1, v10;
	v39 =	vmul.f32 v7, v26;
	[tilespmem:s13+$0x20] =	vst v37;
	v20 =	vmul.f32 v20, v25  }
0x30f: {  	[tilespmem:s13+$0x30] =	vst v22;
	v19 =	vmul.f32 v19, v35;
	v40 =	vshrl.u32 v36, $0x1;
	v41 =	vmul.f32 $5.000000000e-01, v36  }
0x310: {  	v1 =	vmul.f32 v7, v1;
	[tilespmem:s13+$0x40] =	vst v24;
	v42 =	vmul.f32 v20, v27;
	v22 =	vsub.s32 $0x5F3759DF, v40  }
0x311: {  	[tilespmem:s13+$0x50] =	vst v39;
	v43 =	vmul.f32 v19, v18;
	v44 =	vmul.f32 v22, v41  }
0x312: {  	[tilespmem:s13+$0x60] =	vst v1;
	v1 =	vmul.f32 v20, v28;
	v45 =	vmul.f32 v20, v29  }
0x313: {  	[tilespmem:s13+$0xFFFFFF80] =	vst v42;
	v46 =	vmul.f32 v43, v19;
	v47 =	vmul.f32 v22, v44  }
0x314: {  	v48 =	vmul.f32 v20, v34;
	[tilespmem:s13+$0xFFFFFF90] =	vst v1  }
0x315: {  	v1 =	vmul.f32 v20, v32;
	[tilespmem:s13+$0xFFFFFFA0] =	vst v45;
	v7 =	vsub.f32 $1.500000000e+00, v46;
	v10 =	vsub.f32 $1.500000000e+00, v47  }
0x316: {  	v51 =	vmov s18;
	v49 =	vmul.f32 v20, v33;
	v50 =	vmul.f32 v20, v30;
	[tilespmem:s13+$0xFFFFFFB0] =	vst v48  }
0x317: {  	v52 =	vsub.f32 v13, v51;
	[tilespmem:s13+$0xFFFFFFC0] =	vst v1;
	v1 =	vmul.f32 v7, v19;
	v10 =	vmul.f32 v22, v10  }
0x318: {  	v2 =	vsub.f32 v2, v51;
	v53 =	vmul.f32 v20, v31;
	[tilespmem:s13+$0xFFFFFFD0] =	vst v49  }
0x319: {  	v3 =	vsub.f32 v3, v51;
	[tilespmem:s13+$0xFFFFFFE0] =	vst v50;
	v7 =	vmul.f32 v1, v52;
	v54 =	vmul.f32 v10, v41  }
0x31a: {  	v4 =	vsub.f32 v4, v51;
	[tilespmem:s13+$0xFFFFFFF0] =	vst v53;
	v2 =	vmul.f32 v1, v2  }
0x31b: {  	v5 =	vsub.f32 v5, v51;
	v3 =	vmul.f32 v1, v3;
	[tilespmem:s17+$0x70] =	vst v7;
	v55 =	vmul.f32 v54, v10  }
0x31c: {  	v4 =	vmul.f32 v1, v4;
	[tilespmem:s17+$0x0] =	vst v2;
	v2 =	vsub.f32 v6, v51  }
0x31d: {  	v5 =	vmul.f32 v1, v5;
	[tilespmem:s17+$0x10] =	vst v3;
	v3 =	vsub.f32 v21, v51;
	v56 =	vsub.f32 $1.500000000e+00, v55  }
0x31e: {  	v58 =	vsub.f32 v23, v51;
	[tilespmem:s17+$0x20] =	vst v4;
	v2 =	vmul.f32 v1, v2;
	v57 =	vmov s10  }
0x31f: {  	[tilespmem:s17+$0x30] =	vst v5;
	v3 =	vmul.f32 v1, v3;
	v59 =	vsub.f32 v8, v57;
	v60 =	vmul.f32 v56, v10  }
0x320: {  	v1 =	vmul.f32 v1, v58;
	v61 =	vsub.f32 v9, v57;
	[tilespmem:s17+$0x40] =	vst v2  }
0x321: {  	v2 =	vsub.f32 v12, v57;
	[tilespmem:s17+$0x50] =	vst v3;
	v3 =	vmul.f32 v60, v59  }
0x322: {  	v62 =	vsub.f32 v11, v57;
	[tilespmem:s17+$0x60] =	vst v1;
	v1 =	vmul.f32 v60, v61  }
0x323: {  	v63 =	vsub.f32 v17, v57;
	v2 =	vmul.f32 v60, v2;
	[tilespmem:s17+$0xFFFFFF80] =	vst v3  }
0x324: {  	v4 =	vmul.f32 v60, v62;
	v3 =	vsub.f32 v16, v57;
	[tilespmem:s17+$0xFFFFFF90] =	vst v1  }
0x325: {  	v6 =	vmul.f32 v60, v63;
	v1 =	vsub.f32 v14, v57;
	[tilespmem:s17+$0xFFFFFFA0] =	vst v2  }
0x326: {  	v2 =	vsub.f32 v15, v57;
	[tilespmem:s17+$0xFFFFFFB0] =	vst v4;
	v3 =	vmul.f32 v60, v3  }
0x327: {  	s12 =	sadd.s32 $0x1, s12;
	[tilespmem:s17+$0xFFFFFFC0] =	vst v6;
	v1 =	vmul.f32 v60, v1  }
0x328: {  	p0 =	sne.s32 s12, $0x4F;
	v2 =	vmul.f32 v60, v2;
	[tilespmem:s17+$0xFFFFFFD0] =	vst v3  }
.Ltmp3:
0x329: {  	[tilespmem:s17+$0xFFFFFFE0] =	vst v1;
	(pc) =	sbr.rel @p0 .LBB2_4-.Ltmp3, $4  }
0x32a: {  	[tilespmem:s17+$0xFFFFFFF0] =	vst v2  }
0x32b: {  	[spmem:s3] =	stream.indirect.scatter.add.f32 [tilespmem:s31], [sflag:$0x7], $0x80, s29, s22, $0xb8;
	[tilespmem:$0x1E880] =	vst v63  }
0x32c: {  	_ = 	snop  }
0x32d: {  	[spmem:s4] =	stream.indirect.scatter.add.f32 [tilespmem:s25], [sflag:$0x8], $0x10, s29, s22, $0xb8;
	[tilespmem:$0x1E880] =	vst v63  }
0x32e: {  	s10 =	simm.s32 $0x3  }
0x32f: {  	_ =	swait.ge [sflag:s10], $0x2000  }
0x330: {  	[sflag:s10] =	ssyncset.done $0x0  }
0x331: {  	s17 =	simm.s32 $0x4;
	[sflag:s10] =	ssyncadd.s32 $0xFFFFE000  }
0x332: {  	_ =	swait.ge [sflag:s17], $0x400  }
0x333: {  	[sflag:s17] =	ssyncset.done $0x0  }
0x334: {  	s18 =	simm.s32 $0x7;
	[sflag:s17] =	ssyncadd.s32 $0xFFFFFC00  }
0x335: {  	_ =	swait.ge [sflag:s18], $0x2000  }
0x336: {  	[sflag:s18] =	ssyncset.done $0x0  }
0x337: {  	s19 =	simm.s32 $0x8;
	[sflag:s18] =	ssyncadd.s32 $0xFFFFE000  }
0x338: {  	_ =	swait.ge [sflag:s19], $0x400  }
0x339: {  	[sflag:s19] =	ssyncset.done $0x0  }
0x33a: {  	[sflag:s19] =	ssyncadd.s32 $0xFFFFFC00  }
0x33b: {  	[bflag:$0x0] =	sbarrier.arrive $0xFFFF  }
0x33c: {  	s17 =	rddreg [dreg:$0x6]  }
0x33d: {  	s20 =	rddreg [dreg:$0xa]  }
0x33e: {  	s13 =	simm.s32 $0xB;
	s12 =	rddreg [dreg:$0xd]  }
0x33f: {  	[hbm:s20], [sflag:s17] =	dma.local [spmem:s12], $0x2780  }
0x340: {  	_ =	swait.ge [sflag:s13], $0x2780  }
0x341: {  	[sflag:s13] =	ssyncset.done $0x0;
	s21 =	rddreg [dreg:$0xb]  }
0x342: {  	s16 =	rddreg [dreg:$0xe];
	[sflag:s13] =	ssyncadd.s32 $0xFFFFD880  }
0x343: {  	[hbm:s21], [sflag:s17] =	dma.local [spmem:s16], $0x4F0  }
0x344: {  	_ =	swait.ge [sflag:s13], $0x4F0  }
0x345: {  	s18 =	rddreg [dreg:$0xf]  }
0x346: {  	s30 =	rddreg [dreg:$0xc];
	s18 =	sadd.s32 $0x1, s18  }
0x347: {  	p0 =	sne.s32 s18, s30  }
.Ltmp4:
0x348: {  	_ = 	snop;
	(pc) =	sbr.rel @p0 .LBB2_1-.Ltmp4, $3  }
0x349: {  	_ =	sdelay $0x1  }
0x34a: {  	[sflag:s13] =	ssyncset.done $0x0  }
0x34b: {  	[sflag:s13] =	ssyncadd.s32 $0xFFFFFB10  }
0x34c: {  	_ =	sfence.sel $0x180000  }
0x34d: {  	[bflag:$0x0] =	sbarrier.arrive $0xFFFF  }
0x34e: {  	_ =	strace $0x90000047  }
0x34f: {  	s0 =	stileid.u32;
	[bflag:$0x2] =	sbarrier.arrive $0xFFFF  }
0x350: {  	p0 =	sne.s32 s0, $0x0;
	s0 =	rddreg [dreg:$0x4]  }
0x351: {  	s0 =	sadd.s32 @!p0 $0x100000, s0  }
0x352: {  	[sflag:s0] =	ssyncadd.tile.s32 @!p0 $0x1;
	_ =	shalt  }
.Lfunc_end2:
_tile_overlayer_lowered:
.L_overlay_start_2:
0x353: {  	(tag) =	ssettag $0x2  }
0x354: {  	s0 =	rddreg [dreg:$0x0];
	s2 =	stileid.u32  }
0x355: {  	s1 =	rddreg [dreg:$0x1];
	p0 =	sne.s32 s2, $0x0  }
0x356: {  	s3 =	rddreg [dreg:$0x2];
	[bflag:$0x3] =	sbarrier.arrive $0xFFFF;
	s2 =	simm.s32 @!p0 $0x1C0B  }
0x357: {  	[timem:s3], [sflag:s2] =	dma.local @!p0 [hbm:s0], s1  }
0x358: {  	s0 =	simm.s32 @!p0 $0xB  }
0x359: {  	_ =	swait.ge @!p0 [sflag:s0], s1  }
0x35a: {  	s1 =	ssub.s32 @!p0 $0x0, s1;
	[sflag:s0] =	ssyncset.done @!p0 $0x0  }
0x35b: {  	[sflag:s0] =	ssyncadd.s32 @!p0 s1  }
0x35c: {  	[bflag:$0x3] =	sbarrier.arrive $0xFFFF  }
0x35d: {  	_ =	shalt  }

</sc_bundles>
